<compile_context>
chip_gen: v7x
topology: tpu7x:2x2x1
jax: 0.10.2.dev20260603
libtpu: 0.0.44.dev20260713+nightly
codegen_flags: <defaults>
</compile_context>

<pallas_src>
import functools

import jax
import jax.numpy as jnp
from jax import lax
from jax.experimental import pallas as pl
from jax.experimental.pallas import tpu as pltpu
from jax.experimental.pallas import tpu_sc as plsc

CLS_N = 100000
FEAT_N = 64
BATCH_N = 16384

NC = 2
NS = 16
LANES = 16
NW = NC * NS
BPW = BATCH_N // NW
YS_ROWS = BATCH_N // 128
ROWS_PER_TILE = YS_ROWS // NW
ROWS_PER_SUB = YS_ROWS // NS
HIST_PER_SUB = 6272
V_PAD = NS * HIST_PER_SUB

_MESH = plsc.VectorSubcoreMesh(core_axis_name="c", subcore_axis_name="s")
_CP = pltpu.CompilerParams(use_tc_tiling_on_sc=True)


def _sc_gather_and_count(ys2, center):

  @functools.partial(
      pl.kernel,
      out_type=[
          jax.ShapeDtypeStruct((BATCH_N, FEAT_N), jnp.float32),
          jax.ShapeDtypeStruct((BATCH_N,), jnp.float32),
      ],
      mesh=_MESH,
      compiler_params=_CP,
      scratch_types=[
          pltpu.VMEM((ROWS_PER_TILE, 128), jnp.int32),
          pltpu.VMEM((ROWS_PER_SUB, 128), jnp.int32),
          pltpu.VMEM((BPW, FEAT_N), jnp.float32),
          pltpu.VMEM((BPW,), jnp.float32),
          pltpu.VMEM((128,), jnp.float32),
          pltpu.VMEM((HIST_PER_SUB,), jnp.float32),
          pltpu.VMEM_SHARED((V_PAD,), jnp.float32),
          pltpu.SemaphoreType.DMA,
          pltpu.SemaphoreType.DMA,
      ],
  )
  def sc_kernel(ys_hbm, center_hbm, out_g, out_c,
                idx_v, hidx_v, rows_v, cnt_v, ones_v, zeros_v, hist, gsem,
                hsem):
    cid = lax.axis_index("c")
    sid = lax.axis_index("s")
    wid = sid * NC + cid

    pltpu.sync_copy(ys_hbm.at[pl.ds(wid * ROWS_PER_TILE, ROWS_PER_TILE)],
                    idx_v)

    for r in range(ROWS_PER_TILE):
      @pl.loop(0, 128, step=LANES)
      def _(j, r=r):
        v = idx_v[r, pl.ds(j, LANES)]
        for k in range(LANES):
          y = v[k]
          pltpu.async_copy(center_hbm.at[pl.ds(y, 1)],
                           rows_v.at[pl.ds(r * 128 + j + k, 1)], gsem)

    pltpu.sync_copy(ys_hbm.at[pl.ds(sid * ROWS_PER_SUB, ROWS_PER_SUB)],
                    hidx_v)

    @pl.loop(0, 128, step=LANES)
    def _(i):
      ones_v[pl.ds(i, LANES)] = jnp.ones((LANES,), jnp.float32)

    @pl.loop(0, HIST_PER_SUB, step=LANES)
    def _(i):
      zeros_v[pl.ds(i, LANES)] = jnp.zeros((LANES,), jnp.float32)

    pltpu.sync_copy(zeros_v, hist.at[pl.ds(sid * HIST_PER_SUB, HIST_PER_SUB)])
    plsc.subcore_barrier()

    hadds = [pltpu.async_copy(ones_v, hist.at[hidx_v.at[c]], hsem, add=True)
             for c in range(ROWS_PER_SUB)]
    for cp in hadds:
      cp.wait()
    plsc.subcore_barrier()

    cgets = [pltpu.async_copy(hist.at[idx_v.at[c]],
                              cnt_v.at[pl.ds(c * 128, 128)], hsem)
             for c in range(ROWS_PER_TILE)]
    for cp in cgets:
      cp.wait()

    pltpu.make_async_copy(center_hbm.at[pl.ds(0, BPW)], rows_v, gsem).wait()

    pltpu.sync_copy(rows_v, out_g.at[pl.ds(wid * BPW, BPW)])
    pltpu.sync_copy(cnt_v, out_c.at[pl.ds(wid * BPW, BPW)])

  return sc_kernel(ys2, center)


_TC_BLK = 4096


def _tc_loss(xs, g, cnt):

  def body(xs_ref, g_ref, cnt_ref, out_ref):
    x = xs_ref[...]
    n2 = jnp.sum(x * x, axis=1, keepdims=True)
    xn = x / jnp.maximum(jnp.sqrt(n2), 1e-12)
    d = xn - g_ref[...]
    ssq = jnp.sum(d * d, axis=1, keepdims=True)
    c = cnt_ref[...].reshape(_TC_BLK, 1)
    s = jnp.sum(ssq / c)

    @pl.when(pl.program_id(0) == 0)
    def _():
      out_ref[...] = jnp.zeros_like(out_ref)

    out_ref[...] += s

  out = pl.pallas_call(
      body,
      grid=(BATCH_N // _TC_BLK,),
      in_specs=[
          pl.BlockSpec((_TC_BLK, FEAT_N), lambda i: (i, 0)),
          pl.BlockSpec((_TC_BLK, FEAT_N), lambda i: (i, 0)),
          pl.BlockSpec((_TC_BLK,), lambda i: (i,)),
      ],
      out_specs=pl.BlockSpec((1, 1), lambda i: (0, 0)),
      out_shape=jax.ShapeDtypeStruct((1, 1), jnp.float32),
  )(xs, g, cnt)
  return out[0, 0]


@jax.jit
def kernel(xs, ys, center):
  ys2 = ys.astype(jnp.int32).reshape(YS_ROWS, 128)
  g, cnt = _sc_gather_and_count(ys2, center)
  return _tc_loss(xs, g, cnt)

# --- scband reference (transcript-rebuilt; emitter-appended) ---
"""Pipeline reference for scband-center-loss-6107443495005 (READ-ONLY COPY).

The authoritative reference and input builder live on the scoring server;
editing this copy changes nothing except your own understanding.
"""

import jax, jax.numpy as jnp
import numpy as np

CLS_NUM = 100000
FEAT = 64
BATCH = 16384

def setup_inputs(seed: int = 0) -> dict:
    key = jax.random.key(seed)
    k1, k2, k3 = jax.random.split(key, 3)
    xs = jax.random.normal(k1, (BATCH, FEAT), dtype=jnp.float32)
    ys = jax.random.randint(k2, (BATCH,), 0, CLS_NUM).astype(jnp.float32)
    center = jax.random.normal(k3, (CLS_NUM, FEAT), dtype=jnp.float32)
    return {"xs": xs, "ys": ys, "center": center}

def reference(xs, ys, center):
    # ys holds integer class labels stored as float (torch.histc requires float input)
    ys_i = ys.astype(jnp.int32)
    # F.normalize(xs): L2-normalize along dim=1 with eps=1e-12
    norm = jnp.linalg.norm(xs, axis=1, keepdims=True)
    xs_n = xs / jnp.maximum(norm, 1e-12)
    # center.index_select(0, ys) -> gather
    center_exp = jnp.take(center, ys_i, axis=0)
    # torch.histc(ys, bins=cls_num, min=0, max=cls_num-1) == bincount for integer labels
    count = jnp.bincount(ys_i, length=CLS_NUM).astype(jnp.float32)
    count_exp = jnp.take(count, ys_i, axis=0)
    return jnp.sum(jnp.sum(jnp.square(xs_n - center_exp), axis=1) / count_exp)

if __name__ == "__main__":
    import jax
    _d = setup_inputs()
    print(jax.jit(kernel)(*tuple(_d.values())))

</pallas_src>

<mosaic_0001>
#map = affine_map<(d0, d1) -> (0, 0)>
#map1 = affine_map<(d0, d1) -> (0)>
module attributes {stable_mosaic.version = 14 : i64} {
  func.func @sc_kernel(%arg0: i32, %arg1: i32, %arg2: memref<128x128xi32, #tpu.memory_space<hbm>>, %arg3: memref<100000x64xf32, #tpu.memory_space<hbm>>, %arg4: memref<16384x64xf32, #tpu.memory_space<hbm>>, %arg5: memref<16384xf32, #tpu.memory_space<hbm>>, %arg6: memref<4x128xi32, #tpu.memory_space<vmem>>, %arg7: memref<8x128xi32, #tpu.memory_space<vmem>>, %arg8: memref<512x64xf32, #tpu.memory_space<vmem>>, %arg9: memref<512xf32, #tpu.memory_space<vmem>>, %arg10: memref<128xf32, #tpu.memory_space<vmem>>, %arg11: memref<6272xf32, #tpu.memory_space<vmem>>, %arg12: memref<100352xf32, #tpu.memory_space<vmem_shared>>, %arg13: memref<!tpu.dma_semaphore, #tpu.memory_space<semaphore_mem>>, %arg14: memref<!tpu.dma_semaphore, #tpu.memory_space<semaphore_mem>>) attributes {dimension_semantics = [#tpu.dimension_semantics<core_parallel>, #tpu.dimension_semantics<subcore_parallel>], iteration_bounds = array<i64: 2, 16>, scalar_prefetch = 0 : i64, scratch_operands = 9 : i64, tpu.core_type = #tpu.core_type<sc_vector_subcore>, window_params = [{transform_indices = #map}, {transform_indices = #map}, {transform_indices = #map}, {transform_indices = #map1}]} {
    %mul3A = arith.constant 2 : i32
    %mul3A_0 = arith.muli %arg1, %mul3A : i32
    %add3A = arith.addi %mul3A_0, %arg0 : i32
    %mul3A_1 = arith.constant 4 : i32
    %mul3A_2 = arith.muli %add3A, %mul3A_1 : i32
    "tpu.region"() ({
      %run_scoped3A = tpu.sem_alloc : memref<!tpu.dma_semaphore, #tpu.memory_space<semaphore_mem>>
      %dma_start3A_205 = arith.constant 0 : i32
      %dma_start3A_206 = tpu.memref_slice %arg2[%mul3A_2, %dma_start3A_205] : memref<128x128xi32, #tpu.memory_space<hbm>> -> memref<4x128xi32, #tpu.memory_space<hbm>>
      %dma_start3A_207 = arith.constant 0 : i32
      %dma_start3A_208 = tpu.memref_slice %arg2[%mul3A_2, %dma_start3A_207] : memref<128x128xi32, #tpu.memory_space<hbm>> -> memref<4x128xi32, #tpu.memory_space<hbm>>
      tpu.enqueue_dma source(%dma_start3A_208 : memref<4x128xi32, #tpu.memory_space<hbm>>) target(%arg6 : memref<4x128xi32, #tpu.memory_space<vmem>>) target_semaphore(%run_scoped3A : memref<!tpu.dma_semaphore, #tpu.memory_space<semaphore_mem>>)
      %dma_wait3A_209 = arith.constant 0 : i32
      %dma_wait3A_210 = tpu.memref_slice %arg2[%mul3A_2, %dma_wait3A_209] : memref<128x128xi32, #tpu.memory_space<hbm>> -> memref<4x128xi32, #tpu.memory_space<hbm>>
      %dma_wait3A_211 = arith.constant 0 : i32
      %dma_wait3A_212 = tpu.memref_slice %arg2[%mul3A_2, %dma_wait3A_211] : memref<128x128xi32, #tpu.memory_space<hbm>> -> memref<4x128xi32, #tpu.memory_space<hbm>>
      tpu.wait_dma2 semaphore(%run_scoped3A : memref<!tpu.dma_semaphore, #tpu.memory_space<semaphore_mem>>) src(%dma_wait3A_212 : memref<4x128xi32, #tpu.memory_space<hbm>>) dst(%arg6 : memref<4x128xi32, #tpu.memory_space<vmem>>)
      tpu.yield
    }) : () -> ()
    %scan3A = arith.constant 0 : i32
    %scan3A_3 = arith.constant 8 : i32
    %scan3A_4 = arith.addi %scan3A, %scan3A_3 : i32
    %scan3A_5 = arith.constant 1 : i32
    scf.for %scan3A_205 = %scan3A to %scan3A_4 step %scan3A_5  : i32 {
      %mul3A_206 = arith.constant 16 : i32
      %mul3A_207 = arith.muli %scan3A_205, %mul3A_206 : i32
      %add3A_208 = arith.constant 0 : i32
      %add3A_209 = arith.addi %add3A_208, %mul3A_207 : i32
      %get3A = arith.constant 0 : i32
      %get3A_210 = arith.index_cast %get3A : i32 to index
      %get3A_211 = arith.index_cast %add3A_209 : i32 to index
      %get3A_212 = tpu.vector_load %arg6[%get3A_210, %get3A_211] {strides = array<i32>} : memref<4x128xi32, #tpu.memory_space<vmem>>, vector<1x16xi32>,
      %get3A_213 = vector.shape_cast %get3A_212 : vector<1x16xi32> to vector<16xi32>
      %slice3A = vector.extract_strided_slice %get3A_213 {offsets = [0], sizes = [1], strides = [1]} : vector<16xi32> to vector<1xi32>
      %squeeze3A = vector.extract %slice3A[0] : i32 from vector<1xi32>
      %add3A_214 = arith.constant 0 : i32
      %add3A_215 = arith.addi %add3A_214, %add3A_209 : i32
      %add3A_216 = arith.constant 0 : i32
      %add3A_217 = arith.addi %add3A_215, %add3A_216 : i32
      %dma_start3A_218 = arith.constant 0 : i32
      %dma_start3A_219 = tpu.memref_slice %arg8[%add3A_217, %dma_start3A_218] : memref<512x64xf32, #tpu.memory_space<vmem>> -> memref<1x64xf32, #tpu.memory_space<vmem>>
      %dma_start3A_220 = arith.constant 0 : i32
      %dma_start3A_221 = tpu.memref_slice %arg3[%squeeze3A, %dma_start3A_220] : memref<100000x64xf32, #tpu.memory_space<hbm>> -> memref<1x64xf32, #tpu.memory_space<hbm>>
      %dma_start3A_222 = arith.constant 0 : i32
      %dma_start3A_223 = tpu.memref_slice %arg8[%add3A_217, %dma_start3A_222] : memref<512x64xf32, #tpu.memory_space<vmem>> -> memref<1x64xf32, #tpu.memory_space<vmem>>
      %dma_start3A_224 = arith.constant 0 : i32
      %dma_start3A_225 = tpu.memref_slice %arg3[%squeeze3A, %dma_start3A_224] : memref<100000x64xf32, #tpu.memory_space<hbm>> -> memref<1x64xf32, #tpu.memory_space<hbm>>
      tpu.enqueue_dma source(%dma_start3A_225 : memref<1x64xf32, #tpu.memory_space<hbm>>) target(%dma_start3A_223 : memref<1x64xf32, #tpu.memory_space<vmem>>) target_semaphore(%arg13 : memref<!tpu.dma_semaphore, #tpu.memory_space<semaphore_mem>>)
      %slice3A_226 = vector.extract_strided_slice %get3A_213 {offsets = [1], sizes = [1], strides = [1]} : vector<16xi32> to vector<1xi32>
      %squeeze3A_227 = vector.extract %slice3A_226[0] : i32 from vector<1xi32>
      %add3A_228 = arith.constant 0 : i32
      %add3A_229 = arith.addi %add3A_228, %add3A_209 : i32
      %add3A_230 = arith.constant 1 : i32
      %add3A_231 = arith.addi %add3A_229, %add3A_230 : i32
      %dma_start3A_232 = arith.constant 0 : i32
      %dma_start3A_233 = tpu.memref_slice %arg8[%add3A_231, %dma_start3A_232] : memref<512x64xf32, #tpu.memory_space<vmem>> -> memref<1x64xf32, #tpu.memory_space<vmem>>
      %dma_start3A_234 = arith.constant 0 : i32
      %dma_start3A_235 = tpu.memref_slice %arg3[%squeeze3A_227, %dma_start3A_234] : memref<100000x64xf32, #tpu.memory_space<hbm>> -> memref<1x64xf32, #tpu.memory_space<hbm>>
      %dma_start3A_236 = arith.constant 0 : i32
      %dma_start3A_237 = tpu.memref_slice %arg8[%add3A_231, %dma_start3A_236] : memref<512x64xf32, #tpu.memory_space<vmem>> -> memref<1x64xf32, #tpu.memory_space<vmem>>
      %dma_start3A_238 = arith.constant 0 : i32
      %dma_start3A_239 = tpu.memref_slice %arg3[%squeeze3A_227, %dma_start3A_238] : memref<100000x64xf32, #tpu.memory_space<hbm>> -> memref<1x64xf32, #tpu.memory_space<hbm>>
      tpu.enqueue_dma source(%dma_start3A_239 : memref<1x64xf32, #tpu.memory_space<hbm>>) target(%dma_start3A_237 : memref<1x64xf32, #tpu.memory_space<vmem>>) target_semaphore(%arg13 : memref<!tpu.dma_semaphore, #tpu.memory_space<semaphore_mem>>)
      %slice3A_240 = vector.extract_strided_slice %get3A_213 {offsets = [2], sizes = [1], strides = [1]} : vector<16xi32> to vector<1xi32>
      %squeeze3A_241 = vector.extract %slice3A_240[0] : i32 from vector<1xi32>
      %add3A_242 = arith.constant 0 : i32
      %add3A_243 = arith.addi %add3A_242, %add3A_209 : i32
      %add3A_244 = arith.constant 2 : i32
      %add3A_245 = arith.addi %add3A_243, %add3A_244 : i32
      %dma_start3A_246 = arith.constant 0 : i32
      %dma_start3A_247 = tpu.memref_slice %arg8[%add3A_245, %dma_start3A_246] : memref<512x64xf32, #tpu.memory_space<vmem>> -> memref<1x64xf32, #tpu.memory_space<vmem>>
      %dma_start3A_248 = arith.constant 0 : i32
      %dma_start3A_249 = tpu.memref_slice %arg3[%squeeze3A_241, %dma_start3A_248] : memref<100000x64xf32, #tpu.memory_space<hbm>> -> memref<1x64xf32, #tpu.memory_space<hbm>>
      %dma_start3A_250 = arith.constant 0 : i32
      %dma_start3A_251 = tpu.memref_slice %arg8[%add3A_245, %dma_start3A_250] : memref<512x64xf32, #tpu.memory_space<vmem>> -> memref<1x64xf32, #tpu.memory_space<vmem>>
      %dma_start3A_252 = arith.constant 0 : i32
      %dma_start3A_253 = tpu.memref_slice %arg3[%squeeze3A_241, %dma_start3A_252] : memref<100000x64xf32, #tpu.memory_space<hbm>> -> memref<1x64xf32, #tpu.memory_space<hbm>>
      tpu.enqueue_dma source(%dma_start3A_253 : memref<1x64xf32, #tpu.memory_space<hbm>>) target(%dma_start3A_251 : memref<1x64xf32, #tpu.memory_space<vmem>>) target_semaphore(%arg13 : memref<!tpu.dma_semaphore, #tpu.memory_space<semaphore_mem>>)
      %slice3A_254 = vector.extract_strided_slice %get3A_213 {offsets = [3], sizes = [1], strides = [1]} : vector<16xi32> to vector<1xi32>
      %squeeze3A_255 = vector.extract %slice3A_254[0] : i32 from vector<1xi32>
      %add3A_256 = arith.constant 0 : i32
      %add3A_257 = arith.addi %add3A_256, %add3A_209 : i32
      %add3A_258 = arith.constant 3 : i32
      %add3A_259 = arith.addi %add3A_257, %add3A_258 : i32
      %dma_start3A_260 = arith.constant 0 : i32
      %dma_start3A_261 = tpu.memref_slice %arg8[%add3A_259, %dma_start3A_260] : memref<512x64xf32, #tpu.memory_space<vmem>> -> memref<1x64xf32, #tpu.memory_space<vmem>>
      %dma_start3A_262 = arith.constant 0 : i32
      %dma_start3A_263 = tpu.memref_slice %arg3[%squeeze3A_255, %dma_start3A_262] : memref<100000x64xf32, #tpu.memory_space<hbm>> -> memref<1x64xf32, #tpu.memory_space<hbm>>
      %dma_start3A_264 = arith.constant 0 : i32
      %dma_start3A_265 = tpu.memref_slice %arg8[%add3A_259, %dma_start3A_264] : memref<512x64xf32, #tpu.memory_space<vmem>> -> memref<1x64xf32, #tpu.memory_space<vmem>>
      %dma_start3A_266 = arith.constant 0 : i32
      %dma_start3A_267 = tpu.memref_slice %arg3[%squeeze3A_255, %dma_start3A_266] : memref<100000x64xf32, #tpu.memory_space<hbm>> -> memref<1x64xf32, #tpu.memory_space<hbm>>
      tpu.enqueue_dma source(%dma_start3A_267 : memref<1x64xf32, #tpu.memory_space<hbm>>) target(%dma_start3A_265 : memref<1x64xf32, #tpu.memory_space<vmem>>) target_semaphore(%arg13 : memref<!tpu.dma_semaphore, #tpu.memory_space<semaphore_mem>>)
      %slice3A_268 = vector.extract_strided_slice %get3A_213 {offsets = [4], sizes = [1], strides = [1]} : vector<16xi32> to vector<1xi32>
      %squeeze3A_269 = vector.extract %slice3A_268[0] : i32 from vector<1xi32>
      %add3A_270 = arith.constant 0 : i32
      %add3A_271 = arith.addi %add3A_270, %add3A_209 : i32
      %add3A_272 = arith.constant 4 : i32
      %add3A_273 = arith.addi %add3A_271, %add3A_272 : i32
      %dma_start3A_274 = arith.constant 0 : i32
      %dma_start3A_275 = tpu.memref_slice %arg8[%add3A_273, %dma_start3A_274] : memref<512x64xf32, #tpu.memory_space<vmem>> -> memref<1x64xf32, #tpu.memory_space<vmem>>
      %dma_start3A_276 = arith.constant 0 : i32
      %dma_start3A_277 = tpu.memref_slice %arg3[%squeeze3A_269, %dma_start3A_276] : memref<100000x64xf32, #tpu.memory_space<hbm>> -> memref<1x64xf32, #tpu.memory_space<hbm>>
      %dma_start3A_278 = arith.constant 0 : i32
      %dma_start3A_279 = tpu.memref_slice %arg8[%add3A_273, %dma_start3A_278] : memref<512x64xf32, #tpu.memory_space<vmem>> -> memref<1x64xf32, #tpu.memory_space<vmem>>
      %dma_start3A_280 = arith.constant 0 : i32
      %dma_start3A_281 = tpu.memref_slice %arg3[%squeeze3A_269, %dma_start3A_280] : memref<100000x64xf32, #tpu.memory_space<hbm>> -> memref<1x64xf32, #tpu.memory_space<hbm>>
      tpu.enqueue_dma source(%dma_start3A_281 : memref<1x64xf32, #tpu.memory_space<hbm>>) target(%dma_start3A_279 : memref<1x64xf32, #tpu.memory_space<vmem>>) target_semaphore(%arg13 : memref<!tpu.dma_semaphore, #tpu.memory_space<semaphore_mem>>)
      %slice3A_282 = vector.extract_strided_slice %get3A_213 {offsets = [5], sizes = [1], strides = [1]} : vector<16xi32> to vector<1xi32>
      %squeeze3A_283 = vector.extract %slice3A_282[0] : i32 from vector<1xi32>
      %add3A_284 = arith.constant 0 : i32
      %add3A_285 = arith.addi %add3A_284, %add3A_209 : i32
      %add3A_286 = arith.constant 5 : i32
      %add3A_287 = arith.addi %add3A_285, %add3A_286 : i32
      %dma_start3A_288 = arith.constant 0 : i32
      %dma_start3A_289 = tpu.memref_slice %arg8[%add3A_287, %dma_start3A_288] : memref<512x64xf32, #tpu.memory_space<vmem>> -> memref<1x64xf32, #tpu.memory_space<vmem>>
      %dma_start3A_290 = arith.constant 0 : i32
      %dma_start3A_291 = tpu.memref_slice %arg3[%squeeze3A_283, %dma_start3A_290] : memref<100000x64xf32, #tpu.memory_space<hbm>> -> memref<1x64xf32, #tpu.memory_space<hbm>>
      %dma_start3A_292 = arith.constant 0 : i32
      %dma_start3A_293 = tpu.memref_slice %arg8[%add3A_287, %dma_start3A_292] : memref<512x64xf32, #tpu.memory_space<vmem>> -> memref<1x64xf32, #tpu.memory_space<vmem>>
      %dma_start3A_294 = arith.constant 0 : i32
      %dma_start3A_295 = tpu.memref_slice %arg3[%squeeze3A_283, %dma_start3A_294] : memref<100000x64xf32, #tpu.memory_space<hbm>> -> memref<1x64xf32, #tpu.memory_space<hbm>>
      tpu.enqueue_dma source(%dma_start3A_295 : memref<1x64xf32, #tpu.memory_space<hbm>>) target(%dma_start3A_293 : memref<1x64xf32, #tpu.memory_space<vmem>>) target_semaphore(%arg13 : memref<!tpu.dma_semaphore, #tpu.memory_space<semaphore_mem>>)
      %slice3A_296 = vector.extract_strided_slice %get3A_213 {offsets = [6], sizes = [1], strides = [1]} : vector<16xi32> to vector<1xi32>
      %squeeze3A_297 = vector.extract %slice3A_296[0] : i32 from vector<1xi32>
      %add3A_298 = arith.constant 0 : i32
      %add3A_299 = arith.addi %add3A_298, %add3A_209 : i32
      %add3A_300 = arith.constant 6 : i32
      %add3A_301 = arith.addi %add3A_299, %add3A_300 : i32
      %dma_start3A_302 = arith.constant 0 : i32
      %dma_start3A_303 = tpu.memref_slice %arg8[%add3A_301, %dma_start3A_302] : memref<512x64xf32, #tpu.memory_space<vmem>> -> memref<1x64xf32, #tpu.memory_space<vmem>>
      %dma_start3A_304 = arith.constant 0 : i32
      %dma_start3A_305 = tpu.memref_slice %arg3[%squeeze3A_297, %dma_start3A_304] : memref<100000x64xf32, #tpu.memory_space<hbm>> -> memref<1x64xf32, #tpu.memory_space<hbm>>
      %dma_start3A_306 = arith.constant 0 : i32
      %dma_start3A_307 = tpu.memref_slice %arg8[%add3A_301, %dma_start3A_306] : memref<512x64xf32, #tpu.memory_space<vmem>> -> memref<1x64xf32, #tpu.memory_space<vmem>>
      %dma_start3A_308 = arith.constant 0 : i32
      %dma_start3A_309 = tpu.memref_slice %arg3[%squeeze3A_297, %dma_start3A_308] : memref<100000x64xf32, #tpu.memory_space<hbm>> -> memref<1x64xf32, #tpu.memory_space<hbm>>
      tpu.enqueue_dma source(%dma_start3A_309 : memref<1x64xf32, #tpu.memory_space<hbm>>) target(%dma_start3A_307 : memref<1x64xf32, #tpu.memory_space<vmem>>) target_semaphore(%arg13 : memref<!tpu.dma_semaphore, #tpu.memory_space<semaphore_mem>>)
      %slice3A_310 = vector.extract_strided_slice %get3A_213 {offsets = [7], sizes = [1], strides = [1]} : vector<16xi32> to vector<1xi32>
      %squeeze3A_311 = vector.extract %slice3A_310[0] : i32 from vector<1xi32>
      %add3A_312 = arith.constant 0 : i32
      %add3A_313 = arith.addi %add3A_312, %add3A_209 : i32
      %add3A_314 = arith.constant 7 : i32
      %add3A_315 = arith.addi %add3A_313, %add3A_314 : i32
      %dma_start3A_316 = arith.constant 0 : i32
      %dma_start3A_317 = tpu.memref_slice %arg8[%add3A_315, %dma_start3A_316] : memref<512x64xf32, #tpu.memory_space<vmem>> -> memref<1x64xf32, #tpu.memory_space<vmem>>
      %dma_start3A_318 = arith.constant 0 : i32
      %dma_start3A_319 = tpu.memref_slice %arg3[%squeeze3A_311, %dma_start3A_318] : memref<100000x64xf32, #tpu.memory_space<hbm>> -> memref<1x64xf32, #tpu.memory_space<hbm>>
      %dma_start3A_320 = arith.constant 0 : i32
      %dma_start3A_321 = tpu.memref_slice %arg8[%add3A_315, %dma_start3A_320] : memref<512x64xf32, #tpu.memory_space<vmem>> -> memref<1x64xf32, #tpu.memory_space<vmem>>
      %dma_start3A_322 = arith.constant 0 : i32
      %dma_start3A_323 = tpu.memref_slice %arg3[%squeeze3A_311, %dma_start3A_322] : memref<100000x64xf32, #tpu.memory_space<hbm>> -> memref<1x64xf32, #tpu.memory_space<hbm>>
      tpu.enqueue_dma source(%dma_start3A_323 : memref<1x64xf32, #tpu.memory_space<hbm>>) target(%dma_start3A_321 : memref<1x64xf32, #tpu.memory_space<vmem>>) target_semaphore(%arg13 : memref<!tpu.dma_semaphore, #tpu.memory_space<semaphore_mem>>)
      %slice3A_324 = vector.extract_strided_slice %get3A_213 {offsets = [8], sizes = [1], strides = [1]} : vector<16xi32> to vector<1xi32>
      %squeeze3A_325 = vector.extract %slice3A_324[0] : i32 from vector<1xi32>
      %add3A_326 = arith.constant 0 : i32
      %add3A_327 = arith.addi %add3A_326, %add3A_209 : i32
      %add3A_328 = arith.constant 8 : i32
      %add3A_329 = arith.addi %add3A_327, %add3A_328 : i32
      %dma_start3A_330 = arith.constant 0 : i32
      %dma_start3A_331 = tpu.memref_slice %arg8[%add3A_329, %dma_start3A_330] : memref<512x64xf32, #tpu.memory_space<vmem>> -> memref<1x64xf32, #tpu.memory_space<vmem>>
      %dma_start3A_332 = arith.constant 0 : i32
      %dma_start3A_333 = tpu.memref_slice %arg3[%squeeze3A_325, %dma_start3A_332] : memref<100000x64xf32, #tpu.memory_space<hbm>> -> memref<1x64xf32, #tpu.memory_space<hbm>>
      %dma_start3A_334 = arith.constant 0 : i32
      %dma_start3A_335 = tpu.memref_slice %arg8[%add3A_329, %dma_start3A_334] : memref<512x64xf32, #tpu.memory_space<vmem>> -> memref<1x64xf32, #tpu.memory_space<vmem>>
      %dma_start3A_336 = arith.constant 0 : i32
      %dma_start3A_337 = tpu.memref_slice %arg3[%squeeze3A_325, %dma_start3A_336] : memref<100000x64xf32, #tpu.memory_space<hbm>> -> memref<1x64xf32, #tpu.memory_space<hbm>>
      tpu.enqueue_dma source(%dma_start3A_337 : memref<1x64xf32, #tpu.memory_space<hbm>>) target(%dma_start3A_335 : memref<1x64xf32, #tpu.memory_space<vmem>>) target_semaphore(%arg13 : memref<!tpu.dma_semaphore, #tpu.memory_space<semaphore_mem>>)
      %slice3A_338 = vector.extract_strided_slice %get3A_213 {offsets = [9], sizes = [1], strides = [1]} : vector<16xi32> to vector<1xi32>
      %squeeze3A_339 = vector.extract %slice3A_338[0] : i32 from vector<1xi32>
      %add3A_340 = arith.constant 0 : i32
      %add3A_341 = arith.addi %add3A_340, %add3A_209 : i32
      %add3A_342 = arith.constant 9 : i32
      %add3A_343 = arith.addi %add3A_341, %add3A_342 : i32
      %dma_start3A_344 = arith.constant 0 : i32
      %dma_start3A_345 = tpu.memref_slice %arg8[%add3A_343, %dma_start3A_344] : memref<512x64xf32, #tpu.memory_space<vmem>> -> memref<1x64xf32, #tpu.memory_space<vmem>>
      %dma_start3A_346 = arith.constant 0 : i32
      %dma_start3A_347 = tpu.memref_slice %arg3[%squeeze3A_339, %dma_start3A_346] : memref<100000x64xf32, #tpu.memory_space<hbm>> -> memref<1x64xf32, #tpu.memory_space<hbm>>
      %dma_start3A_348 = arith.constant 0 : i32
      %dma_start3A_349 = tpu.memref_slice %arg8[%add3A_343, %dma_start3A_348] : memref<512x64xf32, #tpu.memory_space<vmem>> -> memref<1x64xf32, #tpu.memory_space<vmem>>
      %dma_start3A_350 = arith.constant 0 : i32
      %dma_start3A_351 = tpu.memref_slice %arg3[%squeeze3A_339, %dma_start3A_350] : memref<100000x64xf32, #tpu.memory_space<hbm>> -> memref<1x64xf32, #tpu.memory_space<hbm>>
      tpu.enqueue_dma source(%dma_start3A_351 : memref<1x64xf32, #tpu.memory_space<hbm>>) target(%dma_start3A_349 : memref<1x64xf32, #tpu.memory_space<vmem>>) target_semaphore(%arg13 : memref<!tpu.dma_semaphore, #tpu.memory_space<semaphore_mem>>)
      %slice3A_352 = vector.extract_strided_slice %get3A_213 {offsets = [10], sizes = [1], strides = [1]} : vector<16xi32> to vector<1xi32>
      %squeeze3A_353 = vector.extract %slice3A_352[0] : i32 from vector<1xi32>
      %add3A_354 = arith.constant 0 : i32
      %add3A_355 = arith.addi %add3A_354, %add3A_209 : i32
      %add3A_356 = arith.constant 10 : i32
      %add3A_357 = arith.addi %add3A_355, %add3A_356 : i32
      %dma_start3A_358 = arith.constant 0 : i32
      %dma_start3A_359 = tpu.memref_slice %arg8[%add3A_357, %dma_start3A_358] : memref<512x64xf32, #tpu.memory_space<vmem>> -> memref<1x64xf32, #tpu.memory_space<vmem>>
      %dma_start3A_360 = arith.constant 0 : i32
      %dma_start3A_361 = tpu.memref_slice %arg3[%squeeze3A_353, %dma_start3A_360] : memref<100000x64xf32, #tpu.memory_space<hbm>> -> memref<1x64xf32, #tpu.memory_space<hbm>>
      %dma_start3A_362 = arith.constant 0 : i32
      %dma_start3A_363 = tpu.memref_slice %arg8[%add3A_357, %dma_start3A_362] : memref<512x64xf32, #tpu.memory_space<vmem>> -> memref<1x64xf32, #tpu.memory_space<vmem>>
      %dma_start3A_364 = arith.constant 0 : i32
      %dma_start3A_365 = tpu.memref_slice %arg3[%squeeze3A_353, %dma_start3A_364] : memref<100000x64xf32, #tpu.memory_space<hbm>> -> memref<1x64xf32, #tpu.memory_space<hbm>>
      tpu.enqueue_dma source(%dma_start3A_365 : memref<1x64xf32, #tpu.memory_space<hbm>>) target(%dma_start3A_363 : memref<1x64xf32, #tpu.memory_space<vmem>>) target_semaphore(%arg13 : memref<!tpu.dma_semaphore, #tpu.memory_space<semaphore_mem>>)
      %slice3A_366 = vector.extract_strided_slice %get3A_213 {offsets = [11], sizes = [1], strides = [1]} : vector<16xi32> to vector<1xi32>
      %squeeze3A_367 = vector.extract %slice3A_366[0] : i32 from vector<1xi32>
      %add3A_368 = arith.constant 0 : i32
      %add3A_369 = arith.addi %add3A_368, %add3A_209 : i32
      %add3A_370 = arith.constant 11 : i32
      %add3A_371 = arith.addi %add3A_369, %add3A_370 : i32
      %dma_start3A_372 = arith.constant 0 : i32
      %dma_start3A_373 = tpu.memref_slice %arg8[%add3A_371, %dma_start3A_372] : memref<512x64xf32, #tpu.memory_space<vmem>> -> memref<1x64xf32, #tpu.memory_space<vmem>>
      %dma_start3A_374 = arith.constant 0 : i32
      %dma_start3A_375 = tpu.memref_slice %arg3[%squeeze3A_367, %dma_start3A_374] : memref<100000x64xf32, #tpu.memory_space<hbm>> -> memref<1x64xf32, #tpu.memory_space<hbm>>
      %dma_start3A_376 = arith.constant 0 : i32
      %dma_start3A_377 = tpu.memref_slice %arg8[%add3A_371, %dma_start3A_376] : memref<512x64xf32, #tpu.memory_space<vmem>> -> memref<1x64xf32, #tpu.memory_space<vmem>>
      %dma_start3A_378 = arith.constant 0 : i32
      %dma_start3A_379 = tpu.memref_slice %arg3[%squeeze3A_367, %dma_start3A_378] : memref<100000x64xf32, #tpu.memory_space<hbm>> -> memref<1x64xf32, #tpu.memory_space<hbm>>
      tpu.enqueue_dma source(%dma_start3A_379 : memref<1x64xf32, #tpu.memory_space<hbm>>) target(%dma_start3A_377 : memref<1x64xf32, #tpu.memory_space<vmem>>) target_semaphore(%arg13 : memref<!tpu.dma_semaphore, #tpu.memory_space<semaphore_mem>>)
      %slice3A_380 = vector.extract_strided_slice %get3A_213 {offsets = [12], sizes = [1], strides = [1]} : vector<16xi32> to vector<1xi32>
      %squeeze3A_381 = vector.extract %slice3A_380[0] : i32 from vector<1xi32>
      %add3A_382 = arith.constant 0 : i32
      %add3A_383 = arith.addi %add3A_382, %add3A_209 : i32
      %add3A_384 = arith.constant 12 : i32
      %add3A_385 = arith.addi %add3A_383, %add3A_384 : i32
      %dma_start3A_386 = arith.constant 0 : i32
      %dma_start3A_387 = tpu.memref_slice %arg8[%add3A_385, %dma_start3A_386] : memref<512x64xf32, #tpu.memory_space<vmem>> -> memref<1x64xf32, #tpu.memory_space<vmem>>
      %dma_start3A_388 = arith.constant 0 : i32
      %dma_start3A_389 = tpu.memref_slice %arg3[%squeeze3A_381, %dma_start3A_388] : memref<100000x64xf32, #tpu.memory_space<hbm>> -> memref<1x64xf32, #tpu.memory_space<hbm>>
      %dma_start3A_390 = arith.constant 0 : i32
      %dma_start3A_391 = tpu.memref_slice %arg8[%add3A_385, %dma_start3A_390] : memref<512x64xf32, #tpu.memory_space<vmem>> -> memref<1x64xf32, #tpu.memory_space<vmem>>
      %dma_start3A_392 = arith.constant 0 : i32
      %dma_start3A_393 = tpu.memref_slice %arg3[%squeeze3A_381, %dma_start3A_392] : memref<100000x64xf32, #tpu.memory_space<hbm>> -> memref<1x64xf32, #tpu.memory_space<hbm>>
      tpu.enqueue_dma source(%dma_start3A_393 : memref<1x64xf32, #tpu.memory_space<hbm>>) target(%dma_start3A_391 : memref<1x64xf32, #tpu.memory_space<vmem>>) target_semaphore(%arg13 : memref<!tpu.dma_semaphore, #tpu.memory_space<semaphore_mem>>)
      %slice3A_394 = vector.extract_strided_slice %get3A_213 {offsets = [13], sizes = [1], strides = [1]} : vector<16xi32> to vector<1xi32>
      %squeeze3A_395 = vector.extract %slice3A_394[0] : i32 from vector<1xi32>
      %add3A_396 = arith.constant 0 : i32
      %add3A_397 = arith.addi %add3A_396, %add3A_209 : i32
      %add3A_398 = arith.constant 13 : i32
      %add3A_399 = arith.addi %add3A_397, %add3A_398 : i32
      %dma_start3A_400 = arith.constant 0 : i32
      %dma_start3A_401 = tpu.memref_slice %arg8[%add3A_399, %dma_start3A_400] : memref<512x64xf32, #tpu.memory_space<vmem>> -> memref<1x64xf32, #tpu.memory_space<vmem>>
      %dma_start3A_402 = arith.constant 0 : i32
      %dma_start3A_403 = tpu.memref_slice %arg3[%squeeze3A_395, %dma_start3A_402] : memref<100000x64xf32, #tpu.memory_space<hbm>> -> memref<1x64xf32, #tpu.memory_space<hbm>>
      %dma_start3A_404 = arith.constant 0 : i32
      %dma_start3A_405 = tpu.memref_slice %arg8[%add3A_399, %dma_start3A_404] : memref<512x64xf32, #tpu.memory_space<vmem>> -> memref<1x64xf32, #tpu.memory_space<vmem>>
      %dma_start3A_406 = arith.constant 0 : i32
      %dma_start3A_407 = tpu.memref_slice %arg3[%squeeze3A_395, %dma_start3A_406] : memref<100000x64xf32, #tpu.memory_space<hbm>> -> memref<1x64xf32, #tpu.memory_space<hbm>>
      tpu.enqueue_dma source(%dma_start3A_407 : memref<1x64xf32, #tpu.memory_space<hbm>>) target(%dma_start3A_405 : memref<1x64xf32, #tpu.memory_space<vmem>>) target_semaphore(%arg13 : memref<!tpu.dma_semaphore, #tpu.memory_space<semaphore_mem>>)
      %slice3A_408 = vector.extract_strided_slice %get3A_213 {offsets = [14], sizes = [1], strides = [1]} : vector<16xi32> to vector<1xi32>
      %squeeze3A_409 = vector.extract %slice3A_408[0] : i32 from vector<1xi32>
      %add3A_410 = arith.constant 0 : i32
      %add3A_411 = arith.addi %add3A_410, %add3A_209 : i32
      %add3A_412 = arith.constant 14 : i32
      %add3A_413 = arith.addi %add3A_411, %add3A_412 : i32
      %dma_start3A_414 = arith.constant 0 : i32
      %dma_start3A_415 = tpu.memref_slice %arg8[%add3A_413, %dma_start3A_414] : memref<512x64xf32, #tpu.memory_space<vmem>> -> memref<1x64xf32, #tpu.memory_space<vmem>>
      %dma_start3A_416 = arith.constant 0 : i32
      %dma_start3A_417 = tpu.memref_slice %arg3[%squeeze3A_409, %dma_start3A_416] : memref<100000x64xf32, #tpu.memory_space<hbm>> -> memref<1x64xf32, #tpu.memory_space<hbm>>
      %dma_start3A_418 = arith.constant 0 : i32
      %dma_start3A_419 = tpu.memref_slice %arg8[%add3A_413, %dma_start3A_418] : memref<512x64xf32, #tpu.memory_space<vmem>> -> memref<1x64xf32, #tpu.memory_space<vmem>>
      %dma_start3A_420 = arith.constant 0 : i32
      %dma_start3A_421 = tpu.memref_slice %arg3[%squeeze3A_409, %dma_start3A_420] : memref<100000x64xf32, #tpu.memory_space<hbm>> -> memref<1x64xf32, #tpu.memory_space<hbm>>
      tpu.enqueue_dma source(%dma_start3A_421 : memref<1x64xf32, #tpu.memory_space<hbm>>) target(%dma_start3A_419 : memref<1x64xf32, #tpu.memory_space<vmem>>) target_semaphore(%arg13 : memref<!tpu.dma_semaphore, #tpu.memory_space<semaphore_mem>>)
      %slice3A_422 = vector.extract_strided_slice %get3A_213 {offsets = [15], sizes = [1], strides = [1]} : vector<16xi32> to vector<1xi32>
      %squeeze3A_423 = vector.extract %slice3A_422[0] : i32 from vector<1xi32>
      %add3A_424 = arith.constant 0 : i32
      %add3A_425 = arith.addi %add3A_424, %add3A_209 : i32
      %add3A_426 = arith.constant 15 : i32
      %add3A_427 = arith.addi %add3A_425, %add3A_426 : i32
      %dma_start3A_428 = arith.constant 0 : i32
      %dma_start3A_429 = tpu.memref_slice %arg8[%add3A_427, %dma_start3A_428] : memref<512x64xf32, #tpu.memory_space<vmem>> -> memref<1x64xf32, #tpu.memory_space<vmem>>
      %dma_start3A_430 = arith.constant 0 : i32
      %dma_start3A_431 = tpu.memref_slice %arg3[%squeeze3A_423, %dma_start3A_430] : memref<100000x64xf32, #tpu.memory_space<hbm>> -> memref<1x64xf32, #tpu.memory_space<hbm>>
      %dma_start3A_432 = arith.constant 0 : i32
      %dma_start3A_433 = tpu.memref_slice %arg8[%add3A_427, %dma_start3A_432] : memref<512x64xf32, #tpu.memory_space<vmem>> -> memref<1x64xf32, #tpu.memory_space<vmem>>
      %dma_start3A_434 = arith.constant 0 : i32
      %dma_start3A_435 = tpu.memref_slice %arg3[%squeeze3A_423, %dma_start3A_434] : memref<100000x64xf32, #tpu.memory_space<hbm>> -> memref<1x64xf32, #tpu.memory_space<hbm>>
      tpu.enqueue_dma source(%dma_start3A_435 : memref<1x64xf32, #tpu.memory_space<hbm>>) target(%dma_start3A_433 : memref<1x64xf32, #tpu.memory_space<vmem>>) target_semaphore(%arg13 : memref<!tpu.dma_semaphore, #tpu.memory_space<semaphore_mem>>)
    }
    %scan3A_6 = arith.constant 8 : i32
    %scan3A_7 = arith.constant 0 : i32
    %scan3A_8 = arith.constant 8 : i32
    %scan3A_9 = arith.addi %scan3A_7, %scan3A_8 : i32
    %scan3A_10 = arith.constant 1 : i32
    scf.for %scan3A_205 = %scan3A_7 to %scan3A_9 step %scan3A_10  : i32 {
      %mul3A_206 = arith.constant 16 : i32
      %mul3A_207 = arith.muli %scan3A_205, %mul3A_206 : i32
      %add3A_208 = arith.constant 0 : i32
      %add3A_209 = arith.addi %add3A_208, %mul3A_207 : i32
      %get3A = arith.constant 1 : i32
      %get3A_210 = arith.index_cast %get3A : i32 to index
      %get3A_211 = arith.index_cast %add3A_209 : i32 to index
      %get3A_212 = tpu.vector_load %arg6[%get3A_210, %get3A_211] {strides = array<i32>} : memref<4x128xi32, #tpu.memory_space<vmem>>, vector<1x16xi32>,
      %get3A_213 = vector.shape_cast %get3A_212 : vector<1x16xi32> to vector<16xi32>
      %slice3A = vector.extract_strided_slice %get3A_213 {offsets = [0], sizes = [1], strides = [1]} : vector<16xi32> to vector<1xi32>
      %squeeze3A = vector.extract %slice3A[0] : i32 from vector<1xi32>
      %add3A_214 = arith.constant 128 : i32
      %add3A_215 = arith.addi %add3A_214, %add3A_209 : i32
      %add3A_216 = arith.constant 0 : i32
      %add3A_217 = arith.addi %add3A_215, %add3A_216 : i32
      %dma_start3A_218 = arith.constant 0 : i32
      %dma_start3A_219 = tpu.memref_slice %arg8[%add3A_217, %dma_start3A_218] : memref<512x64xf32, #tpu.memory_space<vmem>> -> memref<1x64xf32, #tpu.memory_space<vmem>>
      %dma_start3A_220 = arith.constant 0 : i32
      %dma_start3A_221 = tpu.memref_slice %arg3[%squeeze3A, %dma_start3A_220] : memref<100000x64xf32, #tpu.memory_space<hbm>> -> memref<1x64xf32, #tpu.memory_space<hbm>>
      %dma_start3A_222 = arith.constant 0 : i32
      %dma_start3A_223 = tpu.memref_slice %arg8[%add3A_217, %dma_start3A_222] : memref<512x64xf32, #tpu.memory_space<vmem>> -> memref<1x64xf32, #tpu.memory_space<vmem>>
      %dma_start3A_224 = arith.constant 0 : i32
      %dma_start3A_225 = tpu.memref_slice %arg3[%squeeze3A, %dma_start3A_224] : memref<100000x64xf32, #tpu.memory_space<hbm>> -> memref<1x64xf32, #tpu.memory_space<hbm>>
      tpu.enqueue_dma source(%dma_start3A_225 : memref<1x64xf32, #tpu.memory_space<hbm>>) target(%dma_start3A_223 : memref<1x64xf32, #tpu.memory_space<vmem>>) target_semaphore(%arg13 : memref<!tpu.dma_semaphore, #tpu.memory_space<semaphore_mem>>)
      %slice3A_226 = vector.extract_strided_slice %get3A_213 {offsets = [1], sizes = [1], strides = [1]} : vector<16xi32> to vector<1xi32>
      %squeeze3A_227 = vector.extract %slice3A_226[0] : i32 from vector<1xi32>
      %add3A_228 = arith.constant 128 : i32
      %add3A_229 = arith.addi %add3A_228, %add3A_209 : i32
      %add3A_230 = arith.constant 1 : i32
      %add3A_231 = arith.addi %add3A_229, %add3A_230 : i32
      %dma_start3A_232 = arith.constant 0 : i32
      %dma_start3A_233 = tpu.memref_slice %arg8[%add3A_231, %dma_start3A_232] : memref<512x64xf32, #tpu.memory_space<vmem>> -> memref<1x64xf32, #tpu.memory_space<vmem>>
      %dma_start3A_234 = arith.constant 0 : i32
      %dma_start3A_235 = tpu.memref_slice %arg3[%squeeze3A_227, %dma_start3A_234] : memref<100000x64xf32, #tpu.memory_space<hbm>> -> memref<1x64xf32, #tpu.memory_space<hbm>>
      %dma_start3A_236 = arith.constant 0 : i32
      %dma_start3A_237 = tpu.memref_slice %arg8[%add3A_231, %dma_start3A_236] : memref<512x64xf32, #tpu.memory_space<vmem>> -> memref<1x64xf32, #tpu.memory_space<vmem>>
      %dma_start3A_238 = arith.constant 0 : i32
      %dma_start3A_239 = tpu.memref_slice %arg3[%squeeze3A_227, %dma_start3A_238] : memref<100000x64xf32, #tpu.memory_space<hbm>> -> memref<1x64xf32, #tpu.memory_space<hbm>>
      tpu.enqueue_dma source(%dma_start3A_239 : memref<1x64xf32, #tpu.memory_space<hbm>>) target(%dma_start3A_237 : memref<1x64xf32, #tpu.memory_space<vmem>>) target_semaphore(%arg13 : memref<!tpu.dma_semaphore, #tpu.memory_space<semaphore_mem>>)
      %slice3A_240 = vector.extract_strided_slice %get3A_213 {offsets = [2], sizes = [1], strides = [1]} : vector<16xi32> to vector<1xi32>
      %squeeze3A_241 = vector.extract %slice3A_240[0] : i32 from vector<1xi32>
      %add3A_242 = arith.constant 128 : i32
      %add3A_243 = arith.addi %add3A_242, %add3A_209 : i32
      %add3A_244 = arith.constant 2 : i32
      %add3A_245 = arith.addi %add3A_243, %add3A_244 : i32
      %dma_start3A_246 = arith.constant 0 : i32
      %dma_start3A_247 = tpu.memref_slice %arg8[%add3A_245, %dma_start3A_246] : memref<512x64xf32, #tpu.memory_space<vmem>> -> memref<1x64xf32, #tpu.memory_space<vmem>>
      %dma_start3A_248 = arith.constant 0 : i32
      %dma_start3A_249 = tpu.memref_slice %arg3[%squeeze3A_241, %dma_start3A_248] : memref<100000x64xf32, #tpu.memory_space<hbm>> -> memref<1x64xf32, #tpu.memory_space<hbm>>
      %dma_start3A_250 = arith.constant 0 : i32
      %dma_start3A_251 = tpu.memref_slice %arg8[%add3A_245, %dma_start3A_250] : memref<512x64xf32, #tpu.memory_space<vmem>> -> memref<1x64xf32, #tpu.memory_space<vmem>>
      %dma_start3A_252 = arith.constant 0 : i32
      %dma_start3A_253 = tpu.memref_slice %arg3[%squeeze3A_241, %dma_start3A_252] : memref<100000x64xf32, #tpu.memory_space<hbm>> -> memref<1x64xf32, #tpu.memory_space<hbm>>
      tpu.enqueue_dma source(%dma_start3A_253 : memref<1x64xf32, #tpu.memory_space<hbm>>) target(%dma_start3A_251 : memref<1x64xf32, #tpu.memory_space<vmem>>) target_semaphore(%arg13 : memref<!tpu.dma_semaphore, #tpu.memory_space<semaphore_mem>>)
      %slice3A_254 = vector.extract_strided_slice %get3A_213 {offsets = [3], sizes = [1], strides = [1]} : vector<16xi32> to vector<1xi32>
      %squeeze3A_255 = vector.extract %slice3A_254[0] : i32 from vector<1xi32>
      %add3A_256 = arith.constant 128 : i32
      %add3A_257 = arith.addi %add3A_256, %add3A_209 : i32
      %add3A_258 = arith.constant 3 : i32
      %add3A_259 = arith.addi %add3A_257, %add3A_258 : i32
      %dma_start3A_260 = arith.constant 0 : i32
      %dma_start3A_261 = tpu.memref_slice %arg8[%add3A_259, %dma_start3A_260] : memref<512x64xf32, #tpu.memory_space<vmem>> -> memref<1x64xf32, #tpu.memory_space<vmem>>
      %dma_start3A_262 = arith.constant 0 : i32
      %dma_start3A_263 = tpu.memref_slice %arg3[%squeeze3A_255, %dma_start3A_262] : memref<100000x64xf32, #tpu.memory_space<hbm>> -> memref<1x64xf32, #tpu.memory_space<hbm>>
      %dma_start3A_264 = arith.constant 0 : i32
      %dma_start3A_265 = tpu.memref_slice %arg8[%add3A_259, %dma_start3A_264] : memref<512x64xf32, #tpu.memory_space<vmem>> -> memref<1x64xf32, #tpu.memory_space<vmem>>
      %dma_start3A_266 = arith.constant 0 : i32
      %dma_start3A_267 = tpu.memref_slice %arg3[%squeeze3A_255, %dma_start3A_266] : memref<100000x64xf32, #tpu.memory_space<hbm>> -> memref<1x64xf32, #tpu.memory_space<hbm>>
      tpu.enqueue_dma source(%dma_start3A_267 : memref<1x64xf32, #tpu.memory_space<hbm>>) target(%dma_start3A_265 : memref<1x64xf32, #tpu.memory_space<vmem>>) target_semaphore(%arg13 : memref<!tpu.dma_semaphore, #tpu.memory_space<semaphore_mem>>)
      %slice3A_268 = vector.extract_strided_slice %get3A_213 {offsets = [4], sizes = [1], strides = [1]} : vector<16xi32> to vector<1xi32>
      %squeeze3A_269 = vector.extract %slice3A_268[0] : i32 from vector<1xi32>
      %add3A_270 = arith.constant 128 : i32
      %add3A_271 = arith.addi %add3A_270, %add3A_209 : i32
      %add3A_272 = arith.constant 4 : i32
      %add3A_273 = arith.addi %add3A_271, %add3A_272 : i32
      %dma_start3A_274 = arith.constant 0 : i32
      %dma_start3A_275 = tpu.memref_slice %arg8[%add3A_273, %dma_start3A_274] : memref<512x64xf32, #tpu.memory_space<vmem>> -> memref<1x64xf32, #tpu.memory_space<vmem>>
      %dma_start3A_276 = arith.constant 0 : i32
      %dma_start3A_277 = tpu.memref_slice %arg3[%squeeze3A_269, %dma_start3A_276] : memref<100000x64xf32, #tpu.memory_space<hbm>> -> memref<1x64xf32, #tpu.memory_space<hbm>>
      %dma_start3A_278 = arith.constant 0 : i32
      %dma_start3A_279 = tpu.memref_slice %arg8[%add3A_273, %dma_start3A_278] : memref<512x64xf32, #tpu.memory_space<vmem>> -> memref<1x64xf32, #tpu.memory_space<vmem>>
      %dma_start3A_280 = arith.constant 0 : i32
      %dma_start3A_281 = tpu.memref_slice %arg3[%squeeze3A_269, %dma_start3A_280] : memref<100000x64xf32, #tpu.memory_space<hbm>> -> memref<1x64xf32, #tpu.memory_space<hbm>>
      tpu.enqueue_dma source(%dma_start3A_281 : memref<1x64xf32, #tpu.memory_space<hbm>>) target(%dma_start3A_279 : memref<1x64xf32, #tpu.memory_space<vmem>>) target_semaphore(%arg13 : memref<!tpu.dma_semaphore, #tpu.memory_space<semaphore_mem>>)
      %slice3A_282 = vector.extract_strided_slice %get3A_213 {offsets = [5], sizes = [1], strides = [1]} : vector<16xi32> to vector<1xi32>
      %squeeze3A_283 = vector.extract %slice3A_282[0] : i32 from vector<1xi32>
      %add3A_284 = arith.constant 128 : i32
      %add3A_285 = arith.addi %add3A_284, %add3A_209 : i32
      %add3A_286 = arith.constant 5 : i32
      %add3A_287 = arith.addi %add3A_285, %add3A_286 : i32
      %dma_start3A_288 = arith.constant 0 : i32
      %dma_start3A_289 = tpu.memref_slice %arg8[%add3A_287, %dma_start3A_288] : memref<512x64xf32, #tpu.memory_space<vmem>> -> memref<1x64xf32, #tpu.memory_space<vmem>>
      %dma_start3A_290 = arith.constant 0 : i32
      %dma_start3A_291 = tpu.memref_slice %arg3[%squeeze3A_283, %dma_start3A_290] : memref<100000x64xf32, #tpu.memory_space<hbm>> -> memref<1x64xf32, #tpu.memory_space<hbm>>
      %dma_start3A_292 = arith.constant 0 : i32
      %dma_start3A_293 = tpu.memref_slice %arg8[%add3A_287, %dma_start3A_292] : memref<512x64xf32, #tpu.memory_space<vmem>> -> memref<1x64xf32, #tpu.memory_space<vmem>>
      %dma_start3A_294 = arith.constant 0 : i32
      %dma_start3A_295 = tpu.memref_slice %arg3[%squeeze3A_283, %dma_start3A_294] : memref<100000x64xf32, #tpu.memory_space<hbm>> -> memref<1x64xf32, #tpu.memory_space<hbm>>
      tpu.enqueue_dma source(%dma_start3A_295 : memref<1x64xf32, #tpu.memory_space<hbm>>) target(%dma_start3A_293 : memref<1x64xf32, #tpu.memory_space<vmem>>) target_semaphore(%arg13 : memref<!tpu.dma_semaphore, #tpu.memory_space<semaphore_mem>>)
      %slice3A_296 = vector.extract_strided_slice %get3A_213 {offsets = [6], sizes = [1], strides = [1]} : vector<16xi32> to vector<1xi32>
      %squeeze3A_297 = vector.extract %slice3A_296[0] : i32 from vector<1xi32>
      %add3A_298 = arith.constant 128 : i32
      %add3A_299 = arith.addi %add3A_298, %add3A_209 : i32
      %add3A_300 = arith.constant 6 : i32
      %add3A_301 = arith.addi %add3A_299, %add3A_300 : i32
      %dma_start3A_302 = arith.constant 0 : i32
      %dma_start3A_303 = tpu.memref_slice %arg8[%add3A_301, %dma_start3A_302] : memref<512x64xf32, #tpu.memory_space<vmem>> -> memref<1x64xf32, #tpu.memory_space<vmem>>
      %dma_start3A_304 = arith.constant 0 : i32
      %dma_start3A_305 = tpu.memref_slice %arg3[%squeeze3A_297, %dma_start3A_304] : memref<100000x64xf32, #tpu.memory_space<hbm>> -> memref<1x64xf32, #tpu.memory_space<hbm>>
      %dma_start3A_306 = arith.constant 0 : i32
      %dma_start3A_307 = tpu.memref_slice %arg8[%add3A_301, %dma_start3A_306] : memref<512x64xf32, #tpu.memory_space<vmem>> -> memref<1x64xf32, #tpu.memory_space<vmem>>
      %dma_start3A_308 = arith.constant 0 : i32
      %dma_start3A_309 = tpu.memref_slice %arg3[%squeeze3A_297, %dma_start3A_308] : memref<100000x64xf32, #tpu.memory_space<hbm>> -> memref<1x64xf32, #tpu.memory_space<hbm>>
      tpu.enqueue_dma source(%dma_start3A_309 : memref<1x64xf32, #tpu.memory_space<hbm>>) target(%dma_start3A_307 : memref<1x64xf32, #tpu.memory_space<vmem>>) target_semaphore(%arg13 : memref<!tpu.dma_semaphore, #tpu.memory_space<semaphore_mem>>)
      %slice3A_310 = vector.extract_strided_slice %get3A_213 {offsets = [7], sizes = [1], strides = [1]} : vector<16xi32> to vector<1xi32>
      %squeeze3A_311 = vector.extract %slice3A_310[0] : i32 from vector<1xi32>
      %add3A_312 = arith.constant 128 : i32
      %add3A_313 = arith.addi %add3A_312, %add3A_209 : i32
      %add3A_314 = arith.constant 7 : i32
      %add3A_315 = arith.addi %add3A_313, %add3A_314 : i32
      %dma_start3A_316 = arith.constant 0 : i32
      %dma_start3A_317 = tpu.memref_slice %arg8[%add3A_315, %dma_start3A_316] : memref<512x64xf32, #tpu.memory_space<vmem>> -> memref<1x64xf32, #tpu.memory_space<vmem>>
      %dma_start3A_318 = arith.constant 0 : i32
      %dma_start3A_319 = tpu.memref_slice %arg3[%squeeze3A_311, %dma_start3A_318] : memref<100000x64xf32, #tpu.memory_space<hbm>> -> memref<1x64xf32, #tpu.memory_space<hbm>>
      %dma_start3A_320 = arith.constant 0 : i32
      %dma_start3A_321 = tpu.memref_slice %arg8[%add3A_315, %dma_start3A_320] : memref<512x64xf32, #tpu.memory_space<vmem>> -> memref<1x64xf32, #tpu.memory_space<vmem>>
      %dma_start3A_322 = arith.constant 0 : i32
      %dma_start3A_323 = tpu.memref_slice %arg3[%squeeze3A_311, %dma_start3A_322] : memref<100000x64xf32, #tpu.memory_space<hbm>> -> memref<1x64xf32, #tpu.memory_space<hbm>>
      tpu.enqueue_dma source(%dma_start3A_323 : memref<1x64xf32, #tpu.memory_space<hbm>>) target(%dma_start3A_321 : memref<1x64xf32, #tpu.memory_space<vmem>>) target_semaphore(%arg13 : memref<!tpu.dma_semaphore, #tpu.memory_space<semaphore_mem>>)
      %slice3A_324 = vector.extract_strided_slice %get3A_213 {offsets = [8], sizes = [1], strides = [1]} : vector<16xi32> to vector<1xi32>
      %squeeze3A_325 = vector.extract %slice3A_324[0] : i32 from vector<1xi32>
      %add3A_326 = arith.constant 128 : i32
      %add3A_327 = arith.addi %add3A_326, %add3A_209 : i32
      %add3A_328 = arith.constant 8 : i32
      %add3A_329 = arith.addi %add3A_327, %add3A_328 : i32
      %dma_start3A_330 = arith.constant 0 : i32
      %dma_start3A_331 = tpu.memref_slice %arg8[%add3A_329, %dma_start3A_330] : memref<512x64xf32, #tpu.memory_space<vmem>> -> memref<1x64xf32, #tpu.memory_space<vmem>>
      %dma_start3A_332 = arith.constant 0 : i32
      %dma_start3A_333 = tpu.memref_slice %arg3[%squeeze3A_325, %dma_start3A_332] : memref<100000x64xf32, #tpu.memory_space<hbm>> -> memref<1x64xf32, #tpu.memory_space<hbm>>
      %dma_start3A_334 = arith.constant 0 : i32
      %dma_start3A_335 = tpu.memref_slice %arg8[%add3A_329, %dma_start3A_334] : memref<512x64xf32, #tpu.memory_space<vmem>> -> memref<1x64xf32, #tpu.memory_space<vmem>>
      %dma_start3A_336 = arith.constant 0 : i32
      %dma_start3A_337 = tpu.memref_slice %arg3[%squeeze3A_325, %dma_start3A_336] : memref<100000x64xf32, #tpu.memory_space<hbm>> -> memref<1x64xf32, #tpu.memory_space<hbm>>
      tpu.enqueue_dma source(%dma_start3A_337 : memref<1x64xf32, #tpu.memory_space<hbm>>) target(%dma_start3A_335 : memref<1x64xf32, #tpu.memory_space<vmem>>) target_semaphore(%arg13 : memref<!tpu.dma_semaphore, #tpu.memory_space<semaphore_mem>>)
      %slice3A_338 = vector.extract_strided_slice %get3A_213 {offsets = [9], sizes = [1], strides = [1]} : vector<16xi32> to vector<1xi32>
      %squeeze3A_339 = vector.extract %slice3A_338[0] : i32 from vector<1xi32>
      %add3A_340 = arith.constant 128 : i32
      %add3A_341 = arith.addi %add3A_340, %add3A_209 : i32
      %add3A_342 = arith.constant 9 : i32
      %add3A_343 = arith.addi %add3A_341, %add3A_342 : i32
      %dma_start3A_344 = arith.constant 0 : i32
      %dma_start3A_345 = tpu.memref_slice %arg8[%add3A_343, %dma_start3A_344] : memref<512x64xf32, #tpu.memory_space<vmem>> -> memref<1x64xf32, #tpu.memory_space<vmem>>
      %dma_start3A_346 = arith.constant 0 : i32
      %dma_start3A_347 = tpu.memref_slice %arg3[%squeeze3A_339, %dma_start3A_346] : memref<100000x64xf32, #tpu.memory_space<hbm>> -> memref<1x64xf32, #tpu.memory_space<hbm>>
      %dma_start3A_348 = arith.constant 0 : i32
      %dma_start3A_349 = tpu.memref_slice %arg8[%add3A_343, %dma_start3A_348] : memref<512x64xf32, #tpu.memory_space<vmem>> -> memref<1x64xf32, #tpu.memory_space<vmem>>
      %dma_start3A_350 = arith.constant 0 : i32
      %dma_start3A_351 = tpu.memref_slice %arg3[%squeeze3A_339, %dma_start3A_350] : memref<100000x64xf32, #tpu.memory_space<hbm>> -> memref<1x64xf32, #tpu.memory_space<hbm>>
      tpu.enqueue_dma source(%dma_start3A_351 : memref<1x64xf32, #tpu.memory_space<hbm>>) target(%dma_start3A_349 : memref<1x64xf32, #tpu.memory_space<vmem>>) target_semaphore(%arg13 : memref<!tpu.dma_semaphore, #tpu.memory_space<semaphore_mem>>)
      %slice3A_352 = vector.extract_strided_slice %get3A_213 {offsets = [10], sizes = [1], strides = [1]} : vector<16xi32> to vector<1xi32>
      %squeeze3A_353 = vector.extract %slice3A_352[0] : i32 from vector<1xi32>
      %add3A_354 = arith.constant 128 : i32
      %add3A_355 = arith.addi %add3A_354, %add3A_209 : i32
      %add3A_356 = arith.constant 10 : i32
      %add3A_357 = arith.addi %add3A_355, %add3A_356 : i32
      %dma_start3A_358 = arith.constant 0 : i32
      %dma_start3A_359 = tpu.memref_slice %arg8[%add3A_357, %dma_start3A_358] : memref<512x64xf32, #tpu.memory_space<vmem>> -> memref<1x64xf32, #tpu.memory_space<vmem>>
      %dma_start3A_360 = arith.constant 0 : i32
      %dma_start3A_361 = tpu.memref_slice %arg3[%squeeze3A_353, %dma_start3A_360] : memref<100000x64xf32, #tpu.memory_space<hbm>> -> memref<1x64xf32, #tpu.memory_space<hbm>>
      %dma_start3A_362 = arith.constant 0 : i32
      %dma_start3A_363 = tpu.memref_slice %arg8[%add3A_357, %dma_start3A_362] : memref<512x64xf32, #tpu.memory_space<vmem>> -> memref<1x64xf32, #tpu.memory_space<vmem>>
      %dma_start3A_364 = arith.constant 0 : i32
      %dma_start3A_365 = tpu.memref_slice %arg3[%squeeze3A_353, %dma_start3A_364] : memref<100000x64xf32, #tpu.memory_space<hbm>> -> memref<1x64xf32, #tpu.memory_space<hbm>>
      tpu.enqueue_dma source(%dma_start3A_365 : memref<1x64xf32, #tpu.memory_space<hbm>>) target(%dma_start3A_363 : memref<1x64xf32, #tpu.memory_space<vmem>>) target_semaphore(%arg13 : memref<!tpu.dma_semaphore, #tpu.memory_space<semaphore_mem>>)
      %slice3A_366 = vector.extract_strided_slice %get3A_213 {offsets = [11], sizes = [1], strides = [1]} : vector<16xi32> to vector<1xi32>
      %squeeze3A_367 = vector.extract %slice3A_366[0] : i32 from vector<1xi32>
      %add3A_368 = arith.constant 128 : i32
      %add3A_369 = arith.addi %add3A_368, %add3A_209 : i32
      %add3A_370 = arith.constant 11 : i32
      %add3A_371 = arith.addi %add3A_369, %add3A_370 : i32
      %dma_start3A_372 = arith.constant 0 : i32
      %dma_start3A_373 = tpu.memref_slice %arg8[%add3A_371, %dma_start3A_372] : memref<512x64xf32, #tpu.memory_space<vmem>> -> memref<1x64xf32, #tpu.memory_space<vmem>>
      %dma_start3A_374 = arith.constant 0 : i32
      %dma_start3A_375 = tpu.memref_slice %arg3[%squeeze3A_367, %dma_start3A_374] : memref<100000x64xf32, #tpu.memory_space<hbm>> -> memref<1x64xf32, #tpu.memory_space<hbm>>
      %dma_start3A_376 = arith.constant 0 : i32
      %dma_start3A_377 = tpu.memref_slice %arg8[%add3A_371, %dma_start3A_376] : memref<512x64xf32, #tpu.memory_space<vmem>> -> memref<1x64xf32, #tpu.memory_space<vmem>>
      %dma_start3A_378 = arith.constant 0 : i32
      %dma_start3A_379 = tpu.memref_slice %arg3[%squeeze3A_367, %dma_start3A_378] : memref<100000x64xf32, #tpu.memory_space<hbm>> -> memref<1x64xf32, #tpu.memory_space<hbm>>
      tpu.enqueue_dma source(%dma_start3A_379 : memref<1x64xf32, #tpu.memory_space<hbm>>) target(%dma_start3A_377 : memref<1x64xf32, #tpu.memory_space<vmem>>) target_semaphore(%arg13 : memref<!tpu.dma_semaphore, #tpu.memory_space<semaphore_mem>>)
      %slice3A_380 = vector.extract_strided_slice %get3A_213 {offsets = [12], sizes = [1], strides = [1]} : vector<16xi32> to vector<1xi32>
      %squeeze3A_381 = vector.extract %slice3A_380[0] : i32 from vector<1xi32>
      %add3A_382 = arith.constant 128 : i32
      %add3A_383 = arith.addi %add3A_382, %add3A_209 : i32
      %add3A_384 = arith.constant 12 : i32
      %add3A_385 = arith.addi %add3A_383, %add3A_384 : i32
      %dma_start3A_386 = arith.constant 0 : i32
      %dma_start3A_387 = tpu.memref_slice %arg8[%add3A_385, %dma_start3A_386] : memref<512x64xf32, #tpu.memory_space<vmem>> -> memref<1x64xf32, #tpu.memory_space<vmem>>
      %dma_start3A_388 = arith.constant 0 : i32
      %dma_start3A_389 = tpu.memref_slice %arg3[%squeeze3A_381, %dma_start3A_388] : memref<100000x64xf32, #tpu.memory_space<hbm>> -> memref<1x64xf32, #tpu.memory_space<hbm>>
      %dma_start3A_390 = arith.constant 0 : i32
      %dma_start3A_391 = tpu.memref_slice %arg8[%add3A_385, %dma_start3A_390] : memref<512x64xf32, #tpu.memory_space<vmem>> -> memref<1x64xf32, #tpu.memory_space<vmem>>
      %dma_start3A_392 = arith.constant 0 : i32
      %dma_start3A_393 = tpu.memref_slice %arg3[%squeeze3A_381, %dma_start3A_392] : memref<100000x64xf32, #tpu.memory_space<hbm>> -> memref<1x64xf32, #tpu.memory_space<hbm>>
      tpu.enqueue_dma source(%dma_start3A_393 : memref<1x64xf32, #tpu.memory_space<hbm>>) target(%dma_start3A_391 : memref<1x64xf32, #tpu.memory_space<vmem>>) target_semaphore(%arg13 : memref<!tpu.dma_semaphore, #tpu.memory_space<semaphore_mem>>)
      %slice3A_394 = vector.extract_strided_slice %get3A_213 {offsets = [13], sizes = [1], strides = [1]} : vector<16xi32> to vector<1xi32>
      %squeeze3A_395 = vector.extract %slice3A_394[0] : i32 from vector<1xi32>
      %add3A_396 = arith.constant 128 : i32
      %add3A_397 = arith.addi %add3A_396, %add3A_209 : i32
      %add3A_398 = arith.constant 13 : i32
      %add3A_399 = arith.addi %add3A_397, %add3A_398 : i32
      %dma_start3A_400 = arith.constant 0 : i32
      %dma_start3A_401 = tpu.memref_slice %arg8[%add3A_399, %dma_start3A_400] : memref<512x64xf32, #tpu.memory_space<vmem>> -> memref<1x64xf32, #tpu.memory_space<vmem>>
      %dma_start3A_402 = arith.constant 0 : i32
      %dma_start3A_403 = tpu.memref_slice %arg3[%squeeze3A_395, %dma_start3A_402] : memref<100000x64xf32, #tpu.memory_space<hbm>> -> memref<1x64xf32, #tpu.memory_space<hbm>>
      %dma_start3A_404 = arith.constant 0 : i32
      %dma_start3A_405 = tpu.memref_slice %arg8[%add3A_399, %dma_start3A_404] : memref<512x64xf32, #tpu.memory_space<vmem>> -> memref<1x64xf32, #tpu.memory_space<vmem>>
      %dma_start3A_406 = arith.constant 0 : i32
      %dma_start3A_407 = tpu.memref_slice %arg3[%squeeze3A_395, %dma_start3A_406] : memref<100000x64xf32, #tpu.memory_space<hbm>> -> memref<1x64xf32, #tpu.memory_space<hbm>>
      tpu.enqueue_dma source(%dma_start3A_407 : memref<1x64xf32, #tpu.memory_space<hbm>>) target(%dma_start3A_405 : memref<1x64xf32, #tpu.memory_space<vmem>>) target_semaphore(%arg13 : memref<!tpu.dma_semaphore, #tpu.memory_space<semaphore_mem>>)
      %slice3A_408 = vector.extract_strided_slice %get3A_213 {offsets = [14], sizes = [1], strides = [1]} : vector<16xi32> to vector<1xi32>
      %squeeze3A_409 = vector.extract %slice3A_408[0] : i32 from vector<1xi32>
      %add3A_410 = arith.constant 128 : i32
      %add3A_411 = arith.addi %add3A_410, %add3A_209 : i32
      %add3A_412 = arith.constant 14 : i32
      %add3A_413 = arith.addi %add3A_411, %add3A_412 : i32
      %dma_start3A_414 = arith.constant 0 : i32
      %dma_start3A_415 = tpu.memref_slice %arg8[%add3A_413, %dma_start3A_414] : memref<512x64xf32, #tpu.memory_space<vmem>> -> memref<1x64xf32, #tpu.memory_space<vmem>>
      %dma_start3A_416 = arith.constant 0 : i32
      %dma_start3A_417 = tpu.memref_slice %arg3[%squeeze3A_409, %dma_start3A_416] : memref<100000x64xf32, #tpu.memory_space<hbm>> -> memref<1x64xf32, #tpu.memory_space<hbm>>
      %dma_start3A_418 = arith.constant 0 : i32
      %dma_start3A_419 = tpu.memref_slice %arg8[%add3A_413, %dma_start3A_418] : memref<512x64xf32, #tpu.memory_space<vmem>> -> memref<1x64xf32, #tpu.memory_space<vmem>>
      %dma_start3A_420 = arith.constant 0 : i32
      %dma_start3A_421 = tpu.memref_slice %arg3[%squeeze3A_409, %dma_start3A_420] : memref<100000x64xf32, #tpu.memory_space<hbm>> -> memref<1x64xf32, #tpu.memory_space<hbm>>
      tpu.enqueue_dma source(%dma_start3A_421 : memref<1x64xf32, #tpu.memory_space<hbm>>) target(%dma_start3A_419 : memref<1x64xf32, #tpu.memory_space<vmem>>) target_semaphore(%arg13 : memref<!tpu.dma_semaphore, #tpu.memory_space<semaphore_mem>>)
      %slice3A_422 = vector.extract_strided_slice %get3A_213 {offsets = [15], sizes = [1], strides = [1]} : vector<16xi32> to vector<1xi32>
      %squeeze3A_423 = vector.extract %slice3A_422[0] : i32 from vector<1xi32>
      %add3A_424 = arith.constant 128 : i32
      %add3A_425 = arith.addi %add3A_424, %add3A_209 : i32
      %add3A_426 = arith.constant 15 : i32
      %add3A_427 = arith.addi %add3A_425, %add3A_426 : i32
      %dma_start3A_428 = arith.constant 0 : i32
      %dma_start3A_429 = tpu.memref_slice %arg8[%add3A_427, %dma_start3A_428] : memref<512x64xf32, #tpu.memory_space<vmem>> -> memref<1x64xf32, #tpu.memory_space<vmem>>
      %dma_start3A_430 = arith.constant 0 : i32
      %dma_start3A_431 = tpu.memref_slice %arg3[%squeeze3A_423, %dma_start3A_430] : memref<100000x64xf32, #tpu.memory_space<hbm>> -> memref<1x64xf32, #tpu.memory_space<hbm>>
      %dma_start3A_432 = arith.constant 0 : i32
      %dma_start3A_433 = tpu.memref_slice %arg8[%add3A_427, %dma_start3A_432] : memref<512x64xf32, #tpu.memory_space<vmem>> -> memref<1x64xf32, #tpu.memory_space<vmem>>
      %dma_start3A_434 = arith.constant 0 : i32
      %dma_start3A_435 = tpu.memref_slice %arg3[%squeeze3A_423, %dma_start3A_434] : memref<100000x64xf32, #tpu.memory_space<hbm>> -> memref<1x64xf32, #tpu.memory_space<hbm>>
      tpu.enqueue_dma source(%dma_start3A_435 : memref<1x64xf32, #tpu.memory_space<hbm>>) target(%dma_start3A_433 : memref<1x64xf32, #tpu.memory_space<vmem>>) target_semaphore(%arg13 : memref<!tpu.dma_semaphore, #tpu.memory_space<semaphore_mem>>)
    }
    %scan3A_11 = arith.constant 8 : i32
    %scan3A_12 = arith.constant 0 : i32
    %scan3A_13 = arith.constant 8 : i32
    %scan3A_14 = arith.addi %scan3A_12, %scan3A_13 : i32
    %scan3A_15 = arith.constant 1 : i32
    scf.for %scan3A_205 = %scan3A_12 to %scan3A_14 step %scan3A_15  : i32 {
      %mul3A_206 = arith.constant 16 : i32
      %mul3A_207 = arith.muli %scan3A_205, %mul3A_206 : i32
      %add3A_208 = arith.constant 0 : i32
      %add3A_209 = arith.addi %add3A_208, %mul3A_207 : i32
      %get3A = arith.constant 2 : i32
      %get3A_210 = arith.index_cast %get3A : i32 to index
      %get3A_211 = arith.index_cast %add3A_209 : i32 to index
      %get3A_212 = tpu.vector_load %arg6[%get3A_210, %get3A_211] {strides = array<i32>} : memref<4x128xi32, #tpu.memory_space<vmem>>, vector<1x16xi32>,
      %get3A_213 = vector.shape_cast %get3A_212 : vector<1x16xi32> to vector<16xi32>
      %slice3A = vector.extract_strided_slice %get3A_213 {offsets = [0], sizes = [1], strides = [1]} : vector<16xi32> to vector<1xi32>
      %squeeze3A = vector.extract %slice3A[0] : i32 from vector<1xi32>
      %add3A_214 = arith.constant 256 : i32
      %add3A_215 = arith.addi %add3A_214, %add3A_209 : i32
      %add3A_216 = arith.constant 0 : i32
      %add3A_217 = arith.addi %add3A_215, %add3A_216 : i32
      %dma_start3A_218 = arith.constant 0 : i32
      %dma_start3A_219 = tpu.memref_slice %arg8[%add3A_217, %dma_start3A_218] : memref<512x64xf32, #tpu.memory_space<vmem>> -> memref<1x64xf32, #tpu.memory_space<vmem>>
      %dma_start3A_220 = arith.constant 0 : i32
      %dma_start3A_221 = tpu.memref_slice %arg3[%squeeze3A, %dma_start3A_220] : memref<100000x64xf32, #tpu.memory_space<hbm>> -> memref<1x64xf32, #tpu.memory_space<hbm>>
      %dma_start3A_222 = arith.constant 0 : i32
      %dma_start3A_223 = tpu.memref_slice %arg8[%add3A_217, %dma_start3A_222] : memref<512x64xf32, #tpu.memory_space<vmem>> -> memref<1x64xf32, #tpu.memory_space<vmem>>
      %dma_start3A_224 = arith.constant 0 : i32
      %dma_start3A_225 = tpu.memref_slice %arg3[%squeeze3A, %dma_start3A_224] : memref<100000x64xf32, #tpu.memory_space<hbm>> -> memref<1x64xf32, #tpu.memory_space<hbm>>
      tpu.enqueue_dma source(%dma_start3A_225 : memref<1x64xf32, #tpu.memory_space<hbm>>) target(%dma_start3A_223 : memref<1x64xf32, #tpu.memory_space<vmem>>) target_semaphore(%arg13 : memref<!tpu.dma_semaphore, #tpu.memory_space<semaphore_mem>>)
      %slice3A_226 = vector.extract_strided_slice %get3A_213 {offsets = [1], sizes = [1], strides = [1]} : vector<16xi32> to vector<1xi32>
      %squeeze3A_227 = vector.extract %slice3A_226[0] : i32 from vector<1xi32>
      %add3A_228 = arith.constant 256 : i32
      %add3A_229 = arith.addi %add3A_228, %add3A_209 : i32
      %add3A_230 = arith.constant 1 : i32
      %add3A_231 = arith.addi %add3A_229, %add3A_230 : i32
      %dma_start3A_232 = arith.constant 0 : i32
      %dma_start3A_233 = tpu.memref_slice %arg8[%add3A_231, %dma_start3A_232] : memref<512x64xf32, #tpu.memory_space<vmem>> -> memref<1x64xf32, #tpu.memory_space<vmem>>
      %dma_start3A_234 = arith.constant 0 : i32
      %dma_start3A_235 = tpu.memref_slice %arg3[%squeeze3A_227, %dma_start3A_234] : memref<100000x64xf32, #tpu.memory_space<hbm>> -> memref<1x64xf32, #tpu.memory_space<hbm>>
      %dma_start3A_236 = arith.constant 0 : i32
      %dma_start3A_237 = tpu.memref_slice %arg8[%add3A_231, %dma_start3A_236] : memref<512x64xf32, #tpu.memory_space<vmem>> -> memref<1x64xf32, #tpu.memory_space<vmem>>
      %dma_start3A_238 = arith.constant 0 : i32
      %dma_start3A_239 = tpu.memref_slice %arg3[%squeeze3A_227, %dma_start3A_238] : memref<100000x64xf32, #tpu.memory_space<hbm>> -> memref<1x64xf32, #tpu.memory_space<hbm>>
      tpu.enqueue_dma source(%dma_start3A_239 : memref<1x64xf32, #tpu.memory_space<hbm>>) target(%dma_start3A_237 : memref<1x64xf32, #tpu.memory_space<vmem>>) target_semaphore(%arg13 : memref<!tpu.dma_semaphore, #tpu.memory_space<semaphore_mem>>)
      %slice3A_240 = vector.extract_strided_slice %get3A_213 {offsets = [2], sizes = [1], strides = [1]} : vector<16xi32> to vector<1xi32>
      %squeeze3A_241 = vector.extract %slice3A_240[0] : i32 from vector<1xi32>
      %add3A_242 = arith.constant 256 : i32
      %add3A_243 = arith.addi %add3A_242, %add3A_209 : i32
      %add3A_244 = arith.constant 2 : i32
      %add3A_245 = arith.addi %add3A_243, %add3A_244 : i32
      %dma_start3A_246 = arith.constant 0 : i32
      %dma_start3A_247 = tpu.memref_slice %arg8[%add3A_245, %dma_start3A_246] : memref<512x64xf32, #tpu.memory_space<vmem>> -> memref<1x64xf32, #tpu.memory_space<vmem>>
      %dma_start3A_248 = arith.constant 0 : i32
      %dma_start3A_249 = tpu.memref_slice %arg3[%squeeze3A_241, %dma_start3A_248] : memref<100000x64xf32, #tpu.memory_space<hbm>> -> memref<1x64xf32, #tpu.memory_space<hbm>>
      %dma_start3A_250 = arith.constant 0 : i32
      %dma_start3A_251 = tpu.memref_slice %arg8[%add3A_245, %dma_start3A_250] : memref<512x64xf32, #tpu.memory_space<vmem>> -> memref<1x64xf32, #tpu.memory_space<vmem>>
      %dma_start3A_252 = arith.constant 0 : i32
      %dma_start3A_253 = tpu.memref_slice %arg3[%squeeze3A_241, %dma_start3A_252] : memref<100000x64xf32, #tpu.memory_space<hbm>> -> memref<1x64xf32, #tpu.memory_space<hbm>>
      tpu.enqueue_dma source(%dma_start3A_253 : memref<1x64xf32, #tpu.memory_space<hbm>>) target(%dma_start3A_251 : memref<1x64xf32, #tpu.memory_space<vmem>>) target_semaphore(%arg13 : memref<!tpu.dma_semaphore, #tpu.memory_space<semaphore_mem>>)
      %slice3A_254 = vector.extract_strided_slice %get3A_213 {offsets = [3], sizes = [1], strides = [1]} : vector<16xi32> to vector<1xi32>
      %squeeze3A_255 = vector.extract %slice3A_254[0] : i32 from vector<1xi32>
      %add3A_256 = arith.constant 256 : i32
      %add3A_257 = arith.addi %add3A_256, %add3A_209 : i32
      %add3A_258 = arith.constant 3 : i32
      %add3A_259 = arith.addi %add3A_257, %add3A_258 : i32
      %dma_start3A_260 = arith.constant 0 : i32
      %dma_start3A_261 = tpu.memref_slice %arg8[%add3A_259, %dma_start3A_260] : memref<512x64xf32, #tpu.memory_space<vmem>> -> memref<1x64xf32, #tpu.memory_space<vmem>>
      %dma_start3A_262 = arith.constant 0 : i32
      %dma_start3A_263 = tpu.memref_slice %arg3[%squeeze3A_255, %dma_start3A_262] : memref<100000x64xf32, #tpu.memory_space<hbm>> -> memref<1x64xf32, #tpu.memory_space<hbm>>
      %dma_start3A_264 = arith.constant 0 : i32
      %dma_start3A_265 = tpu.memref_slice %arg8[%add3A_259, %dma_start3A_264] : memref<512x64xf32, #tpu.memory_space<vmem>> -> memref<1x64xf32, #tpu.memory_space<vmem>>
      %dma_start3A_266 = arith.constant 0 : i32
      %dma_start3A_267 = tpu.memref_slice %arg3[%squeeze3A_255, %dma_start3A_266] : memref<100000x64xf32, #tpu.memory_space<hbm>> -> memref<1x64xf32, #tpu.memory_space<hbm>>
      tpu.enqueue_dma source(%dma_start3A_267 : memref<1x64xf32, #tpu.memory_space<hbm>>) target(%dma_start3A_265 : memref<1x64xf32, #tpu.memory_space<vmem>>) target_semaphore(%arg13 : memref<!tpu.dma_semaphore, #tpu.memory_space<semaphore_mem>>)
      %slice3A_268 = vector.extract_strided_slice %get3A_213 {offsets = [4], sizes = [1], strides = [1]} : vector<16xi32> to vector<1xi32>
      %squeeze3A_269 = vector.extract %slice3A_268[0] : i32 from vector<1xi32>
      %add3A_270 = arith.constant 256 : i32
      %add3A_271 = arith.addi %add3A_270, %add3A_209 : i32
      %add3A_272 = arith.constant 4 : i32
      %add3A_273 = arith.addi %add3A_271, %add3A_272 : i32
      %dma_start3A_274 = arith.constant 0 : i32
      %dma_start3A_275 = tpu.memref_slice %arg8[%add3A_273, %dma_start3A_274] : memref<512x64xf32, #tpu.memory_space<vmem>> -> memref<1x64xf32, #tpu.memory_space<vmem>>
      %dma_start3A_276 = arith.constant 0 : i32
      %dma_start3A_277 = tpu.memref_slice %arg3[%squeeze3A_269, %dma_start3A_276] : memref<100000x64xf32, #tpu.memory_space<hbm>> -> memref<1x64xf32, #tpu.memory_space<hbm>>
      %dma_start3A_278 = arith.constant 0 : i32
      %dma_start3A_279 = tpu.memref_slice %arg8[%add3A_273, %dma_start3A_278] : memref<512x64xf32, #tpu.memory_space<vmem>> -> memref<1x64xf32, #tpu.memory_space<vmem>>
      %dma_start3A_280 = arith.constant 0 : i32
      %dma_start3A_281 = tpu.memref_slice %arg3[%squeeze3A_269, %dma_start3A_280] : memref<100000x64xf32, #tpu.memory_space<hbm>> -> memref<1x64xf32, #tpu.memory_space<hbm>>
      tpu.enqueue_dma source(%dma_start3A_281 : memref<1x64xf32, #tpu.memory_space<hbm>>) target(%dma_start3A_279 : memref<1x64xf32, #tpu.memory_space<vmem>>) target_semaphore(%arg13 : memref<!tpu.dma_semaphore, #tpu.memory_space<semaphore_mem>>)
      %slice3A_282 = vector.extract_strided_slice %get3A_213 {offsets = [5], sizes = [1], strides = [1]} : vector<16xi32> to vector<1xi32>
      %squeeze3A_283 = vector.extract %slice3A_282[0] : i32 from vector<1xi32>
      %add3A_284 = arith.constant 256 : i32
      %add3A_285 = arith.addi %add3A_284, %add3A_209 : i32
      %add3A_286 = arith.constant 5 : i32
      %add3A_287 = arith.addi %add3A_285, %add3A_286 : i32
      %dma_start3A_288 = arith.constant 0 : i32
      %dma_start3A_289 = tpu.memref_slice %arg8[%add3A_287, %dma_start3A_288] : memref<512x64xf32, #tpu.memory_space<vmem>> -> memref<1x64xf32, #tpu.memory_space<vmem>>
      %dma_start3A_290 = arith.constant 0 : i32
      %dma_start3A_291 = tpu.memref_slice %arg3[%squeeze3A_283, %dma_start3A_290] : memref<100000x64xf32, #tpu.memory_space<hbm>> -> memref<1x64xf32, #tpu.memory_space<hbm>>
      %dma_start3A_292 = arith.constant 0 : i32
      %dma_start3A_293 = tpu.memref_slice %arg8[%add3A_287, %dma_start3A_292] : memref<512x64xf32, #tpu.memory_space<vmem>> -> memref<1x64xf32, #tpu.memory_space<vmem>>
      %dma_start3A_294 = arith.constant 0 : i32
      %dma_start3A_295 = tpu.memref_slice %arg3[%squeeze3A_283, %dma_start3A_294] : memref<100000x64xf32, #tpu.memory_space<hbm>> -> memref<1x64xf32, #tpu.memory_space<hbm>>
      tpu.enqueue_dma source(%dma_start3A_295 : memref<1x64xf32, #tpu.memory_space<hbm>>) target(%dma_start3A_293 : memref<1x64xf32, #tpu.memory_space<vmem>>) target_semaphore(%arg13 : memref<!tpu.dma_semaphore, #tpu.memory_space<semaphore_mem>>)
      %slice3A_296 = vector.extract_strided_slice %get3A_213 {offsets = [6], sizes = [1], strides = [1]} : vector<16xi32> to vector<1xi32>
      %squeeze3A_297 = vector.extract %slice3A_296[0] : i32 from vector<1xi32>
      %add3A_298 = arith.constant 256 : i32
      %add3A_299 = arith.addi %add3A_298, %add3A_209 : i32
      %add3A_300 = arith.constant 6 : i32
      %add3A_301 = arith.addi %add3A_299, %add3A_300 : i32
      %dma_start3A_302 = arith.constant 0 : i32
      %dma_start3A_303 = tpu.memref_slice %arg8[%add3A_301, %dma_start3A_302] : memref<512x64xf32, #tpu.memory_space<vmem>> -> memref<1x64xf32, #tpu.memory_space<vmem>>
      %dma_start3A_304 = arith.constant 0 : i32
      %dma_start3A_305 = tpu.memref_slice %arg3[%squeeze3A_297, %dma_start3A_304] : memref<100000x64xf32, #tpu.memory_space<hbm>> -> memref<1x64xf32, #tpu.memory_space<hbm>>
      %dma_start3A_306 = arith.constant 0 : i32
      %dma_start3A_307 = tpu.memref_slice %arg8[%add3A_301, %dma_start3A_306] : memref<512x64xf32, #tpu.memory_space<vmem>> -> memref<1x64xf32, #tpu.memory_space<vmem>>
      %dma_start3A_308 = arith.constant 0 : i32
      %dma_start3A_309 = tpu.memref_slice %arg3[%squeeze3A_297, %dma_start3A_308] : memref<100000x64xf32, #tpu.memory_space<hbm>> -> memref<1x64xf32, #tpu.memory_space<hbm>>
      tpu.enqueue_dma source(%dma_start3A_309 : memref<1x64xf32, #tpu.memory_space<hbm>>) target(%dma_start3A_307 : memref<1x64xf32, #tpu.memory_space<vmem>>) target_semaphore(%arg13 : memref<!tpu.dma_semaphore, #tpu.memory_space<semaphore_mem>>)
      %slice3A_310 = vector.extract_strided_slice %get3A_213 {offsets = [7], sizes = [1], strides = [1]} : vector<16xi32> to vector<1xi32>
      %squeeze3A_311 = vector.extract %slice3A_310[0] : i32 from vector<1xi32>
      %add3A_312 = arith.constant 256 : i32
      %add3A_313 = arith.addi %add3A_312, %add3A_209 : i32
      %add3A_314 = arith.constant 7 : i32
      %add3A_315 = arith.addi %add3A_313, %add3A_314 : i32
      %dma_start3A_316 = arith.constant 0 : i32
      %dma_start3A_317 = tpu.memref_slice %arg8[%add3A_315, %dma_start3A_316] : memref<512x64xf32, #tpu.memory_space<vmem>> -> memref<1x64xf32, #tpu.memory_space<vmem>>
      %dma_start3A_318 = arith.constant 0 : i32
      %dma_start3A_319 = tpu.memref_slice %arg3[%squeeze3A_311, %dma_start3A_318] : memref<100000x64xf32, #tpu.memory_space<hbm>> -> memref<1x64xf32, #tpu.memory_space<hbm>>
      %dma_start3A_320 = arith.constant 0 : i32
      %dma_start3A_321 = tpu.memref_slice %arg8[%add3A_315, %dma_start3A_320] : memref<512x64xf32, #tpu.memory_space<vmem>> -> memref<1x64xf32, #tpu.memory_space<vmem>>
      %dma_start3A_322 = arith.constant 0 : i32
      %dma_start3A_323 = tpu.memref_slice %arg3[%squeeze3A_311, %dma_start3A_322] : memref<100000x64xf32, #tpu.memory_space<hbm>> -> memref<1x64xf32, #tpu.memory_space<hbm>>
      tpu.enqueue_dma source(%dma_start3A_323 : memref<1x64xf32, #tpu.memory_space<hbm>>) target(%dma_start3A_321 : memref<1x64xf32, #tpu.memory_space<vmem>>) target_semaphore(%arg13 : memref<!tpu.dma_semaphore, #tpu.memory_space<semaphore_mem>>)
      %slice3A_324 = vector.extract_strided_slice %get3A_213 {offsets = [8], sizes = [1], strides = [1]} : vector<16xi32> to vector<1xi32>
      %squeeze3A_325 = vector.extract %slice3A_324[0] : i32 from vector<1xi32>
      %add3A_326 = arith.constant 256 : i32
      %add3A_327 = arith.addi %add3A_326, %add3A_209 : i32
      %add3A_328 = arith.constant 8 : i32
      %add3A_329 = arith.addi %add3A_327, %add3A_328 : i32
      %dma_start3A_330 = arith.constant 0 : i32
      %dma_start3A_331 = tpu.memref_slice %arg8[%add3A_329, %dma_start3A_330] : memref<512x64xf32, #tpu.memory_space<vmem>> -> memref<1x64xf32, #tpu.memory_space<vmem>>
      %dma_start3A_332 = arith.constant 0 : i32
      %dma_start3A_333 = tpu.memref_slice %arg3[%squeeze3A_325, %dma_start3A_332] : memref<100000x64xf32, #tpu.memory_space<hbm>> -> memref<1x64xf32, #tpu.memory_space<hbm>>
      %dma_start3A_334 = arith.constant 0 : i32
      %dma_start3A_335 = tpu.memref_slice %arg8[%add3A_329, %dma_start3A_334] : memref<512x64xf32, #tpu.memory_space<vmem>> -> memref<1x64xf32, #tpu.memory_space<vmem>>
      %dma_start3A_336 = arith.constant 0 : i32
      %dma_start3A_337 = tpu.memref_slice %arg3[%squeeze3A_325, %dma_start3A_336] : memref<100000x64xf32, #tpu.memory_space<hbm>> -> memref<1x64xf32, #tpu.memory_space<hbm>>
      tpu.enqueue_dma source(%dma_start3A_337 : memref<1x64xf32, #tpu.memory_space<hbm>>) target(%dma_start3A_335 : memref<1x64xf32, #tpu.memory_space<vmem>>) target_semaphore(%arg13 : memref<!tpu.dma_semaphore, #tpu.memory_space<semaphore_mem>>)
      %slice3A_338 = vector.extract_strided_slice %get3A_213 {offsets = [9], sizes = [1], strides = [1]} : vector<16xi32> to vector<1xi32>
      %squeeze3A_339 = vector.extract %slice3A_338[0] : i32 from vector<1xi32>
      %add3A_340 = arith.constant 256 : i32
      %add3A_341 = arith.addi %add3A_340, %add3A_209 : i32
      %add3A_342 = arith.constant 9 : i32
      %add3A_343 = arith.addi %add3A_341, %add3A_342 : i32
      %dma_start3A_344 = arith.constant 0 : i32
      %dma_start3A_345 = tpu.memref_slice %arg8[%add3A_343, %dma_start3A_344] : memref<512x64xf32, #tpu.memory_space<vmem>> -> memref<1x64xf32, #tpu.memory_space<vmem>>
      %dma_start3A_346 = arith.constant 0 : i32
      %dma_start3A_347 = tpu.memref_slice %arg3[%squeeze3A_339, %dma_start3A_346] : memref<100000x64xf32, #tpu.memory_space<hbm>> -> memref<1x64xf32, #tpu.memory_space<hbm>>
      %dma_start3A_348 = arith.constant 0 : i32
      %dma_start3A_349 = tpu.memref_slice %arg8[%add3A_343, %dma_start3A_348] : memref<512x64xf32, #tpu.memory_space<vmem>> -> memref<1x64xf32, #tpu.memory_space<vmem>>
      %dma_start3A_350 = arith.constant 0 : i32
      %dma_start3A_351 = tpu.memref_slice %arg3[%squeeze3A_339, %dma_start3A_350] : memref<100000x64xf32, #tpu.memory_space<hbm>> -> memref<1x64xf32, #tpu.memory_space<hbm>>
      tpu.enqueue_dma source(%dma_start3A_351 : memref<1x64xf32, #tpu.memory_space<hbm>>) target(%dma_start3A_349 : memref<1x64xf32, #tpu.memory_space<vmem>>) target_semaphore(%arg13 : memref<!tpu.dma_semaphore, #tpu.memory_space<semaphore_mem>>)
      %slice3A_352 = vector.extract_strided_slice %get3A_213 {offsets = [10], sizes = [1], strides = [1]} : vector<16xi32> to vector<1xi32>
      %squeeze3A_353 = vector.extract %slice3A_352[0] : i32 from vector<1xi32>
      %add3A_354 = arith.constant 256 : i32
      %add3A_355 = arith.addi %add3A_354, %add3A_209 : i32
      %add3A_356 = arith.constant 10 : i32
      %add3A_357 = arith.addi %add3A_355, %add3A_356 : i32
      %dma_start3A_358 = arith.constant 0 : i32
      %dma_start3A_359 = tpu.memref_slice %arg8[%add3A_357, %dma_start3A_358] : memref<512x64xf32, #tpu.memory_space<vmem>> -> memref<1x64xf32, #tpu.memory_space<vmem>>
      %dma_start3A_360 = arith.constant 0 : i32
      %dma_start3A_361 = tpu.memref_slice %arg3[%squeeze3A_353, %dma_start3A_360] : memref<100000x64xf32, #tpu.memory_space<hbm>> -> memref<1x64xf32, #tpu.memory_space<hbm>>
      %dma_start3A_362 = arith.constant 0 : i32
      %dma_start3A_363 = tpu.memref_slice %arg8[%add3A_357, %dma_start3A_362] : memref<512x64xf32, #tpu.memory_space<vmem>> -> memref<1x64xf32, #tpu.memory_space<vmem>>
      %dma_start3A_364 = arith.constant 0 : i32
      %dma_start3A_365 = tpu.memref_slice %arg3[%squeeze3A_353, %dma_start3A_364] : memref<100000x64xf32, #tpu.memory_space<hbm>> -> memref<1x64xf32, #tpu.memory_space<hbm>>
      tpu.enqueue_dma source(%dma_start3A_365 : memref<1x64xf32, #tpu.memory_space<hbm>>) target(%dma_start3A_363 : memref<1x64xf32, #tpu.memory_space<vmem>>) target_semaphore(%arg13 : memref<!tpu.dma_semaphore, #tpu.memory_space<semaphore_mem>>)
      %slice3A_366 = vector.extract_strided_slice %get3A_213 {offsets = [11], sizes = [1], strides = [1]} : vector<16xi32> to vector<1xi32>
      %squeeze3A_367 = vector.extract %slice3A_366[0] : i32 from vector<1xi32>
      %add3A_368 = arith.constant 256 : i32
      %add3A_369 = arith.addi %add3A_368, %add3A_209 : i32
      %add3A_370 = arith.constant 11 : i32
      %add3A_371 = arith.addi %add3A_369, %add3A_370 : i32
      %dma_start3A_372 = arith.constant 0 : i32
      %dma_start3A_373 = tpu.memref_slice %arg8[%add3A_371, %dma_start3A_372] : memref<512x64xf32, #tpu.memory_space<vmem>> -> memref<1x64xf32, #tpu.memory_space<vmem>>
      %dma_start3A_374 = arith.constant 0 : i32
      %dma_start3A_375 = tpu.memref_slice %arg3[%squeeze3A_367, %dma_start3A_374] : memref<100000x64xf32, #tpu.memory_space<hbm>> -> memref<1x64xf32, #tpu.memory_space<hbm>>
      %dma_start3A_376 = arith.constant 0 : i32
      %dma_start3A_377 = tpu.memref_slice %arg8[%add3A_371, %dma_start3A_376] : memref<512x64xf32, #tpu.memory_space<vmem>> -> memref<1x64xf32, #tpu.memory_space<vmem>>
      %dma_start3A_378 = arith.constant 0 : i32
      %dma_start3A_379 = tpu.memref_slice %arg3[%squeeze3A_367, %dma_start3A_378] : memref<100000x64xf32, #tpu.memory_space<hbm>> -> memref<1x64xf32, #tpu.memory_space<hbm>>
      tpu.enqueue_dma source(%dma_start3A_379 : memref<1x64xf32, #tpu.memory_space<hbm>>) target(%dma_start3A_377 : memref<1x64xf32, #tpu.memory_space<vmem>>) target_semaphore(%arg13 : memref<!tpu.dma_semaphore, #tpu.memory_space<semaphore_mem>>)
      %slice3A_380 = vector.extract_strided_slice %get3A_213 {offsets = [12], sizes = [1], strides = [1]} : vector<16xi32> to vector<1xi32>
      %squeeze3A_381 = vector.extract %slice3A_380[0] : i32 from vector<1xi32>
      %add3A_382 = arith.constant 256 : i32
      %add3A_383 = arith.addi %add3A_382, %add3A_209 : i32
      %add3A_384 = arith.constant 12 : i32
      %add3A_385 = arith.addi %add3A_383, %add3A_384 : i32
      %dma_start3A_386 = arith.constant 0 : i32
      %dma_start3A_387 = tpu.memref_slice %arg8[%add3A_385, %dma_start3A_386] : memref<512x64xf32, #tpu.memory_space<vmem>> -> memref<1x64xf32, #tpu.memory_space<vmem>>
      %dma_start3A_388 = arith.constant 0 : i32
      %dma_start3A_389 = tpu.memref_slice %arg3[%squeeze3A_381, %dma_start3A_388] : memref<100000x64xf32, #tpu.memory_space<hbm>> -> memref<1x64xf32, #tpu.memory_space<hbm>>
      %dma_start3A_390 = arith.constant 0 : i32
      %dma_start3A_391 = tpu.memref_slice %arg8[%add3A_385, %dma_start3A_390] : memref<512x64xf32, #tpu.memory_space<vmem>> -> memref<1x64xf32, #tpu.memory_space<vmem>>
      %dma_start3A_392 = arith.constant 0 : i32
      %dma_start3A_393 = tpu.memref_slice %arg3[%squeeze3A_381, %dma_start3A_392] : memref<100000x64xf32, #tpu.memory_space<hbm>> -> memref<1x64xf32, #tpu.memory_space<hbm>>
      tpu.enqueue_dma source(%dma_start3A_393 : memref<1x64xf32, #tpu.memory_space<hbm>>) target(%dma_start3A_391 : memref<1x64xf32, #tpu.memory_space<vmem>>) target_semaphore(%arg13 : memref<!tpu.dma_semaphore, #tpu.memory_space<semaphore_mem>>)
      %slice3A_394 = vector.extract_strided_slice %get3A_213 {offsets = [13], sizes = [1], strides = [1]} : vector<16xi32> to vector<1xi32>
      %squeeze3A_395 = vector.extract %slice3A_394[0] : i32 from vector<1xi32>
      %add3A_396 = arith.constant 256 : i32
      %add3A_397 = arith.addi %add3A_396, %add3A_209 : i32
      %add3A_398 = arith.constant 13 : i32
      %add3A_399 = arith.addi %add3A_397, %add3A_398 : i32
      %dma_start3A_400 = arith.constant 0 : i32
      %dma_start3A_401 = tpu.memref_slice %arg8[%add3A_399, %dma_start3A_400] : memref<512x64xf32, #tpu.memory_space<vmem>> -> memref<1x64xf32, #tpu.memory_space<vmem>>
      %dma_start3A_402 = arith.constant 0 : i32
      %dma_start3A_403 = tpu.memref_slice %arg3[%squeeze3A_395, %dma_start3A_402] : memref<100000x64xf32, #tpu.memory_space<hbm>> -> memref<1x64xf32, #tpu.memory_space<hbm>>
      %dma_start3A_404 = arith.constant 0 : i32
      %dma_start3A_405 = tpu.memref_slice %arg8[%add3A_399, %dma_start3A_404] : memref<512x64xf32, #tpu.memory_space<vmem>> -> memref<1x64xf32, #tpu.memory_space<vmem>>
      %dma_start3A_406 = arith.constant 0 : i32
      %dma_start3A_407 = tpu.memref_slice %arg3[%squeeze3A_395, %dma_start3A_406] : memref<100000x64xf32, #tpu.memory_space<hbm>> -> memref<1x64xf32, #tpu.memory_space<hbm>>
      tpu.enqueue_dma source(%dma_start3A_407 : memref<1x64xf32, #tpu.memory_space<hbm>>) target(%dma_start3A_405 : memref<1x64xf32, #tpu.memory_space<vmem>>) target_semaphore(%arg13 : memref<!tpu.dma_semaphore, #tpu.memory_space<semaphore_mem>>)
      %slice3A_408 = vector.extract_strided_slice %get3A_213 {offsets = [14], sizes = [1], strides = [1]} : vector<16xi32> to vector<1xi32>
      %squeeze3A_409 = vector.extract %slice3A_408[0] : i32 from vector<1xi32>
      %add3A_410 = arith.constant 256 : i32
      %add3A_411 = arith.addi %add3A_410, %add3A_209 : i32
      %add3A_412 = arith.constant 14 : i32
      %add3A_413 = arith.addi %add3A_411, %add3A_412 : i32
      %dma_start3A_414 = arith.constant 0 : i32
      %dma_start3A_415 = tpu.memref_slice %arg8[%add3A_413, %dma_start3A_414] : memref<512x64xf32, #tpu.memory_space<vmem>> -> memref<1x64xf32, #tpu.memory_space<vmem>>
      %dma_start3A_416 = arith.constant 0 : i32
      %dma_start3A_417 = tpu.memref_slice %arg3[%squeeze3A_409, %dma_start3A_416] : memref<100000x64xf32, #tpu.memory_space<hbm>> -> memref<1x64xf32, #tpu.memory_space<hbm>>
      %dma_start3A_418 = arith.constant 0 : i32
      %dma_start3A_419 = tpu.memref_slice %arg8[%add3A_413, %dma_start3A_418] : memref<512x64xf32, #tpu.memory_space<vmem>> -> memref<1x64xf32, #tpu.memory_space<vmem>>
      %dma_start3A_420 = arith.constant 0 : i32
      %dma_start3A_421 = tpu.memref_slice %arg3[%squeeze3A_409, %dma_start3A_420] : memref<100000x64xf32, #tpu.memory_space<hbm>> -> memref<1x64xf32, #tpu.memory_space<hbm>>
      tpu.enqueue_dma source(%dma_start3A_421 : memref<1x64xf32, #tpu.memory_space<hbm>>) target(%dma_start3A_419 : memref<1x64xf32, #tpu.memory_space<vmem>>) target_semaphore(%arg13 : memref<!tpu.dma_semaphore, #tpu.memory_space<semaphore_mem>>)
      %slice3A_422 = vector.extract_strided_slice %get3A_213 {offsets = [15], sizes = [1], strides = [1]} : vector<16xi32> to vector<1xi32>
      %squeeze3A_423 = vector.extract %slice3A_422[0] : i32 from vector<1xi32>
      %add3A_424 = arith.constant 256 : i32
      %add3A_425 = arith.addi %add3A_424, %add3A_209 : i32
      %add3A_426 = arith.constant 15 : i32
      %add3A_427 = arith.addi %add3A_425, %add3A_426 : i32
      %dma_start3A_428 = arith.constant 0 : i32
      %dma_start3A_429 = tpu.memref_slice %arg8[%add3A_427, %dma_start3A_428] : memref<512x64xf32, #tpu.memory_space<vmem>> -> memref<1x64xf32, #tpu.memory_space<vmem>>
      %dma_start3A_430 = arith.constant 0 : i32
      %dma_start3A_431 = tpu.memref_slice %arg3[%squeeze3A_423, %dma_start3A_430] : memref<100000x64xf32, #tpu.memory_space<hbm>> -> memref<1x64xf32, #tpu.memory_space<hbm>>
      %dma_start3A_432 = arith.constant 0 : i32
      %dma_start3A_433 = tpu.memref_slice %arg8[%add3A_427, %dma_start3A_432] : memref<512x64xf32, #tpu.memory_space<vmem>> -> memref<1x64xf32, #tpu.memory_space<vmem>>
      %dma_start3A_434 = arith.constant 0 : i32
      %dma_start3A_435 = tpu.memref_slice %arg3[%squeeze3A_423, %dma_start3A_434] : memref<100000x64xf32, #tpu.memory_space<hbm>> -> memref<1x64xf32, #tpu.memory_space<hbm>>
      tpu.enqueue_dma source(%dma_start3A_435 : memref<1x64xf32, #tpu.memory_space<hbm>>) target(%dma_start3A_433 : memref<1x64xf32, #tpu.memory_space<vmem>>) target_semaphore(%arg13 : memref<!tpu.dma_semaphore, #tpu.memory_space<semaphore_mem>>)
    }
    %scan3A_16 = arith.constant 8 : i32
    %scan3A_17 = arith.constant 0 : i32
    %scan3A_18 = arith.constant 8 : i32
    %scan3A_19 = arith.addi %scan3A_17, %scan3A_18 : i32
    %scan3A_20 = arith.constant 1 : i32
    scf.for %scan3A_205 = %scan3A_17 to %scan3A_19 step %scan3A_20  : i32 {
      %mul3A_206 = arith.constant 16 : i32
      %mul3A_207 = arith.muli %scan3A_205, %mul3A_206 : i32
      %add3A_208 = arith.constant 0 : i32
      %add3A_209 = arith.addi %add3A_208, %mul3A_207 : i32
      %get3A = arith.constant 3 : i32
      %get3A_210 = arith.index_cast %get3A : i32 to index
      %get3A_211 = arith.index_cast %add3A_209 : i32 to index
      %get3A_212 = tpu.vector_load %arg6[%get3A_210, %get3A_211] {strides = array<i32>} : memref<4x128xi32, #tpu.memory_space<vmem>>, vector<1x16xi32>,
      %get3A_213 = vector.shape_cast %get3A_212 : vector<1x16xi32> to vector<16xi32>
      %slice3A = vector.extract_strided_slice %get3A_213 {offsets = [0], sizes = [1], strides = [1]} : vector<16xi32> to vector<1xi32>
      %squeeze3A = vector.extract %slice3A[0] : i32 from vector<1xi32>
      %add3A_214 = arith.constant 384 : i32
      %add3A_215 = arith.addi %add3A_214, %add3A_209 : i32
      %add3A_216 = arith.constant 0 : i32
      %add3A_217 = arith.addi %add3A_215, %add3A_216 : i32
      %dma_start3A_218 = arith.constant 0 : i32
      %dma_start3A_219 = tpu.memref_slice %arg8[%add3A_217, %dma_start3A_218] : memref<512x64xf32, #tpu.memory_space<vmem>> -> memref<1x64xf32, #tpu.memory_space<vmem>>
      %dma_start3A_220 = arith.constant 0 : i32
      %dma_start3A_221 = tpu.memref_slice %arg3[%squeeze3A, %dma_start3A_220] : memref<100000x64xf32, #tpu.memory_space<hbm>> -> memref<1x64xf32, #tpu.memory_space<hbm>>
      %dma_start3A_222 = arith.constant 0 : i32
      %dma_start3A_223 = tpu.memref_slice %arg8[%add3A_217, %dma_start3A_222] : memref<512x64xf32, #tpu.memory_space<vmem>> -> memref<1x64xf32, #tpu.memory_space<vmem>>
      %dma_start3A_224 = arith.constant 0 : i32
      %dma_start3A_225 = tpu.memref_slice %arg3[%squeeze3A, %dma_start3A_224] : memref<100000x64xf32, #tpu.memory_space<hbm>> -> memref<1x64xf32, #tpu.memory_space<hbm>>
      tpu.enqueue_dma source(%dma_start3A_225 : memref<1x64xf32, #tpu.memory_space<hbm>>) target(%dma_start3A_223 : memref<1x64xf32, #tpu.memory_space<vmem>>) target_semaphore(%arg13 : memref<!tpu.dma_semaphore, #tpu.memory_space<semaphore_mem>>)
      %slice3A_226 = vector.extract_strided_slice %get3A_213 {offsets = [1], sizes = [1], strides = [1]} : vector<16xi32> to vector<1xi32>
      %squeeze3A_227 = vector.extract %slice3A_226[0] : i32 from vector<1xi32>
      %add3A_228 = arith.constant 384 : i32
      %add3A_229 = arith.addi %add3A_228, %add3A_209 : i32
      %add3A_230 = arith.constant 1 : i32
      %add3A_231 = arith.addi %add3A_229, %add3A_230 : i32
      %dma_start3A_232 = arith.constant 0 : i32
      %dma_start3A_233 = tpu.memref_slice %arg8[%add3A_231, %dma_start3A_232] : memref<512x64xf32, #tpu.memory_space<vmem>> -> memref<1x64xf32, #tpu.memory_space<vmem>>
      %dma_start3A_234 = arith.constant 0 : i32
      %dma_start3A_235 = tpu.memref_slice %arg3[%squeeze3A_227, %dma_start3A_234] : memref<100000x64xf32, #tpu.memory_space<hbm>> -> memref<1x64xf32, #tpu.memory_space<hbm>>
      %dma_start3A_236 = arith.constant 0 : i32
      %dma_start3A_237 = tpu.memref_slice %arg8[%add3A_231, %dma_start3A_236] : memref<512x64xf32, #tpu.memory_space<vmem>> -> memref<1x64xf32, #tpu.memory_space<vmem>>
      %dma_start3A_238 = arith.constant 0 : i32
      %dma_start3A_239 = tpu.memref_slice %arg3[%squeeze3A_227, %dma_start3A_238] : memref<100000x64xf32, #tpu.memory_space<hbm>> -> memref<1x64xf32, #tpu.memory_space<hbm>>
      tpu.enqueue_dma source(%dma_start3A_239 : memref<1x64xf32, #tpu.memory_space<hbm>>) target(%dma_start3A_237 : memref<1x64xf32, #tpu.memory_space<vmem>>) target_semaphore(%arg13 : memref<!tpu.dma_semaphore, #tpu.memory_space<semaphore_mem>>)
      %slice3A_240 = vector.extract_strided_slice %get3A_213 {offsets = [2], sizes = [1], strides = [1]} : vector<16xi32> to vector<1xi32>
      %squeeze3A_241 = vector.extract %slice3A_240[0] : i32 from vector<1xi32>
      %add3A_242 = arith.constant 384 : i32
      %add3A_243 = arith.addi %add3A_242, %add3A_209 : i32
      %add3A_244 = arith.constant 2 : i32
      %add3A_245 = arith.addi %add3A_243, %add3A_244 : i32
      %dma_start3A_246 = arith.constant 0 : i32
      %dma_start3A_247 = tpu.memref_slice %arg8[%add3A_245, %dma_start3A_246] : memref<512x64xf32, #tpu.memory_space<vmem>> -> memref<1x64xf32, #tpu.memory_space<vmem>>
      %dma_start3A_248 = arith.constant 0 : i32
      %dma_start3A_249 = tpu.memref_slice %arg3[%squeeze3A_241, %dma_start3A_248] : memref<100000x64xf32, #tpu.memory_space<hbm>> -> memref<1x64xf32, #tpu.memory_space<hbm>>
      %dma_start3A_250 = arith.constant 0 : i32
      %dma_start3A_251 = tpu.memref_slice %arg8[%add3A_245, %dma_start3A_250] : memref<512x64xf32, #tpu.memory_space<vmem>> -> memref<1x64xf32, #tpu.memory_space<vmem>>
      %dma_start3A_252 = arith.constant 0 : i32
      %dma_start3A_253 = tpu.memref_slice %arg3[%squeeze3A_241, %dma_start3A_252] : memref<100000x64xf32, #tpu.memory_space<hbm>> -> memref<1x64xf32, #tpu.memory_space<hbm>>
      tpu.enqueue_dma source(%dma_start3A_253 : memref<1x64xf32, #tpu.memory_space<hbm>>) target(%dma_start3A_251 : memref<1x64xf32, #tpu.memory_space<vmem>>) target_semaphore(%arg13 : memref<!tpu.dma_semaphore, #tpu.memory_space<semaphore_mem>>)
      %slice3A_254 = vector.extract_strided_slice %get3A_213 {offsets = [3], sizes = [1], strides = [1]} : vector<16xi32> to vector<1xi32>
      %squeeze3A_255 = vector.extract %slice3A_254[0] : i32 from vector<1xi32>
      %add3A_256 = arith.constant 384 : i32
      %add3A_257 = arith.addi %add3A_256, %add3A_209 : i32
      %add3A_258 = arith.constant 3 : i32
      %add3A_259 = arith.addi %add3A_257, %add3A_258 : i32
      %dma_start3A_260 = arith.constant 0 : i32
      %dma_start3A_261 = tpu.memref_slice %arg8[%add3A_259, %dma_start3A_260] : memref<512x64xf32, #tpu.memory_space<vmem>> -> memref<1x64xf32, #tpu.memory_space<vmem>>
      %dma_start3A_262 = arith.constant 0 : i32
      %dma_start3A_263 = tpu.memref_slice %arg3[%squeeze3A_255, %dma_start3A_262] : memref<100000x64xf32, #tpu.memory_space<hbm>> -> memref<1x64xf32, #tpu.memory_space<hbm>>
      %dma_start3A_264 = arith.constant 0 : i32
      %dma_start3A_265 = tpu.memref_slice %arg8[%add3A_259, %dma_start3A_264] : memref<512x64xf32, #tpu.memory_space<vmem>> -> memref<1x64xf32, #tpu.memory_space<vmem>>
      %dma_start3A_266 = arith.constant 0 : i32
      %dma_start3A_267 = tpu.memref_slice %arg3[%squeeze3A_255, %dma_start3A_266] : memref<100000x64xf32, #tpu.memory_space<hbm>> -> memref<1x64xf32, #tpu.memory_space<hbm>>
      tpu.enqueue_dma source(%dma_start3A_267 : memref<1x64xf32, #tpu.memory_space<hbm>>) target(%dma_start3A_265 : memref<1x64xf32, #tpu.memory_space<vmem>>) target_semaphore(%arg13 : memref<!tpu.dma_semaphore, #tpu.memory_space<semaphore_mem>>)
      %slice3A_268 = vector.extract_strided_slice %get3A_213 {offsets = [4], sizes = [1], strides = [1]} : vector<16xi32> to vector<1xi32>
      %squeeze3A_269 = vector.extract %slice3A_268[0] : i32 from vector<1xi32>
      %add3A_270 = arith.constant 384 : i32
      %add3A_271 = arith.addi %add3A_270, %add3A_209 : i32
      %add3A_272 = arith.constant 4 : i32
      %add3A_273 = arith.addi %add3A_271, %add3A_272 : i32
      %dma_start3A_274 = arith.constant 0 : i32
      %dma_start3A_275 = tpu.memref_slice %arg8[%add3A_273, %dma_start3A_274] : memref<512x64xf32, #tpu.memory_space<vmem>> -> memref<1x64xf32, #tpu.memory_space<vmem>>
      %dma_start3A_276 = arith.constant 0 : i32
      %dma_start3A_277 = tpu.memref_slice %arg3[%squeeze3A_269, %dma_start3A_276] : memref<100000x64xf32, #tpu.memory_space<hbm>> -> memref<1x64xf32, #tpu.memory_space<hbm>>
      %dma_start3A_278 = arith.constant 0 : i32
      %dma_start3A_279 = tpu.memref_slice %arg8[%add3A_273, %dma_start3A_278] : memref<512x64xf32, #tpu.memory_space<vmem>> -> memref<1x64xf32, #tpu.memory_space<vmem>>
      %dma_start3A_280 = arith.constant 0 : i32
      %dma_start3A_281 = tpu.memref_slice %arg3[%squeeze3A_269, %dma_start3A_280] : memref<100000x64xf32, #tpu.memory_space<hbm>> -> memref<1x64xf32, #tpu.memory_space<hbm>>
      tpu.enqueue_dma source(%dma_start3A_281 : memref<1x64xf32, #tpu.memory_space<hbm>>) target(%dma_start3A_279 : memref<1x64xf32, #tpu.memory_space<vmem>>) target_semaphore(%arg13 : memref<!tpu.dma_semaphore, #tpu.memory_space<semaphore_mem>>)
      %slice3A_282 = vector.extract_strided_slice %get3A_213 {offsets = [5], sizes = [1], strides = [1]} : vector<16xi32> to vector<1xi32>
      %squeeze3A_283 = vector.extract %slice3A_282[0] : i32 from vector<1xi32>
      %add3A_284 = arith.constant 384 : i32
      %add3A_285 = arith.addi %add3A_284, %add3A_209 : i32
      %add3A_286 = arith.constant 5 : i32
      %add3A_287 = arith.addi %add3A_285, %add3A_286 : i32
      %dma_start3A_288 = arith.constant 0 : i32
      %dma_start3A_289 = tpu.memref_slice %arg8[%add3A_287, %dma_start3A_288] : memref<512x64xf32, #tpu.memory_space<vmem>> -> memref<1x64xf32, #tpu.memory_space<vmem>>
      %dma_start3A_290 = arith.constant 0 : i32
      %dma_start3A_291 = tpu.memref_slice %arg3[%squeeze3A_283, %dma_start3A_290] : memref<100000x64xf32, #tpu.memory_space<hbm>> -> memref<1x64xf32, #tpu.memory_space<hbm>>
      %dma_start3A_292 = arith.constant 0 : i32
      %dma_start3A_293 = tpu.memref_slice %arg8[%add3A_287, %dma_start3A_292] : memref<512x64xf32, #tpu.memory_space<vmem>> -> memref<1x64xf32, #tpu.memory_space<vmem>>
      %dma_start3A_294 = arith.constant 0 : i32
      %dma_start3A_295 = tpu.memref_slice %arg3[%squeeze3A_283, %dma_start3A_294] : memref<100000x64xf32, #tpu.memory_space<hbm>> -> memref<1x64xf32, #tpu.memory_space<hbm>>
      tpu.enqueue_dma source(%dma_start3A_295 : memref<1x64xf32, #tpu.memory_space<hbm>>) target(%dma_start3A_293 : memref<1x64xf32, #tpu.memory_space<vmem>>) target_semaphore(%arg13 : memref<!tpu.dma_semaphore, #tpu.memory_space<semaphore_mem>>)
      %slice3A_296 = vector.extract_strided_slice %get3A_213 {offsets = [6], sizes = [1], strides = [1]} : vector<16xi32> to vector<1xi32>
      %squeeze3A_297 = vector.extract %slice3A_296[0] : i32 from vector<1xi32>
      %add3A_298 = arith.constant 384 : i32
      %add3A_299 = arith.addi %add3A_298, %add3A_209 : i32
      %add3A_300 = arith.constant 6 : i32
      %add3A_301 = arith.addi %add3A_299, %add3A_300 : i32
      %dma_start3A_302 = arith.constant 0 : i32
      %dma_start3A_303 = tpu.memref_slice %arg8[%add3A_301, %dma_start3A_302] : memref<512x64xf32, #tpu.memory_space<vmem>> -> memref<1x64xf32, #tpu.memory_space<vmem>>
      %dma_start3A_304 = arith.constant 0 : i32
      %dma_start3A_305 = tpu.memref_slice %arg3[%squeeze3A_297, %dma_start3A_304] : memref<100000x64xf32, #tpu.memory_space<hbm>> -> memref<1x64xf32, #tpu.memory_space<hbm>>
      %dma_start3A_306 = arith.constant 0 : i32
      %dma_start3A_307 = tpu.memref_slice %arg8[%add3A_301, %dma_start3A_306] : memref<512x64xf32, #tpu.memory_space<vmem>> -> memref<1x64xf32, #tpu.memory_space<vmem>>
      %dma_start3A_308 = arith.constant 0 : i32
      %dma_start3A_309 = tpu.memref_slice %arg3[%squeeze3A_297, %dma_start3A_308] : memref<100000x64xf32, #tpu.memory_space<hbm>> -> memref<1x64xf32, #tpu.memory_space<hbm>>
      tpu.enqueue_dma source(%dma_start3A_309 : memref<1x64xf32, #tpu.memory_space<hbm>>) target(%dma_start3A_307 : memref<1x64xf32, #tpu.memory_space<vmem>>) target_semaphore(%arg13 : memref<!tpu.dma_semaphore, #tpu.memory_space<semaphore_mem>>)
      %slice3A_310 = vector.extract_strided_slice %get3A_213 {offsets = [7], sizes = [1], strides = [1]} : vector<16xi32> to vector<1xi32>
      %squeeze3A_311 = vector.extract %slice3A_310[0] : i32 from vector<1xi32>
      %add3A_312 = arith.constant 384 : i32
      %add3A_313 = arith.addi %add3A_312, %add3A_209 : i32
      %add3A_314 = arith.constant 7 : i32
      %add3A_315 = arith.addi %add3A_313, %add3A_314 : i32
      %dma_start3A_316 = arith.constant 0 : i32
      %dma_start3A_317 = tpu.memref_slice %arg8[%add3A_315, %dma_start3A_316] : memref<512x64xf32, #tpu.memory_space<vmem>> -> memref<1x64xf32, #tpu.memory_space<vmem>>
      %dma_start3A_318 = arith.constant 0 : i32
      %dma_start3A_319 = tpu.memref_slice %arg3[%squeeze3A_311, %dma_start3A_318] : memref<100000x64xf32, #tpu.memory_space<hbm>> -> memref<1x64xf32, #tpu.memory_space<hbm>>
      %dma_start3A_320 = arith.constant 0 : i32
      %dma_start3A_321 = tpu.memref_slice %arg8[%add3A_315, %dma_start3A_320] : memref<512x64xf32, #tpu.memory_space<vmem>> -> memref<1x64xf32, #tpu.memory_space<vmem>>
      %dma_start3A_322 = arith.constant 0 : i32
      %dma_start3A_323 = tpu.memref_slice %arg3[%squeeze3A_311, %dma_start3A_322] : memref<100000x64xf32, #tpu.memory_space<hbm>> -> memref<1x64xf32, #tpu.memory_space<hbm>>
      tpu.enqueue_dma source(%dma_start3A_323 : memref<1x64xf32, #tpu.memory_space<hbm>>) target(%dma_start3A_321 : memref<1x64xf32, #tpu.memory_space<vmem>>) target_semaphore(%arg13 : memref<!tpu.dma_semaphore, #tpu.memory_space<semaphore_mem>>)
      %slice3A_324 = vector.extract_strided_slice %get3A_213 {offsets = [8], sizes = [1], strides = [1]} : vector<16xi32> to vector<1xi32>
      %squeeze3A_325 = vector.extract %slice3A_324[0] : i32 from vector<1xi32>
      %add3A_326 = arith.constant 384 : i32
      %add3A_327 = arith.addi %add3A_326, %add3A_209 : i32
      %add3A_328 = arith.constant 8 : i32
      %add3A_329 = arith.addi %add3A_327, %add3A_328 : i32
      %dma_start3A_330 = arith.constant 0 : i32
      %dma_start3A_331 = tpu.memref_slice %arg8[%add3A_329, %dma_start3A_330] : memref<512x64xf32, #tpu.memory_space<vmem>> -> memref<1x64xf32, #tpu.memory_space<vmem>>
      %dma_start3A_332 = arith.constant 0 : i32
      %dma_start3A_333 = tpu.memref_slice %arg3[%squeeze3A_325, %dma_start3A_332] : memref<100000x64xf32, #tpu.memory_space<hbm>> -> memref<1x64xf32, #tpu.memory_space<hbm>>
      %dma_start3A_334 = arith.constant 0 : i32
      %dma_start3A_335 = tpu.memref_slice %arg8[%add3A_329, %dma_start3A_334] : memref<512x64xf32, #tpu.memory_space<vmem>> -> memref<1x64xf32, #tpu.memory_space<vmem>>
      %dma_start3A_336 = arith.constant 0 : i32
      %dma_start3A_337 = tpu.memref_slice %arg3[%squeeze3A_325, %dma_start3A_336] : memref<100000x64xf32, #tpu.memory_space<hbm>> -> memref<1x64xf32, #tpu.memory_space<hbm>>
      tpu.enqueue_dma source(%dma_start3A_337 : memref<1x64xf32, #tpu.memory_space<hbm>>) target(%dma_start3A_335 : memref<1x64xf32, #tpu.memory_space<vmem>>) target_semaphore(%arg13 : memref<!tpu.dma_semaphore, #tpu.memory_space<semaphore_mem>>)
      %slice3A_338 = vector.extract_strided_slice %get3A_213 {offsets = [9], sizes = [1], strides = [1]} : vector<16xi32> to vector<1xi32>
      %squeeze3A_339 = vector.extract %slice3A_338[0] : i32 from vector<1xi32>
      %add3A_340 = arith.constant 384 : i32
      %add3A_341 = arith.addi %add3A_340, %add3A_209 : i32
      %add3A_342 = arith.constant 9 : i32
      %add3A_343 = arith.addi %add3A_341, %add3A_342 : i32
      %dma_start3A_344 = arith.constant 0 : i32
      %dma_start3A_345 = tpu.memref_slice %arg8[%add3A_343, %dma_start3A_344] : memref<512x64xf32, #tpu.memory_space<vmem>> -> memref<1x64xf32, #tpu.memory_space<vmem>>
      %dma_start3A_346 = arith.constant 0 : i32
      %dma_start3A_347 = tpu.memref_slice %arg3[%squeeze3A_339, %dma_start3A_346] : memref<100000x64xf32, #tpu.memory_space<hbm>> -> memref<1x64xf32, #tpu.memory_space<hbm>>
      %dma_start3A_348 = arith.constant 0 : i32
      %dma_start3A_349 = tpu.memref_slice %arg8[%add3A_343, %dma_start3A_348] : memref<512x64xf32, #tpu.memory_space<vmem>> -> memref<1x64xf32, #tpu.memory_space<vmem>>
      %dma_start3A_350 = arith.constant 0 : i32
      %dma_start3A_351 = tpu.memref_slice %arg3[%squeeze3A_339, %dma_start3A_350] : memref<100000x64xf32, #tpu.memory_space<hbm>> -> memref<1x64xf32, #tpu.memory_space<hbm>>
      tpu.enqueue_dma source(%dma_start3A_351 : memref<1x64xf32, #tpu.memory_space<hbm>>) target(%dma_start3A_349 : memref<1x64xf32, #tpu.memory_space<vmem>>) target_semaphore(%arg13 : memref<!tpu.dma_semaphore, #tpu.memory_space<semaphore_mem>>)
      %slice3A_352 = vector.extract_strided_slice %get3A_213 {offsets = [10], sizes = [1], strides = [1]} : vector<16xi32> to vector<1xi32>
      %squeeze3A_353 = vector.extract %slice3A_352[0] : i32 from vector<1xi32>
      %add3A_354 = arith.constant 384 : i32
      %add3A_355 = arith.addi %add3A_354, %add3A_209 : i32
      %add3A_356 = arith.constant 10 : i32
      %add3A_357 = arith.addi %add3A_355, %add3A_356 : i32
      %dma_start3A_358 = arith.constant 0 : i32
      %dma_start3A_359 = tpu.memref_slice %arg8[%add3A_357, %dma_start3A_358] : memref<512x64xf32, #tpu.memory_space<vmem>> -> memref<1x64xf32, #tpu.memory_space<vmem>>
      %dma_start3A_360 = arith.constant 0 : i32
      %dma_start3A_361 = tpu.memref_slice %arg3[%squeeze3A_353, %dma_start3A_360] : memref<100000x64xf32, #tpu.memory_space<hbm>> -> memref<1x64xf32, #tpu.memory_space<hbm>>
      %dma_start3A_362 = arith.constant 0 : i32
      %dma_start3A_363 = tpu.memref_slice %arg8[%add3A_357, %dma_start3A_362] : memref<512x64xf32, #tpu.memory_space<vmem>> -> memref<1x64xf32, #tpu.memory_space<vmem>>
      %dma_start3A_364 = arith.constant 0 : i32
      %dma_start3A_365 = tpu.memref_slice %arg3[%squeeze3A_353, %dma_start3A_364] : memref<100000x64xf32, #tpu.memory_space<hbm>> -> memref<1x64xf32, #tpu.memory_space<hbm>>
      tpu.enqueue_dma source(%dma_start3A_365 : memref<1x64xf32, #tpu.memory_space<hbm>>) target(%dma_start3A_363 : memref<1x64xf32, #tpu.memory_space<vmem>>) target_semaphore(%arg13 : memref<!tpu.dma_semaphore, #tpu.memory_space<semaphore_mem>>)
      %slice3A_366 = vector.extract_strided_slice %get3A_213 {offsets = [11], sizes = [1], strides = [1]} : vector<16xi32> to vector<1xi32>
      %squeeze3A_367 = vector.extract %slice3A_366[0] : i32 from vector<1xi32>
      %add3A_368 = arith.constant 384 : i32
      %add3A_369 = arith.addi %add3A_368, %add3A_209 : i32
      %add3A_370 = arith.constant 11 : i32
      %add3A_371 = arith.addi %add3A_369, %add3A_370 : i32
      %dma_start3A_372 = arith.constant 0 : i32
      %dma_start3A_373 = tpu.memref_slice %arg8[%add3A_371, %dma_start3A_372] : memref<512x64xf32, #tpu.memory_space<vmem>> -> memref<1x64xf32, #tpu.memory_space<vmem>>
      %dma_start3A_374 = arith.constant 0 : i32
      %dma_start3A_375 = tpu.memref_slice %arg3[%squeeze3A_367, %dma_start3A_374] : memref<100000x64xf32, #tpu.memory_space<hbm>> -> memref<1x64xf32, #tpu.memory_space<hbm>>
      %dma_start3A_376 = arith.constant 0 : i32
      %dma_start3A_377 = tpu.memref_slice %arg8[%add3A_371, %dma_start3A_376] : memref<512x64xf32, #tpu.memory_space<vmem>> -> memref<1x64xf32, #tpu.memory_space<vmem>>
      %dma_start3A_378 = arith.constant 0 : i32
      %dma_start3A_379 = tpu.memref_slice %arg3[%squeeze3A_367, %dma_start3A_378] : memref<100000x64xf32, #tpu.memory_space<hbm>> -> memref<1x64xf32, #tpu.memory_space<hbm>>
      tpu.enqueue_dma source(%dma_start3A_379 : memref<1x64xf32, #tpu.memory_space<hbm>>) target(%dma_start3A_377 : memref<1x64xf32, #tpu.memory_space<vmem>>) target_semaphore(%arg13 : memref<!tpu.dma_semaphore, #tpu.memory_space<semaphore_mem>>)
      %slice3A_380 = vector.extract_strided_slice %get3A_213 {offsets = [12], sizes = [1], strides = [1]} : vector<16xi32> to vector<1xi32>
      %squeeze3A_381 = vector.extract %slice3A_380[0] : i32 from vector<1xi32>
      %add3A_382 = arith.constant 384 : i32
      %add3A_383 = arith.addi %add3A_382, %add3A_209 : i32
      %add3A_384 = arith.constant 12 : i32
      %add3A_385 = arith.addi %add3A_383, %add3A_384 : i32
      %dma_start3A_386 = arith.constant 0 : i32
      %dma_start3A_387 = tpu.memref_slice %arg8[%add3A_385, %dma_start3A_386] : memref<512x64xf32, #tpu.memory_space<vmem>> -> memref<1x64xf32, #tpu.memory_space<vmem>>
      %dma_start3A_388 = arith.constant 0 : i32
      %dma_start3A_389 = tpu.memref_slice %arg3[%squeeze3A_381, %dma_start3A_388] : memref<100000x64xf32, #tpu.memory_space<hbm>> -> memref<1x64xf32, #tpu.memory_space<hbm>>
      %dma_start3A_390 = arith.constant 0 : i32
      %dma_start3A_391 = tpu.memref_slice %arg8[%add3A_385, %dma_start3A_390] : memref<512x64xf32, #tpu.memory_space<vmem>> -> memref<1x64xf32, #tpu.memory_space<vmem>>
      %dma_start3A_392 = arith.constant 0 : i32
      %dma_start3A_393 = tpu.memref_slice %arg3[%squeeze3A_381, %dma_start3A_392] : memref<100000x64xf32, #tpu.memory_space<hbm>> -> memref<1x64xf32, #tpu.memory_space<hbm>>
      tpu.enqueue_dma source(%dma_start3A_393 : memref<1x64xf32, #tpu.memory_space<hbm>>) target(%dma_start3A_391 : memref<1x64xf32, #tpu.memory_space<vmem>>) target_semaphore(%arg13 : memref<!tpu.dma_semaphore, #tpu.memory_space<semaphore_mem>>)
      %slice3A_394 = vector.extract_strided_slice %get3A_213 {offsets = [13], sizes = [1], strides = [1]} : vector<16xi32> to vector<1xi32>
      %squeeze3A_395 = vector.extract %slice3A_394[0] : i32 from vector<1xi32>
      %add3A_396 = arith.constant 384 : i32
      %add3A_397 = arith.addi %add3A_396, %add3A_209 : i32
      %add3A_398 = arith.constant 13 : i32
      %add3A_399 = arith.addi %add3A_397, %add3A_398 : i32
      %dma_start3A_400 = arith.constant 0 : i32
      %dma_start3A_401 = tpu.memref_slice %arg8[%add3A_399, %dma_start3A_400] : memref<512x64xf32, #tpu.memory_space<vmem>> -> memref<1x64xf32, #tpu.memory_space<vmem>>
      %dma_start3A_402 = arith.constant 0 : i32
      %dma_start3A_403 = tpu.memref_slice %arg3[%squeeze3A_395, %dma_start3A_402] : memref<100000x64xf32, #tpu.memory_space<hbm>> -> memref<1x64xf32, #tpu.memory_space<hbm>>
      %dma_start3A_404 = arith.constant 0 : i32
      %dma_start3A_405 = tpu.memref_slice %arg8[%add3A_399, %dma_start3A_404] : memref<512x64xf32, #tpu.memory_space<vmem>> -> memref<1x64xf32, #tpu.memory_space<vmem>>
      %dma_start3A_406 = arith.constant 0 : i32
      %dma_start3A_407 = tpu.memref_slice %arg3[%squeeze3A_395, %dma_start3A_406] : memref<100000x64xf32, #tpu.memory_space<hbm>> -> memref<1x64xf32, #tpu.memory_space<hbm>>
      tpu.enqueue_dma source(%dma_start3A_407 : memref<1x64xf32, #tpu.memory_space<hbm>>) target(%dma_start3A_405 : memref<1x64xf32, #tpu.memory_space<vmem>>) target_semaphore(%arg13 : memref<!tpu.dma_semaphore, #tpu.memory_space<semaphore_mem>>)
      %slice3A_408 = vector.extract_strided_slice %get3A_213 {offsets = [14], sizes = [1], strides = [1]} : vector<16xi32> to vector<1xi32>
      %squeeze3A_409 = vector.extract %slice3A_408[0] : i32 from vector<1xi32>
      %add3A_410 = arith.constant 384 : i32
      %add3A_411 = arith.addi %add3A_410, %add3A_209 : i32
      %add3A_412 = arith.constant 14 : i32
      %add3A_413 = arith.addi %add3A_411, %add3A_412 : i32
      %dma_start3A_414 = arith.constant 0 : i32
      %dma_start3A_415 = tpu.memref_slice %arg8[%add3A_413, %dma_start3A_414] : memref<512x64xf32, #tpu.memory_space<vmem>> -> memref<1x64xf32, #tpu.memory_space<vmem>>
      %dma_start3A_416 = arith.constant 0 : i32
      %dma_start3A_417 = tpu.memref_slice %arg3[%squeeze3A_409, %dma_start3A_416] : memref<100000x64xf32, #tpu.memory_space<hbm>> -> memref<1x64xf32, #tpu.memory_space<hbm>>
      %dma_start3A_418 = arith.constant 0 : i32
      %dma_start3A_419 = tpu.memref_slice %arg8[%add3A_413, %dma_start3A_418] : memref<512x64xf32, #tpu.memory_space<vmem>> -> memref<1x64xf32, #tpu.memory_space<vmem>>
      %dma_start3A_420 = arith.constant 0 : i32
      %dma_start3A_421 = tpu.memref_slice %arg3[%squeeze3A_409, %dma_start3A_420] : memref<100000x64xf32, #tpu.memory_space<hbm>> -> memref<1x64xf32, #tpu.memory_space<hbm>>
      tpu.enqueue_dma source(%dma_start3A_421 : memref<1x64xf32, #tpu.memory_space<hbm>>) target(%dma_start3A_419 : memref<1x64xf32, #tpu.memory_space<vmem>>) target_semaphore(%arg13 : memref<!tpu.dma_semaphore, #tpu.memory_space<semaphore_mem>>)
      %slice3A_422 = vector.extract_strided_slice %get3A_213 {offsets = [15], sizes = [1], strides = [1]} : vector<16xi32> to vector<1xi32>
      %squeeze3A_423 = vector.extract %slice3A_422[0] : i32 from vector<1xi32>
      %add3A_424 = arith.constant 384 : i32
      %add3A_425 = arith.addi %add3A_424, %add3A_209 : i32
      %add3A_426 = arith.constant 15 : i32
      %add3A_427 = arith.addi %add3A_425, %add3A_426 : i32
      %dma_start3A_428 = arith.constant 0 : i32
      %dma_start3A_429 = tpu.memref_slice %arg8[%add3A_427, %dma_start3A_428] : memref<512x64xf32, #tpu.memory_space<vmem>> -> memref<1x64xf32, #tpu.memory_space<vmem>>
      %dma_start3A_430 = arith.constant 0 : i32
      %dma_start3A_431 = tpu.memref_slice %arg3[%squeeze3A_423, %dma_start3A_430] : memref<100000x64xf32, #tpu.memory_space<hbm>> -> memref<1x64xf32, #tpu.memory_space<hbm>>
      %dma_start3A_432 = arith.constant 0 : i32
      %dma_start3A_433 = tpu.memref_slice %arg8[%add3A_427, %dma_start3A_432] : memref<512x64xf32, #tpu.memory_space<vmem>> -> memref<1x64xf32, #tpu.memory_space<vmem>>
      %dma_start3A_434 = arith.constant 0 : i32
      %dma_start3A_435 = tpu.memref_slice %arg3[%squeeze3A_423, %dma_start3A_434] : memref<100000x64xf32, #tpu.memory_space<hbm>> -> memref<1x64xf32, #tpu.memory_space<hbm>>
      tpu.enqueue_dma source(%dma_start3A_435 : memref<1x64xf32, #tpu.memory_space<hbm>>) target(%dma_start3A_433 : memref<1x64xf32, #tpu.memory_space<vmem>>) target_semaphore(%arg13 : memref<!tpu.dma_semaphore, #tpu.memory_space<semaphore_mem>>)
    }
    %scan3A_21 = arith.constant 8 : i32
    %mul3A_22 = arith.constant 8 : i32
    %mul3A_23 = arith.muli %arg1, %mul3A_22 : i32
    "tpu.region"() ({
      %run_scoped3A = tpu.sem_alloc : memref<!tpu.dma_semaphore, #tpu.memory_space<semaphore_mem>>
      %dma_start3A_205 = arith.constant 0 : i32
      %dma_start3A_206 = tpu.memref_slice %arg2[%mul3A_23, %dma_start3A_205] : memref<128x128xi32, #tpu.memory_space<hbm>> -> memref<8x128xi32, #tpu.memory_space<hbm>>
      %dma_start3A_207 = arith.constant 0 : i32
      %dma_start3A_208 = tpu.memref_slice %arg2[%mul3A_23, %dma_start3A_207] : memref<128x128xi32, #tpu.memory_space<hbm>> -> memref<8x128xi32, #tpu.memory_space<hbm>>
      tpu.enqueue_dma source(%dma_start3A_208 : memref<8x128xi32, #tpu.memory_space<hbm>>) target(%arg7 : memref<8x128xi32, #tpu.memory_space<vmem>>) target_semaphore(%run_scoped3A : memref<!tpu.dma_semaphore, #tpu.memory_space<semaphore_mem>>)
      %dma_wait3A_209 = arith.constant 0 : i32
      %dma_wait3A_210 = tpu.memref_slice %arg2[%mul3A_23, %dma_wait3A_209] : memref<128x128xi32, #tpu.memory_space<hbm>> -> memref<8x128xi32, #tpu.memory_space<hbm>>
      %dma_wait3A_211 = arith.constant 0 : i32
      %dma_wait3A_212 = tpu.memref_slice %arg2[%mul3A_23, %dma_wait3A_211] : memref<128x128xi32, #tpu.memory_space<hbm>> -> memref<8x128xi32, #tpu.memory_space<hbm>>
      tpu.wait_dma2 semaphore(%run_scoped3A : memref<!tpu.dma_semaphore, #tpu.memory_space<semaphore_mem>>) src(%dma_wait3A_212 : memref<8x128xi32, #tpu.memory_space<hbm>>) dst(%arg7 : memref<8x128xi32, #tpu.memory_space<vmem>>)
      tpu.yield
    }) : () -> ()
    %scan3A_24 = arith.constant 0 : i32
    %scan3A_25 = arith.constant 8 : i32
    %scan3A_26 = arith.addi %scan3A_24, %scan3A_25 : i32
    %scan3A_27 = arith.constant 1 : i32
    scf.for %scan3A_205 = %scan3A_24 to %scan3A_26 step %scan3A_27  : i32 {
      %mul3A_206 = arith.constant 16 : i32
      %mul3A_207 = arith.muli %scan3A_205, %mul3A_206 : i32
      %add3A_208 = arith.constant 0 : i32
      %add3A_209 = arith.addi %add3A_208, %mul3A_207 : i32
      %broadcast_in_dim3A = arith.constant 1.000000e+00 : f32
      %broadcast_in_dim3A_210 = vector.broadcast %broadcast_in_dim3A : f32 to vector<16xf32>
      %swap3A = arith.index_cast %add3A_209 : i32 to index
      %swap3A_211 = tpu.vector_load %arg10[%swap3A] {strides = array<i32>} : memref<128xf32, #tpu.memory_space<vmem>>, vector<16xf32>,
      %swap3A_212 = vector.shape_cast %swap3A_211 : vector<16xf32> to vector<16xf32>
      %swap3A_213 = vector.shape_cast %broadcast_in_dim3A_210 : vector<16xf32> to vector<16xf32>
      tpu.vector_store %arg10[%swap3A], %swap3A_213 {strides = array<i32>} : memref<128xf32, #tpu.memory_space<vmem>>, vector<16xf32>,
    }
    %scan3A_28 = arith.constant 8 : i32
    %scan3A_29 = arith.constant 0 : i32
    %scan3A_30 = arith.constant 392 : i32
    %scan3A_31 = arith.addi %scan3A_29, %scan3A_30 : i32
    %scan3A_32 = arith.constant 1 : i32
    scf.for %scan3A_205 = %scan3A_29 to %scan3A_31 step %scan3A_32  : i32 {
      %mul3A_206 = arith.constant 16 : i32
      %mul3A_207 = arith.muli %scan3A_205, %mul3A_206 : i32
      %add3A_208 = arith.constant 0 : i32
      %add3A_209 = arith.addi %add3A_208, %mul3A_207 : i32
      %broadcast_in_dim3A = arith.constant 0.000000e+00 : f32
      %broadcast_in_dim3A_210 = vector.broadcast %broadcast_in_dim3A : f32 to vector<16xf32>
      %swap3A = arith.index_cast %add3A_209 : i32 to index
      %swap3A_211 = tpu.vector_load %arg11[%swap3A] {strides = array<i32>} : memref<6272xf32, #tpu.memory_space<vmem>>, vector<16xf32>,
      %swap3A_212 = vector.shape_cast %swap3A_211 : vector<16xf32> to vector<16xf32>
      %swap3A_213 = vector.shape_cast %broadcast_in_dim3A_210 : vector<16xf32> to vector<16xf32>
      tpu.vector_store %arg11[%swap3A], %swap3A_213 {strides = array<i32>} : memref<6272xf32, #tpu.memory_space<vmem>>, vector<16xf32>,
    }
    %scan3A_33 = arith.constant 392 : i32
    %mul3A_34 = arith.constant 6272 : i32
    %mul3A_35 = arith.muli %arg1, %mul3A_34 : i32
    "tpu.region"() ({
      %run_scoped3A = tpu.sem_alloc : memref<!tpu.dma_semaphore, #tpu.memory_space<semaphore_mem>>
      %dma_start3A_205 = tpu.memref_slice %arg12[%mul3A_35] : memref<100352xf32, #tpu.memory_space<vmem_shared>> -> memref<6272xf32, #tpu.memory_space<vmem_shared>>
      %dma_start3A_206 = tpu.memref_slice %arg12[%mul3A_35] : memref<100352xf32, #tpu.memory_space<vmem_shared>> -> memref<6272xf32, #tpu.memory_space<vmem_shared>>
      tpu.enqueue_dma source(%arg11 : memref<6272xf32, #tpu.memory_space<vmem>>) target(%dma_start3A_206 : memref<6272xf32, #tpu.memory_space<vmem_shared>>) target_semaphore(%run_scoped3A : memref<!tpu.dma_semaphore, #tpu.memory_space<semaphore_mem>>)
      %dma_wait3A_207 = tpu.memref_slice %arg12[%mul3A_35] : memref<100352xf32, #tpu.memory_space<vmem_shared>> -> memref<6272xf32, #tpu.memory_space<vmem_shared>>
      %dma_wait3A_208 = tpu.memref_slice %arg12[%mul3A_35] : memref<100352xf32, #tpu.memory_space<vmem_shared>> -> memref<6272xf32, #tpu.memory_space<vmem_shared>>
      tpu.wait_dma2 semaphore(%run_scoped3A : memref<!tpu.dma_semaphore, #tpu.memory_space<semaphore_mem>>) src(%arg11 : memref<6272xf32, #tpu.memory_space<vmem>>) dst(%dma_wait3A_208 : memref<6272xf32, #tpu.memory_space<vmem_shared>>)
      tpu.yield
    }) : () -> ()
    %barrier3A = arith.constant 0 : index
    tpu.barrier barrier_id(%barrier3A)
    %dma_start3A = arith.constant 0 : i32
    %dma_start3A_36 = arith.constant 0 : i32
    %dma_start3A_37 = tpu.memref_slice %arg7[%dma_start3A, %dma_start3A_36] : memref<8x128xi32, #tpu.memory_space<vmem>> -> memref<1x128xi32, #tpu.memory_space<vmem>>
    %dma_start3A_38 = tpu.memref_squeeze %dma_start3A_37 : memref<1x128xi32, #tpu.memory_space<vmem>> -> memref<128xi32, #tpu.memory_space<vmem>>
    %dma_start3A_39 = arith.constant 0 : i32
    %dma_start3A_40 = tpu.memref_slice %arg12[%dma_start3A_39] : memref<100352xf32, #tpu.memory_space<vmem_shared>> -> memref<100352xf32, #tpu.memory_space<vmem_shared>>
    tpu.enqueue_indirect_dma source(%arg10 : memref<128xf32, #tpu.memory_space<vmem>>) target(%dma_start3A_40 : memref<100352xf32, #tpu.memory_space<vmem_shared>>) offsets(%dma_start3A_38 : memref<128xi32, #tpu.memory_space<vmem>>) semaphore(%arg14 : memref<!tpu.dma_semaphore, #tpu.memory_space<semaphore_mem>>) {add = true}
    %dma_start3A_41 = arith.constant 1 : i32
    %dma_start3A_42 = arith.constant 0 : i32
    %dma_start3A_43 = tpu.memref_slice %arg7[%dma_start3A_41, %dma_start3A_42] : memref<8x128xi32, #tpu.memory_space<vmem>> -> memref<1x128xi32, #tpu.memory_space<vmem>>
    %dma_start3A_44 = tpu.memref_squeeze %dma_start3A_43 : memref<1x128xi32, #tpu.memory_space<vmem>> -> memref<128xi32, #tpu.memory_space<vmem>>
    %dma_start3A_45 = arith.constant 0 : i32
    %dma_start3A_46 = tpu.memref_slice %arg12[%dma_start3A_45] : memref<100352xf32, #tpu.memory_space<vmem_shared>> -> memref<100352xf32, #tpu.memory_space<vmem_shared>>
    tpu.enqueue_indirect_dma source(%arg10 : memref<128xf32, #tpu.memory_space<vmem>>) target(%dma_start3A_46 : memref<100352xf32, #tpu.memory_space<vmem_shared>>) offsets(%dma_start3A_44 : memref<128xi32, #tpu.memory_space<vmem>>) semaphore(%arg14 : memref<!tpu.dma_semaphore, #tpu.memory_space<semaphore_mem>>) {add = true}
    %dma_start3A_47 = arith.constant 2 : i32
    %dma_start3A_48 = arith.constant 0 : i32
    %dma_start3A_49 = tpu.memref_slice %arg7[%dma_start3A_47, %dma_start3A_48] : memref<8x128xi32, #tpu.memory_space<vmem>> -> memref<1x128xi32, #tpu.memory_space<vmem>>
    %dma_start3A_50 = tpu.memref_squeeze %dma_start3A_49 : memref<1x128xi32, #tpu.memory_space<vmem>> -> memref<128xi32, #tpu.memory_space<vmem>>
    %dma_start3A_51 = arith.constant 0 : i32
    %dma_start3A_52 = tpu.memref_slice %arg12[%dma_start3A_51] : memref<100352xf32, #tpu.memory_space<vmem_shared>> -> memref<100352xf32, #tpu.memory_space<vmem_shared>>
    tpu.enqueue_indirect_dma source(%arg10 : memref<128xf32, #tpu.memory_space<vmem>>) target(%dma_start3A_52 : memref<100352xf32, #tpu.memory_space<vmem_shared>>) offsets(%dma_start3A_50 : memref<128xi32, #tpu.memory_space<vmem>>) semaphore(%arg14 : memref<!tpu.dma_semaphore, #tpu.memory_space<semaphore_mem>>) {add = true}
    %dma_start3A_53 = arith.constant 3 : i32
    %dma_start3A_54 = arith.constant 0 : i32
    %dma_start3A_55 = tpu.memref_slice %arg7[%dma_start3A_53, %dma_start3A_54] : memref<8x128xi32, #tpu.memory_space<vmem>> -> memref<1x128xi32, #tpu.memory_space<vmem>>
    %dma_start3A_56 = tpu.memref_squeeze %dma_start3A_55 : memref<1x128xi32, #tpu.memory_space<vmem>> -> memref<128xi32, #tpu.memory_space<vmem>>
    %dma_start3A_57 = arith.constant 0 : i32
    %dma_start3A_58 = tpu.memref_slice %arg12[%dma_start3A_57] : memref<100352xf32, #tpu.memory_space<vmem_shared>> -> memref<100352xf32, #tpu.memory_space<vmem_shared>>
    tpu.enqueue_indirect_dma source(%arg10 : memref<128xf32, #tpu.memory_space<vmem>>) target(%dma_start3A_58 : memref<100352xf32, #tpu.memory_space<vmem_shared>>) offsets(%dma_start3A_56 : memref<128xi32, #tpu.memory_space<vmem>>) semaphore(%arg14 : memref<!tpu.dma_semaphore, #tpu.memory_space<semaphore_mem>>) {add = true}
    %dma_start3A_59 = arith.constant 4 : i32
    %dma_start3A_60 = arith.constant 0 : i32
    %dma_start3A_61 = tpu.memref_slice %arg7[%dma_start3A_59, %dma_start3A_60] : memref<8x128xi32, #tpu.memory_space<vmem>> -> memref<1x128xi32, #tpu.memory_space<vmem>>
    %dma_start3A_62 = tpu.memref_squeeze %dma_start3A_61 : memref<1x128xi32, #tpu.memory_space<vmem>> -> memref<128xi32, #tpu.memory_space<vmem>>
    %dma_start3A_63 = arith.constant 0 : i32
    %dma_start3A_64 = tpu.memref_slice %arg12[%dma_start3A_63] : memref<100352xf32, #tpu.memory_space<vmem_shared>> -> memref<100352xf32, #tpu.memory_space<vmem_shared>>
    tpu.enqueue_indirect_dma source(%arg10 : memref<128xf32, #tpu.memory_space<vmem>>) target(%dma_start3A_64 : memref<100352xf32, #tpu.memory_space<vmem_shared>>) offsets(%dma_start3A_62 : memref<128xi32, #tpu.memory_space<vmem>>) semaphore(%arg14 : memref<!tpu.dma_semaphore, #tpu.memory_space<semaphore_mem>>) {add = true}
    %dma_start3A_65 = arith.constant 5 : i32
    %dma_start3A_66 = arith.constant 0 : i32
    %dma_start3A_67 = tpu.memref_slice %arg7[%dma_start3A_65, %dma_start3A_66] : memref<8x128xi32, #tpu.memory_space<vmem>> -> memref<1x128xi32, #tpu.memory_space<vmem>>
    %dma_start3A_68 = tpu.memref_squeeze %dma_start3A_67 : memref<1x128xi32, #tpu.memory_space<vmem>> -> memref<128xi32, #tpu.memory_space<vmem>>
    %dma_start3A_69 = arith.constant 0 : i32
    %dma_start3A_70 = tpu.memref_slice %arg12[%dma_start3A_69] : memref<100352xf32, #tpu.memory_space<vmem_shared>> -> memref<100352xf32, #tpu.memory_space<vmem_shared>>
    tpu.enqueue_indirect_dma source(%arg10 : memref<128xf32, #tpu.memory_space<vmem>>) target(%dma_start3A_70 : memref<100352xf32, #tpu.memory_space<vmem_shared>>) offsets(%dma_start3A_68 : memref<128xi32, #tpu.memory_space<vmem>>) semaphore(%arg14 : memref<!tpu.dma_semaphore, #tpu.memory_space<semaphore_mem>>) {add = true}
    %dma_start3A_71 = arith.constant 6 : i32
    %dma_start3A_72 = arith.constant 0 : i32
    %dma_start3A_73 = tpu.memref_slice %arg7[%dma_start3A_71, %dma_start3A_72] : memref<8x128xi32, #tpu.memory_space<vmem>> -> memref<1x128xi32, #tpu.memory_space<vmem>>
    %dma_start3A_74 = tpu.memref_squeeze %dma_start3A_73 : memref<1x128xi32, #tpu.memory_space<vmem>> -> memref<128xi32, #tpu.memory_space<vmem>>
    %dma_start3A_75 = arith.constant 0 : i32
    %dma_start3A_76 = tpu.memref_slice %arg12[%dma_start3A_75] : memref<100352xf32, #tpu.memory_space<vmem_shared>> -> memref<100352xf32, #tpu.memory_space<vmem_shared>>
    tpu.enqueue_indirect_dma source(%arg10 : memref<128xf32, #tpu.memory_space<vmem>>) target(%dma_start3A_76 : memref<100352xf32, #tpu.memory_space<vmem_shared>>) offsets(%dma_start3A_74 : memref<128xi32, #tpu.memory_space<vmem>>) semaphore(%arg14 : memref<!tpu.dma_semaphore, #tpu.memory_space<semaphore_mem>>) {add = true}
    %dma_start3A_77 = arith.constant 7 : i32
    %dma_start3A_78 = arith.constant 0 : i32
    %dma_start3A_79 = tpu.memref_slice %arg7[%dma_start3A_77, %dma_start3A_78] : memref<8x128xi32, #tpu.memory_space<vmem>> -> memref<1x128xi32, #tpu.memory_space<vmem>>
    %dma_start3A_80 = tpu.memref_squeeze %dma_start3A_79 : memref<1x128xi32, #tpu.memory_space<vmem>> -> memref<128xi32, #tpu.memory_space<vmem>>
    %dma_start3A_81 = arith.constant 0 : i32
    %dma_start3A_82 = tpu.memref_slice %arg12[%dma_start3A_81] : memref<100352xf32, #tpu.memory_space<vmem_shared>> -> memref<100352xf32, #tpu.memory_space<vmem_shared>>
    tpu.enqueue_indirect_dma source(%arg10 : memref<128xf32, #tpu.memory_space<vmem>>) target(%dma_start3A_82 : memref<100352xf32, #tpu.memory_space<vmem_shared>>) offsets(%dma_start3A_80 : memref<128xi32, #tpu.memory_space<vmem>>) semaphore(%arg14 : memref<!tpu.dma_semaphore, #tpu.memory_space<semaphore_mem>>) {add = true}
    %dma_wait3A = arith.constant 0 : i32
    %dma_wait3A_83 = arith.constant 0 : i32
    %dma_wait3A_84 = tpu.memref_slice %arg7[%dma_wait3A, %dma_wait3A_83] : memref<8x128xi32, #tpu.memory_space<vmem>> -> memref<1x128xi32, #tpu.memory_space<vmem>>
    %dma_wait3A_85 = tpu.memref_squeeze %dma_wait3A_84 : memref<1x128xi32, #tpu.memory_space<vmem>> -> memref<128xi32, #tpu.memory_space<vmem>>
    %dma_wait3A_86 = arith.constant 0 : i32
    %dma_wait3A_87 = tpu.memref_slice %arg12[%dma_wait3A_86] : memref<100352xf32, #tpu.memory_space<vmem_shared>> -> memref<100352xf32, #tpu.memory_space<vmem_shared>>
    tpu.wait_indirect_dma semaphore(%arg14 : memref<!tpu.dma_semaphore, #tpu.memory_space<semaphore_mem>>) src(%arg10 : memref<128xf32, #tpu.memory_space<vmem>>) dst(%dma_wait3A_87 : memref<100352xf32, #tpu.memory_space<vmem_shared>>)
    %dma_wait3A_88 = arith.constant 1 : i32
    %dma_wait3A_89 = arith.constant 0 : i32
    %dma_wait3A_90 = tpu.memref_slice %arg7[%dma_wait3A_88, %dma_wait3A_89] : memref<8x128xi32, #tpu.memory_space<vmem>> -> memref<1x128xi32, #tpu.memory_space<vmem>>
    %dma_wait3A_91 = tpu.memref_squeeze %dma_wait3A_90 : memref<1x128xi32, #tpu.memory_space<vmem>> -> memref<128xi32, #tpu.memory_space<vmem>>
    %dma_wait3A_92 = arith.constant 0 : i32
    %dma_wait3A_93 = tpu.memref_slice %arg12[%dma_wait3A_92] : memref<100352xf32, #tpu.memory_space<vmem_shared>> -> memref<100352xf32, #tpu.memory_space<vmem_shared>>
    tpu.wait_indirect_dma semaphore(%arg14 : memref<!tpu.dma_semaphore, #tpu.memory_space<semaphore_mem>>) src(%arg10 : memref<128xf32, #tpu.memory_space<vmem>>) dst(%dma_wait3A_93 : memref<100352xf32, #tpu.memory_space<vmem_shared>>)
    %dma_wait3A_94 = arith.constant 2 : i32
    %dma_wait3A_95 = arith.constant 0 : i32
    %dma_wait3A_96 = tpu.memref_slice %arg7[%dma_wait3A_94, %dma_wait3A_95] : memref<8x128xi32, #tpu.memory_space<vmem>> -> memref<1x128xi32, #tpu.memory_space<vmem>>
    %dma_wait3A_97 = tpu.memref_squeeze %dma_wait3A_96 : memref<1x128xi32, #tpu.memory_space<vmem>> -> memref<128xi32, #tpu.memory_space<vmem>>
    %dma_wait3A_98 = arith.constant 0 : i32
    %dma_wait3A_99 = tpu.memref_slice %arg12[%dma_wait3A_98] : memref<100352xf32, #tpu.memory_space<vmem_shared>> -> memref<100352xf32, #tpu.memory_space<vmem_shared>>
    tpu.wait_indirect_dma semaphore(%arg14 : memref<!tpu.dma_semaphore, #tpu.memory_space<semaphore_mem>>) src(%arg10 : memref<128xf32, #tpu.memory_space<vmem>>) dst(%dma_wait3A_99 : memref<100352xf32, #tpu.memory_space<vmem_shared>>)
    %dma_wait3A_100 = arith.constant 3 : i32
    %dma_wait3A_101 = arith.constant 0 : i32
    %dma_wait3A_102 = tpu.memref_slice %arg7[%dma_wait3A_100, %dma_wait3A_101] : memref<8x128xi32, #tpu.memory_space<vmem>> -> memref<1x128xi32, #tpu.memory_space<vmem>>
    %dma_wait3A_103 = tpu.memref_squeeze %dma_wait3A_102 : memref<1x128xi32, #tpu.memory_space<vmem>> -> memref<128xi32, #tpu.memory_space<vmem>>
    %dma_wait3A_104 = arith.constant 0 : i32
    %dma_wait3A_105 = tpu.memref_slice %arg12[%dma_wait3A_104] : memref<100352xf32, #tpu.memory_space<vmem_shared>> -> memref<100352xf32, #tpu.memory_space<vmem_shared>>
    tpu.wait_indirect_dma semaphore(%arg14 : memref<!tpu.dma_semaphore, #tpu.memory_space<semaphore_mem>>) src(%arg10 : memref<128xf32, #tpu.memory_space<vmem>>) dst(%dma_wait3A_105 : memref<100352xf32, #tpu.memory_space<vmem_shared>>)
    %dma_wait3A_106 = arith.constant 4 : i32
    %dma_wait3A_107 = arith.constant 0 : i32
    %dma_wait3A_108 = tpu.memref_slice %arg7[%dma_wait3A_106, %dma_wait3A_107] : memref<8x128xi32, #tpu.memory_space<vmem>> -> memref<1x128xi32, #tpu.memory_space<vmem>>
    %dma_wait3A_109 = tpu.memref_squeeze %dma_wait3A_108 : memref<1x128xi32, #tpu.memory_space<vmem>> -> memref<128xi32, #tpu.memory_space<vmem>>
    %dma_wait3A_110 = arith.constant 0 : i32
    %dma_wait3A_111 = tpu.memref_slice %arg12[%dma_wait3A_110] : memref<100352xf32, #tpu.memory_space<vmem_shared>> -> memref<100352xf32, #tpu.memory_space<vmem_shared>>
    tpu.wait_indirect_dma semaphore(%arg14 : memref<!tpu.dma_semaphore, #tpu.memory_space<semaphore_mem>>) src(%arg10 : memref<128xf32, #tpu.memory_space<vmem>>) dst(%dma_wait3A_111 : memref<100352xf32, #tpu.memory_space<vmem_shared>>)
    %dma_wait3A_112 = arith.constant 5 : i32
    %dma_wait3A_113 = arith.constant 0 : i32
    %dma_wait3A_114 = tpu.memref_slice %arg7[%dma_wait3A_112, %dma_wait3A_113] : memref<8x128xi32, #tpu.memory_space<vmem>> -> memref<1x128xi32, #tpu.memory_space<vmem>>
    %dma_wait3A_115 = tpu.memref_squeeze %dma_wait3A_114 : memref<1x128xi32, #tpu.memory_space<vmem>> -> memref<128xi32, #tpu.memory_space<vmem>>
    %dma_wait3A_116 = arith.constant 0 : i32
    %dma_wait3A_117 = tpu.memref_slice %arg12[%dma_wait3A_116] : memref<100352xf32, #tpu.memory_space<vmem_shared>> -> memref<100352xf32, #tpu.memory_space<vmem_shared>>
    tpu.wait_indirect_dma semaphore(%arg14 : memref<!tpu.dma_semaphore, #tpu.memory_space<semaphore_mem>>) src(%arg10 : memref<128xf32, #tpu.memory_space<vmem>>) dst(%dma_wait3A_117 : memref<100352xf32, #tpu.memory_space<vmem_shared>>)
    %dma_wait3A_118 = arith.constant 6 : i32
    %dma_wait3A_119 = arith.constant 0 : i32
    %dma_wait3A_120 = tpu.memref_slice %arg7[%dma_wait3A_118, %dma_wait3A_119] : memref<8x128xi32, #tpu.memory_space<vmem>> -> memref<1x128xi32, #tpu.memory_space<vmem>>
    %dma_wait3A_121 = tpu.memref_squeeze %dma_wait3A_120 : memref<1x128xi32, #tpu.memory_space<vmem>> -> memref<128xi32, #tpu.memory_space<vmem>>
    %dma_wait3A_122 = arith.constant 0 : i32
    %dma_wait3A_123 = tpu.memref_slice %arg12[%dma_wait3A_122] : memref<100352xf32, #tpu.memory_space<vmem_shared>> -> memref<100352xf32, #tpu.memory_space<vmem_shared>>
    tpu.wait_indirect_dma semaphore(%arg14 : memref<!tpu.dma_semaphore, #tpu.memory_space<semaphore_mem>>) src(%arg10 : memref<128xf32, #tpu.memory_space<vmem>>) dst(%dma_wait3A_123 : memref<100352xf32, #tpu.memory_space<vmem_shared>>)
    %dma_wait3A_124 = arith.constant 7 : i32
    %dma_wait3A_125 = arith.constant 0 : i32
    %dma_wait3A_126 = tpu.memref_slice %arg7[%dma_wait3A_124, %dma_wait3A_125] : memref<8x128xi32, #tpu.memory_space<vmem>> -> memref<1x128xi32, #tpu.memory_space<vmem>>
    %dma_wait3A_127 = tpu.memref_squeeze %dma_wait3A_126 : memref<1x128xi32, #tpu.memory_space<vmem>> -> memref<128xi32, #tpu.memory_space<vmem>>
    %dma_wait3A_128 = arith.constant 0 : i32
    %dma_wait3A_129 = tpu.memref_slice %arg12[%dma_wait3A_128] : memref<100352xf32, #tpu.memory_space<vmem_shared>> -> memref<100352xf32, #tpu.memory_space<vmem_shared>>
    tpu.wait_indirect_dma semaphore(%arg14 : memref<!tpu.dma_semaphore, #tpu.memory_space<semaphore_mem>>) src(%arg10 : memref<128xf32, #tpu.memory_space<vmem>>) dst(%dma_wait3A_129 : memref<100352xf32, #tpu.memory_space<vmem_shared>>)
    %barrier3A_130 = arith.constant 0 : index
    tpu.barrier barrier_id(%barrier3A_130)
    %dma_start3A_131 = arith.constant 0 : i32
    %dma_start3A_132 = arith.constant 0 : i32
    %dma_start3A_133 = tpu.memref_slice %arg9[%dma_start3A_132] : memref<512xf32, #tpu.memory_space<vmem>> -> memref<128xf32, #tpu.memory_space<vmem>>
    %dma_start3A_134 = arith.constant 0 : i32
    %dma_start3A_135 = tpu.memref_slice %arg6[%dma_start3A_131, %dma_start3A_134] : memref<4x128xi32, #tpu.memory_space<vmem>> -> memref<1x128xi32, #tpu.memory_space<vmem>>
    %dma_start3A_136 = tpu.memref_squeeze %dma_start3A_135 : memref<1x128xi32, #tpu.memory_space<vmem>> -> memref<128xi32, #tpu.memory_space<vmem>>
    %dma_start3A_137 = arith.constant 0 : i32
    %dma_start3A_138 = tpu.memref_slice %arg12[%dma_start3A_137] : memref<100352xf32, #tpu.memory_space<vmem_shared>> -> memref<100352xf32, #tpu.memory_space<vmem_shared>>
    tpu.enqueue_indirect_dma source(%dma_start3A_138 : memref<100352xf32, #tpu.memory_space<vmem_shared>>) target(%dma_start3A_133 : memref<128xf32, #tpu.memory_space<vmem>>) offsets(%dma_start3A_136 : memref<128xi32, #tpu.memory_space<vmem>>) semaphore(%arg14 : memref<!tpu.dma_semaphore, #tpu.memory_space<semaphore_mem>>)
    %dma_start3A_139 = arith.constant 1 : i32
    %dma_start3A_140 = arith.constant 128 : i32
    %dma_start3A_141 = tpu.memref_slice %arg9[%dma_start3A_140] : memref<512xf32, #tpu.memory_space<vmem>> -> memref<128xf32, #tpu.memory_space<vmem>>
    %dma_start3A_142 = arith.constant 0 : i32
    %dma_start3A_143 = tpu.memref_slice %arg6[%dma_start3A_139, %dma_start3A_142] : memref<4x128xi32, #tpu.memory_space<vmem>> -> memref<1x128xi32, #tpu.memory_space<vmem>>
    %dma_start3A_144 = tpu.memref_squeeze %dma_start3A_143 : memref<1x128xi32, #tpu.memory_space<vmem>> -> memref<128xi32, #tpu.memory_space<vmem>>
    %dma_start3A_145 = arith.constant 0 : i32
    %dma_start3A_146 = tpu.memref_slice %arg12[%dma_start3A_145] : memref<100352xf32, #tpu.memory_space<vmem_shared>> -> memref<100352xf32, #tpu.memory_space<vmem_shared>>
    tpu.enqueue_indirect_dma source(%dma_start3A_146 : memref<100352xf32, #tpu.memory_space<vmem_shared>>) target(%dma_start3A_141 : memref<128xf32, #tpu.memory_space<vmem>>) offsets(%dma_start3A_144 : memref<128xi32, #tpu.memory_space<vmem>>) semaphore(%arg14 : memref<!tpu.dma_semaphore, #tpu.memory_space<semaphore_mem>>)
    %dma_start3A_147 = arith.constant 2 : i32
    %dma_start3A_148 = arith.constant 256 : i32
    %dma_start3A_149 = tpu.memref_slice %arg9[%dma_start3A_148] : memref<512xf32, #tpu.memory_space<vmem>> -> memref<128xf32, #tpu.memory_space<vmem>>
    %dma_start3A_150 = arith.constant 0 : i32
    %dma_start3A_151 = tpu.memref_slice %arg6[%dma_start3A_147, %dma_start3A_150] : memref<4x128xi32, #tpu.memory_space<vmem>> -> memref<1x128xi32, #tpu.memory_space<vmem>>
    %dma_start3A_152 = tpu.memref_squeeze %dma_start3A_151 : memref<1x128xi32, #tpu.memory_space<vmem>> -> memref<128xi32, #tpu.memory_space<vmem>>
    %dma_start3A_153 = arith.constant 0 : i32
    %dma_start3A_154 = tpu.memref_slice %arg12[%dma_start3A_153] : memref<100352xf32, #tpu.memory_space<vmem_shared>> -> memref<100352xf32, #tpu.memory_space<vmem_shared>>
    tpu.enqueue_indirect_dma source(%dma_start3A_154 : memref<100352xf32, #tpu.memory_space<vmem_shared>>) target(%dma_start3A_149 : memref<128xf32, #tpu.memory_space<vmem>>) offsets(%dma_start3A_152 : memref<128xi32, #tpu.memory_space<vmem>>) semaphore(%arg14 : memref<!tpu.dma_semaphore, #tpu.memory_space<semaphore_mem>>)
    %dma_start3A_155 = arith.constant 3 : i32
    %dma_start3A_156 = arith.constant 384 : i32
    %dma_start3A_157 = tpu.memref_slice %arg9[%dma_start3A_156] : memref<512xf32, #tpu.memory_space<vmem>> -> memref<128xf32, #tpu.memory_space<vmem>>
    %dma_start3A_158 = arith.constant 0 : i32
    %dma_start3A_159 = tpu.memref_slice %arg6[%dma_start3A_155, %dma_start3A_158] : memref<4x128xi32, #tpu.memory_space<vmem>> -> memref<1x128xi32, #tpu.memory_space<vmem>>
    %dma_start3A_160 = tpu.memref_squeeze %dma_start3A_159 : memref<1x128xi32, #tpu.memory_space<vmem>> -> memref<128xi32, #tpu.memory_space<vmem>>
    %dma_start3A_161 = arith.constant 0 : i32
    %dma_start3A_162 = tpu.memref_slice %arg12[%dma_start3A_161] : memref<100352xf32, #tpu.memory_space<vmem_shared>> -> memref<100352xf32, #tpu.memory_space<vmem_shared>>
    tpu.enqueue_indirect_dma source(%dma_start3A_162 : memref<100352xf32, #tpu.memory_space<vmem_shared>>) target(%dma_start3A_157 : memref<128xf32, #tpu.memory_space<vmem>>) offsets(%dma_start3A_160 : memref<128xi32, #tpu.memory_space<vmem>>) semaphore(%arg14 : memref<!tpu.dma_semaphore, #tpu.memory_space<semaphore_mem>>)
    %dma_wait3A_163 = arith.constant 0 : i32
    %dma_wait3A_164 = arith.constant 0 : i32
    %dma_wait3A_165 = tpu.memref_slice %arg9[%dma_wait3A_164] : memref<512xf32, #tpu.memory_space<vmem>> -> memref<128xf32, #tpu.memory_space<vmem>>
    %dma_wait3A_166 = arith.constant 0 : i32
    %dma_wait3A_167 = tpu.memref_slice %arg6[%dma_wait3A_163, %dma_wait3A_166] : memref<4x128xi32, #tpu.memory_space<vmem>> -> memref<1x128xi32, #tpu.memory_space<vmem>>
    %dma_wait3A_168 = tpu.memref_squeeze %dma_wait3A_167 : memref<1x128xi32, #tpu.memory_space<vmem>> -> memref<128xi32, #tpu.memory_space<vmem>>
    %dma_wait3A_169 = arith.constant 0 : i32
    %dma_wait3A_170 = tpu.memref_slice %arg12[%dma_wait3A_169] : memref<100352xf32, #tpu.memory_space<vmem_shared>> -> memref<100352xf32, #tpu.memory_space<vmem_shared>>
    tpu.wait_indirect_dma semaphore(%arg14 : memref<!tpu.dma_semaphore, #tpu.memory_space<semaphore_mem>>) src(%dma_wait3A_170 : memref<100352xf32, #tpu.memory_space<vmem_shared>>) dst(%dma_wait3A_165 : memref<128xf32, #tpu.memory_space<vmem>>)
    %dma_wait3A_171 = arith.constant 1 : i32
    %dma_wait3A_172 = arith.constant 128 : i32
    %dma_wait3A_173 = tpu.memref_slice %arg9[%dma_wait3A_172] : memref<512xf32, #tpu.memory_space<vmem>> -> memref<128xf32, #tpu.memory_space<vmem>>
    %dma_wait3A_174 = arith.constant 0 : i32
    %dma_wait3A_175 = tpu.memref_slice %arg6[%dma_wait3A_171, %dma_wait3A_174] : memref<4x128xi32, #tpu.memory_space<vmem>> -> memref<1x128xi32, #tpu.memory_space<vmem>>
    %dma_wait3A_176 = tpu.memref_squeeze %dma_wait3A_175 : memref<1x128xi32, #tpu.memory_space<vmem>> -> memref<128xi32, #tpu.memory_space<vmem>>
    %dma_wait3A_177 = arith.constant 0 : i32
    %dma_wait3A_178 = tpu.memref_slice %arg12[%dma_wait3A_177] : memref<100352xf32, #tpu.memory_space<vmem_shared>> -> memref<100352xf32, #tpu.memory_space<vmem_shared>>
    tpu.wait_indirect_dma semaphore(%arg14 : memref<!tpu.dma_semaphore, #tpu.memory_space<semaphore_mem>>) src(%dma_wait3A_178 : memref<100352xf32, #tpu.memory_space<vmem_shared>>) dst(%dma_wait3A_173 : memref<128xf32, #tpu.memory_space<vmem>>)
    %dma_wait3A_179 = arith.constant 2 : i32
    %dma_wait3A_180 = arith.constant 256 : i32
    %dma_wait3A_181 = tpu.memref_slice %arg9[%dma_wait3A_180] : memref<512xf32, #tpu.memory_space<vmem>> -> memref<128xf32, #tpu.memory_space<vmem>>
    %dma_wait3A_182 = arith.constant 0 : i32
    %dma_wait3A_183 = tpu.memref_slice %arg6[%dma_wait3A_179, %dma_wait3A_182] : memref<4x128xi32, #tpu.memory_space<vmem>> -> memref<1x128xi32, #tpu.memory_space<vmem>>
    %dma_wait3A_184 = tpu.memref_squeeze %dma_wait3A_183 : memref<1x128xi32, #tpu.memory_space<vmem>> -> memref<128xi32, #tpu.memory_space<vmem>>
    %dma_wait3A_185 = arith.constant 0 : i32
    %dma_wait3A_186 = tpu.memref_slice %arg12[%dma_wait3A_185] : memref<100352xf32, #tpu.memory_space<vmem_shared>> -> memref<100352xf32, #tpu.memory_space<vmem_shared>>
    tpu.wait_indirect_dma semaphore(%arg14 : memref<!tpu.dma_semaphore, #tpu.memory_space<semaphore_mem>>) src(%dma_wait3A_186 : memref<100352xf32, #tpu.memory_space<vmem_shared>>) dst(%dma_wait3A_181 : memref<128xf32, #tpu.memory_space<vmem>>)
    %dma_wait3A_187 = arith.constant 3 : i32
    %dma_wait3A_188 = arith.constant 384 : i32
    %dma_wait3A_189 = tpu.memref_slice %arg9[%dma_wait3A_188] : memref<512xf32, #tpu.memory_space<vmem>> -> memref<128xf32, #tpu.memory_space<vmem>>
    %dma_wait3A_190 = arith.constant 0 : i32
    %dma_wait3A_191 = tpu.memref_slice %arg6[%dma_wait3A_187, %dma_wait3A_190] : memref<4x128xi32, #tpu.memory_space<vmem>> -> memref<1x128xi32, #tpu.memory_space<vmem>>
    %dma_wait3A_192 = tpu.memref_squeeze %dma_wait3A_191 : memref<1x128xi32, #tpu.memory_space<vmem>> -> memref<128xi32, #tpu.memory_space<vmem>>
    %dma_wait3A_193 = arith.constant 0 : i32
    %dma_wait3A_194 = tpu.memref_slice %arg12[%dma_wait3A_193] : memref<100352xf32, #tpu.memory_space<vmem_shared>> -> memref<100352xf32, #tpu.memory_space<vmem_shared>>
    tpu.wait_indirect_dma semaphore(%arg14 : memref<!tpu.dma_semaphore, #tpu.memory_space<semaphore_mem>>) src(%dma_wait3A_194 : memref<100352xf32, #tpu.memory_space<vmem_shared>>) dst(%dma_wait3A_189 : memref<128xf32, #tpu.memory_space<vmem>>)
    %dma_wait3A_195 = arith.constant 0 : i32
    %dma_wait3A_196 = arith.constant 0 : i32
    %dma_wait3A_197 = tpu.memref_slice %arg3[%dma_wait3A_195, %dma_wait3A_196] : memref<100000x64xf32, #tpu.memory_space<hbm>> -> memref<512x64xf32, #tpu.memory_space<hbm>>
    %dma_wait3A_198 = arith.constant 0 : i32
    %dma_wait3A_199 = arith.constant 0 : i32
    %dma_wait3A_200 = tpu.memref_slice %arg3[%dma_wait3A_198, %dma_wait3A_199] : memref<100000x64xf32, #tpu.memory_space<hbm>> -> memref<512x64xf32, #tpu.memory_space<hbm>>
    tpu.wait_dma2 semaphore(%arg13 : memref<!tpu.dma_semaphore, #tpu.memory_space<semaphore_mem>>) src(%dma_wait3A_200 : memref<512x64xf32, #tpu.memory_space<hbm>>) dst(%arg8 : memref<512x64xf32, #tpu.memory_space<vmem>>)
    %mul3A_201 = arith.constant 512 : i32
    %mul3A_202 = arith.muli %add3A, %mul3A_201 : i32
    "tpu.region"() ({
      %run_scoped3A = tpu.sem_alloc : memref<!tpu.dma_semaphore, #tpu.memory_space<semaphore_mem>>
      %dma_start3A_205 = arith.constant 0 : i32
      %dma_start3A_206 = tpu.memref_slice %arg4[%mul3A_202, %dma_start3A_205] : memref<16384x64xf32, #tpu.memory_space<hbm>> -> memref<512x64xf32, #tpu.memory_space<hbm>>
      %dma_start3A_207 = arith.constant 0 : i32
      %dma_start3A_208 = tpu.memref_slice %arg4[%mul3A_202, %dma_start3A_207] : memref<16384x64xf32, #tpu.memory_space<hbm>> -> memref<512x64xf32, #tpu.memory_space<hbm>>
      tpu.enqueue_dma source(%arg8 : memref<512x64xf32, #tpu.memory_space<vmem>>) target(%dma_start3A_208 : memref<512x64xf32, #tpu.memory_space<hbm>>) target_semaphore(%run_scoped3A : memref<!tpu.dma_semaphore, #tpu.memory_space<semaphore_mem>>)
      %dma_wait3A_209 = arith.constant 0 : i32
      %dma_wait3A_210 = tpu.memref_slice %arg4[%mul3A_202, %dma_wait3A_209] : memref<16384x64xf32, #tpu.memory_space<hbm>> -> memref<512x64xf32, #tpu.memory_space<hbm>>
      %dma_wait3A_211 = arith.constant 0 : i32
      %dma_wait3A_212 = tpu.memref_slice %arg4[%mul3A_202, %dma_wait3A_211] : memref<16384x64xf32, #tpu.memory_space<hbm>> -> memref<512x64xf32, #tpu.memory_space<hbm>>
      tpu.wait_dma2 semaphore(%run_scoped3A : memref<!tpu.dma_semaphore, #tpu.memory_space<semaphore_mem>>) src(%arg8 : memref<512x64xf32, #tpu.memory_space<vmem>>) dst(%dma_wait3A_212 : memref<512x64xf32, #tpu.memory_space<hbm>>)
      tpu.yield
    }) : () -> ()
    %mul3A_203 = arith.constant 512 : i32
    %mul3A_204 = arith.muli %add3A, %mul3A_203 : i32
    "tpu.region"() ({
      %run_scoped3A = tpu.sem_alloc : memref<!tpu.dma_semaphore, #tpu.memory_space<semaphore_mem>>
      %dma_start3A_205 = tpu.memref_slice %arg5[%mul3A_204] : memref<16384xf32, #tpu.memory_space<hbm>> -> memref<512xf32, #tpu.memory_space<hbm>>
      %dma_start3A_206 = tpu.memref_slice %arg5[%mul3A_204] : memref<16384xf32, #tpu.memory_space<hbm>> -> memref<512xf32, #tpu.memory_space<hbm>>
      tpu.enqueue_dma source(%arg9 : memref<512xf32, #tpu.memory_space<vmem>>) target(%dma_start3A_206 : memref<512xf32, #tpu.memory_space<hbm>>) target_semaphore(%run_scoped3A : memref<!tpu.dma_semaphore, #tpu.memory_space<semaphore_mem>>)
      %dma_wait3A_207 = tpu.memref_slice %arg5[%mul3A_204] : memref<16384xf32, #tpu.memory_space<hbm>> -> memref<512xf32, #tpu.memory_space<hbm>>
      %dma_wait3A_208 = tpu.memref_slice %arg5[%mul3A_204] : memref<16384xf32, #tpu.memory_space<hbm>> -> memref<512xf32, #tpu.memory_space<hbm>>
      tpu.wait_dma2 semaphore(%run_scoped3A : memref<!tpu.dma_semaphore, #tpu.memory_space<semaphore_mem>>) src(%arg9 : memref<512xf32, #tpu.memory_space<vmem>>) dst(%dma_wait3A_208 : memref<512xf32, #tpu.memory_space<hbm>>)
      tpu.yield
    }) : () -> ()
    return
  }
}

module attributes {stable_mosaic.version = 14 : i64} {
  func.func @body(%arg0: i32, %arg1: memref<4096x64xf32, #tpu.memory_space<vmem>>, %arg2: memref<4096x64xf32, #tpu.memory_space<vmem>>, %arg3: memref<4096xf32, #tpu.memory_space<vmem>>, %arg4: memref<1x1xf32, #tpu.memory_space<vmem>>) attributes {dimension_semantics = [#tpu.dimension_semantics<arbitrary>], iteration_bounds = array<i64: 4>, scalar_prefetch = 0 : i64, scratch_operands = 0 : i64, tpu.core_type = #tpu.core_type<tc>, window_params = [{transform_indices = @transform_0, window_bounds = array<i64: 4096, 64>}, {transform_indices = @transform_1, window_bounds = array<i64: 4096, 64>}, {transform_indices = @transform_2, window_bounds = array<i64: 4096>}, {pipeline_mode = #tpu.pipeline_mode<synchronous>, transform_indices = @transform_3, window_bounds = array<i64: 1, 1>}]} {
    %get3A = arith.constant 0 : index
    %get3A_0 = arith.constant 0 : index
    %get3A_1 = vector.load %arg1[%get3A, %get3A_0] : memref<4096x64xf32, #tpu.memory_space<vmem>>, vector<4096x64xf32>
    %mul3A = arith.mulf %get3A_1, %get3A_1 : vector<4096x64xf32>
    %reduce_sum3A = arith.constant dense<0.000000e+00> : vector<4096xf32>
    %reduce_sum3A_2 = vector.multi_reduction <add>, %mul3A, %reduce_sum3A [1] : vector<4096x64xf32> to vector<4096xf32>
    %broadcast_in_dim3A = vector.shape_cast %reduce_sum3A_2 : vector<4096xf32> to vector<4096x1xf32>
    %sqrt3A = math.sqrt %broadcast_in_dim3A : vector<4096x1xf32>
    %max3A = arith.constant 9.99999996E-13 : f32
    %max3A_3 = vector.broadcast %max3A : f32 to vector<4096x1xf32>
    %max3A_4 = arith.maximumf %sqrt3A, %max3A_3 : vector<4096x1xf32>
    %div3A = vector.broadcast %max3A_4 : vector<4096x1xf32> to vector<4096x64xf32>
    %div3A_5 = arith.divf %get3A_1, %div3A : vector<4096x64xf32>
    %get3A_6 = arith.constant 0 : index
    %get3A_7 = arith.constant 0 : index
    %get3A_8 = vector.load %arg2[%get3A_6, %get3A_7] : memref<4096x64xf32, #tpu.memory_space<vmem>>, vector<4096x64xf32>
    %sub3A = arith.subf %div3A_5, %get3A_8 : vector<4096x64xf32>
    %mul3A_9 = arith.mulf %sub3A, %sub3A : vector<4096x64xf32>
    %reduce_sum3A_10 = arith.constant dense<0.000000e+00> : vector<4096xf32>
    %reduce_sum3A_11 = vector.multi_reduction <add>, %mul3A_9, %reduce_sum3A_10 [1] : vector<4096x64xf32> to vector<4096xf32>
    %broadcast_in_dim3A_12 = vector.shape_cast %reduce_sum3A_11 : vector<4096xf32> to vector<4096x1xf32>
    %get3A_13 = arith.constant 0 : index
    %get3A_14 = vector.load %arg3[%get3A_13] : memref<4096xf32, #tpu.memory_space<vmem>>, vector<4096xf32>
    %reshape3A = vector.shape_cast %get3A_14 : vector<4096xf32> to vector<4096x1xf32>
    %div3A_15 = arith.divf %broadcast_in_dim3A_12, %reshape3A : vector<4096x1xf32>
    %reduce_sum3A_16 = vector.shape_cast %div3A_15 : vector<4096x1xf32> to vector<1x4096x1xf32>
    %reduce_sum3A_17 = arith.constant dense<0.000000e+00> : vector<1xf32>
    %reduce_sum3A_18 = vector.multi_reduction <add>, %reduce_sum3A_16, %reduce_sum3A_17 [1, 2] : vector<1x4096x1xf32> to vector<1xf32>
    %reduce_sum3A_19 = vector.shape_cast %reduce_sum3A_18 : vector<1xf32> to vector<1x1x1xf32>
    %reduce_sum3A_20 = vector.extract %reduce_sum3A_19[0, 0, 0] : f32 from vector<1x1x1xf32>
    %eq3A = arith.constant 0 : i32
    %eq3A_21 = arith.cmpi eq, %arg0, %eq3A : i32
    %convert_element_type3A = arith.extui %eq3A_21 : i1 to i32
    %cond3A = arith.constant 0 : i32
    %cond3A_22 = arith.cmpi ne, %convert_element_type3A, %cond3A : i32
    scf.if %cond3A_22 {
      %broadcast_in_dim3A_29 = arith.constant 0.000000e+00 : f32
      %broadcast_in_dim3A_30 = vector.broadcast %broadcast_in_dim3A_29 : f32 to vector<1x1xf32>
      %swap3A_31 = arith.constant 0 : index
      %swap3A_32 = arith.constant 0 : index
      %swap3A_33 = vector.load %arg4[%swap3A_31, %swap3A_32] : memref<1x1xf32, #tpu.memory_space<vmem>>, vector<1x1xf32>
      tpu.vector_store %arg4[%swap3A_31, %swap3A_32], %broadcast_in_dim3A_30 {strides = array<i32>} : memref<1x1xf32, #tpu.memory_space<vmem>>, vector<1x1xf32>,
    } else {
    }
    %get3A_23 = arith.constant 0 : index
    %get3A_24 = arith.constant 0 : index
    %get3A_25 = vector.load %arg4[%get3A_23, %get3A_24] : memref<1x1xf32, #tpu.memory_space<vmem>>, vector<1x1xf32>
    %add3A = vector.broadcast %reduce_sum3A_20 : f32 to vector<1x1xf32>
    %add3A_26 = arith.addf %get3A_25, %add3A : vector<1x1xf32>
    %swap3A = arith.constant 0 : index
    %swap3A_27 = arith.constant 0 : index
    %swap3A_28 = vector.load %arg4[%swap3A, %swap3A_27] : memref<1x1xf32, #tpu.memory_space<vmem>>, vector<1x1xf32>
    tpu.vector_store %arg4[%swap3A, %swap3A_27], %add3A_26 {strides = array<i32>} : memref<1x1xf32, #tpu.memory_space<vmem>>, vector<1x1xf32>,
    return
  }
  func.func @transform_0(%arg0: i32) -> (i32, i32) {
    %c0_i32 = arith.constant 0 : i32
    %c0_i32_0 = arith.constant 0 : i32
    return %arg0, %c0_i32 : i32, i32
  }
  func.func @transform_1(%arg0: i32) -> (i32, i32) {
    %c0_i32 = arith.constant 0 : i32
    %c0_i32_0 = arith.constant 0 : i32
    return %arg0, %c0_i32 : i32, i32
  }
  func.func @transform_2(%arg0: i32) -> i32 {
    %c0_i32 = arith.constant 0 : i32
    return %arg0 : i32
  }
  func.func @transform_3(%arg0: i32) -> (i32, i32) {
    %c0_i32 = arith.constant 0 : i32
    %c0_i32_0 = arith.constant 0 : i32
    %c0_i32_1 = arith.constant 0 : i32
    return %c0_i32, %c0_i32_0 : i32, i32
  }
}

</mosaic_0001>

<sc_bundles>
// kernel: kernel.4.cloned.1.call-start
scs
__scs_entry_jumppad:
0x0: {  	(pc) =	sbr.rel $0x88, $3  }
0x1: {  	(tag) =	ssettag $0x0;
	lr =	simm.s32 $0x1  }
0x2: {  	[smem:$0x3F9E] =	sst lr;
	_ =	strace $0xD0000000  }
0x3: {  	_ = 	snop  }
0x4: {  	_ = 	snop  }
0x5: {  	_ = 	snop  }
0x6: {  	_ = 	snop  }
0x7: {  	_ = 	snop  }
__scs_overlays_trampoline_lowered:
0x8: {  	[smem:$0x3FAD] =	sst s0  }
0x9: {  	[smem:$0x3FAE] =	sst s1  }
0xa: {  	[smem:$0x3FAF] =	sst s2  }
0xb: {  	[smem:$0x3FB0] =	sst s3  }
0xc: {  	[smem:$0x3FB1] =	sst s4  }
0xd: {  	[smem:$0x3FB2] =	sst s5  }
0xe: {  	[smem:$0x3FB3] =	sst s6  }
0xf: {  	[smem:$0x3FB4] =	sst s7  }
0x10: {  	[smem:$0x3FB5] =	sst s8  }
0x11: {  	[smem:$0x3FB6] =	sst s9;
	s0 =	simm.s32 @!p0 $0x0  }
0x12: {  	s1 =	sld [smem:$0x3F9C];
	s0 =	simm.s32 @p0 $0x1  }
0x13: {  	[smem:$0x3FB7] =	sst s0;
	s0 =	simm.s32 @!p1 $0x0  }
0x14: {  	s2 =	sld [smem:$0x3F9B];
	s0 =	simm.s32 @p1 $0x1  }
0x15: {  	[smem:$0x3FB8] =	sst s0;
	s0 =	simm.s32 @!p2 $0x0  }
0x16: {  	s3 =	sld [smem:$0x3FDB];
	s0 =	simm.s32 @p2 $0x1  }
0x17: {  	s4 =	simm.s32 $0x1BF5;
	[smem:$0x3FBA] =	sst s0  }
0x18: {  	s0 =	sld [smem:$0x3F9D];
	_ =	swait.ge [sflag:s4], $0x0  }
0x19: {  	s7 =	sld [smem:$0x3F9E]  }
0x1a: {  	s8 =	sadd.s32 $0xFFFFE003, lr  }
0x1b: {  	s9 =	sadd.s32 $0xFFFFFEF7, lr;
	s5 =	simm.s32 $0xFFFFFFFF;
	p2 =	slt.u32 s8, $0xFFFFF086  }
0x1c: {  	p1 =	slt.u32 s9, $0xF7A;
	s5 =	simm.s32 @!p2 $0x0  }
0x1d: {  	s5 =	simm.s32 @p1 $0x1;
	p0 =	seq.s32 s7, s2  }
0x1e: {  	s7 =	smul.u32 @!p0 $0xF7A, s2;
	p2 =	seq.s32 @!p0 s5, $0x0  }
0x1f: {  	s9 =	smul.u32 $0xF7A, s1;
	s8 =	simm.s32 @!p0 $0x1BF5;
	p2 =	por !p2, p0  }
0x20: {  	[sflag:s8] =	ssyncset.s32 @!p0 $0xFFFFF086;
	s6 =	sadd.s32 @!p0 s3, s7;
	s7 =	simm.s32 @!p0 $0x108  }
0x21: {  	s3 =	sadd.s32 s3, s9;
	s6 =	sadd.s32 @!p0 $0x88, s6;
	s7 =	simm.s32 @p2 $0x1082  }
0x22: {  	[simem:s7], [sflag:s8] =	dma.local @!p0 [hbm:s6], $0xF7A  }
0x23: {  	s9 =	sor.u32 $0xD0000000, s2;
	s6 =	simm.s32 $0x108;
	_ =	swait.ge @!p0 [sflag:s8], $0x0  }
0x24: {  	s3 =	sadd.s32 $0x88, s3;
	s6 =	simm.s32 @!p1 $0x1082;
	[sflag:s4] =	ssyncset.s32 $0xFFFFF086  }
0x25: {  	[simem:s6], [sflag:s4] =	dma.local [hbm:s3], $0xF7A  }
0x26: {  	[smem:$0x3F9E] =	sst s1;
	(tag) =	ssettag s2;
	_ =	strace s9  }
0x27: {  	s1 =	sld [smem:$0x3FAE]  }
0x28: {  	s2 =	sld [smem:$0x3FAF]  }
0x29: {  	s4 =	sld [smem:$0x3FB1]  }
0x2a: {  	p0 =	seq.s32 s5, $0x0;
	s5 =	sld [smem:$0x3FB2]  }
0x2b: {  	s6 =	sld [smem:$0x3FB3]  }
0x2c: {  	s7 =	sld [smem:$0x3FB4]  }
0x2d: {  	s3 =	simm.s32 $0x108;
	s8 =	sld [smem:$0x3FB5]  }
0x2e: {  	s3 =	simm.s32 @!p0 $0x1082;
	s9 =	sld [smem:$0x3FB6]  }
0x2f: {  	lr =	sadd.s32 s0, s3;
	s0 =	sld [smem:$0x3FAD]  }
0x30: {  	s3 =	sld [smem:$0x3FB0]  }
0x31: {  	[smem:$0x3FB9] =	sst s10  }
0x32: {  	s10 =	sld [smem:$0x3FB7];
	_ =	sdelay $0x3  }
0x33: {  	p0 =	seq.s32 s10, $0x1;
	s10 =	sld [smem:$0x3FB9];
	_ =	sdelay $0x3  }
0x34: {  	[smem:$0x3FB9] =	sst s10  }
0x35: {  	s10 =	sld [smem:$0x3FB8];
	_ =	sdelay $0x3  }
0x36: {  	p1 =	seq.s32 s10, $0x1;
	s10 =	sld [smem:$0x3FB9];
	_ =	sdelay $0x3  }
0x37: {  	[smem:$0x3FB9] =	sst s10  }
0x38: {  	s10 =	sld [smem:$0x3FBA]  }
0x39: {  	_ = 	snop;
	(pc) =	sbr.ind lr, $3  }
0x3a: {  	_ = 	snop  }
0x3b: {  	_ = 	snop  }
0x3c: {  	p2 =	seq.s32 s10, $0x1;
	s10 =	sld [smem:$0x3FB9]  }
0x3d: {  	_ =	shalt  }
0x3e: {  	_ =	shalt  }
0x3f: {  	_ =	shalt  }
0x40: {  	_ =	shalt  }
0x41: {  	_ =	shalt  }
0x42: {  	_ =	shalt  }
0x43: {  	_ =	shalt  }
0x44: {  	_ =	shalt  }
0x45: {  	_ =	shalt  }
0x46: {  	_ =	shalt  }
0x47: {  	_ =	shalt  }
0x48: {  	_ =	shalt  }
0x49: {  	_ =	shalt  }
0x4a: {  	_ =	shalt  }
0x4b: {  	_ =	shalt  }
0x4c: {  	_ =	shalt  }
0x4d: {  	_ =	shalt  }
0x4e: {  	_ =	shalt  }
0x4f: {  	_ =	shalt  }
0x50: {  	_ =	shalt  }
0x51: {  	_ =	shalt  }
0x52: {  	_ =	shalt  }
0x53: {  	_ =	shalt  }
0x54: {  	_ =	shalt  }
0x55: {  	_ =	shalt  }
0x56: {  	_ =	shalt  }
0x57: {  	_ =	shalt  }
0x58: {  	_ =	shalt  }
0x59: {  	_ =	shalt  }
0x5a: {  	_ =	shalt  }
0x5b: {  	_ =	shalt  }
0x5c: {  	_ =	shalt  }
0x5d: {  	_ =	shalt  }
0x5e: {  	_ =	shalt  }
0x5f: {  	_ =	shalt  }
0x60: {  	_ =	shalt  }
0x61: {  	_ =	shalt  }
0x62: {  	_ =	shalt  }
0x63: {  	_ =	shalt  }
0x64: {  	_ =	shalt  }
0x65: {  	_ =	shalt  }
0x66: {  	_ =	shalt  }
0x67: {  	_ =	shalt  }
0x68: {  	_ =	shalt  }
0x69: {  	_ =	shalt  }
0x6a: {  	_ =	shalt  }
0x6b: {  	_ =	shalt  }
0x6c: {  	_ =	shalt  }
0x6d: {  	_ =	shalt  }
0x6e: {  	_ =	shalt  }
0x6f: {  	_ =	shalt  }
0x70: {  	_ =	shalt  }
0x71: {  	_ =	shalt  }
0x72: {  	_ =	shalt  }
0x73: {  	_ =	shalt  }
0x74: {  	_ =	shalt  }
0x75: {  	_ =	shalt  }
0x76: {  	_ =	shalt  }
0x77: {  	_ =	shalt  }
0x78: {  	_ =	shalt  }
0x79: {  	_ =	shalt  }
0x7a: {  	_ =	shalt  }
0x7b: {  	_ =	shalt  }
0x7c: {  	_ =	shalt  }
0x7d: {  	_ =	shalt  }
0x7e: {  	_ =	shalt  }
0x7f: {  	_ =	shalt  }
0x80: {  	_ =	shalt  }
0x81: {  	_ =	shalt  }
0x82: {  	_ =	shalt  }
0x83: {  	_ =	shalt  }
0x84: {  	_ =	shalt  }
0x85: {  	_ =	shalt  }
0x86: {  	_ =	shalt  }
0x87: {  	_ =	shalt  }
.Lfunc_end0:
.L_simem_size_0:
called_computation_lowered:
.L_overlay_start_0:
0x88: {  	s2 =	sld [smem:$0x3FD9]  }
0x89: {  	s3 =	sld [smem:$0x3FFE];
	_ =	sdelay $0x1  }
0x8a: {  	s1 =	srdreg.scid  }
0x8b: {  	s0 =	sand.u32 $0x1, s1  }
0x8c: {  	s16 =	sshll.u32 s0, $0xA;
	s2 =	sadd.s32 s3, s2  }
0x8d: {  	s2 =	sadd.s32 s2, s16  }
0x8e: {  	[smem:$0x3FC5] =	sst s2  }
0x8f: {  	_ = 	snop  }
0x90: {  	(tm) =	ssettm $0x1  }
0x91: {  	s17 =	sld [smem:$0x3FFB];
	_ =	sdelay $0x3  }
0x92: {  	_ =	strace s17  }
0x93: {  	s2 =	sld [smem:$0x3FFC];
	_ =	sdelay $0x3  }
0x94: {  	_ =	strace s2  }
0x95: {  	s2 =	sld [smem:$0x3FFD];
	_ =	sdelay $0x3  }
0x96: {  	_ =	strace s2  }
0x97: {  	_ =	strace $0x8FFFFFFF  }
0x98: {  	s18 =	sld [smem:$0x3FDB];
	_ =	sdelay $0x1  }
0x99: {  	s19 =	simm.s32 $_scs_section_size  }
0x9a: {  	s4 =	simm.s32 $_size__tile_overlayer_lowered;
	s5 =	simm.s32 $_tile_overlayer_lowered  }
0x9b: {  	s22 =	simm.s32 $0x1BFF;
	s21 =	sshll.u32 s5, $0x1;
	s2 =	sadd.s32 s19, s18  }
0x9c: {  	s6 =	simm.s32 $0x0;
	s20 =	sshll.u32 s4, $0x1;
	s4 =	sadd.s32 s21, s2  }
0x9d: {  	[timem:s6], [sflag:s22] =	dma.local [hbm:s4], s20  }
0x9e: {  	_ =	swait.ge [sflag:s22], s20  }
0x9f: {  	s3 =	ssub.s32 $0x0, s20;
	[sflag:s22] =	ssyncset.done $0x0  }
0xa0: {  	[sflag:s22] =	ssyncadd.s32 s3;
	_ =	sdelay $0x1  }
0xa1: {  	s23 =	simm.s32 $0x1B8B  }
0xa2: {  	_ =	swait.ge [sflag:s23], $0x1  }
0xa3: {  	[sflag:s23] =	ssyncset.done $0x0  }
0xa4: {  	s25 =	simm.s32 $0x1B8E;
	s24 =	sld [smem:$0x3FFE];
	[sflag:s23] =	ssyncadd.s32 $0xFFFFFFFF  }
0xa5: {  	s26 =	simm.s32 $execute0_lowered;
	[smem:$0x3FD2] =	sst s25  }
0xa6: {  	s4 =	sshll.u32 s26, $0x1;
	_ =	strace $0x80000046;
	[dreg:$0x1] =	wrdreg $0xFFFFFFFF  }
0xa7: {  	s28 =	simm.s32 $_size_execute0_lowered;
	s2 =	sadd.s32 s2, s4;
	[dreg:$0x0] =	wrdreg $0x0  }
0xa8: {  	s4 =	sshll.u32 s28, $0x1;
	[dreg:$0x2] =	wrdreg s2  }
0xa9: {  	[dreg:$0x3] =	wrdreg s4  }
0xaa: {  	[dreg:$0x4] =	wrdreg $0xC0  }
0xab: {  	_ =	task [dreg:s6], $0x5FFFF  }
0xac: {  	[dreg:$0x1] =	wrdreg $0xFFFFFFFF  }
0xad: {  	[dreg:$0x0] =	wrdreg $0x60  }
0xae: {  	[dreg:$0x2] =	wrdreg s24  }
0xaf: {  	[dreg:$0x3] =	wrdreg $0x121000  }
0xb0: {  	[dreg:$0x4] =	wrdreg $0x9  }
0xb1: {  	_ =	task.clear_ibuf [dreg:s6], $0x5FFFF;
	_ =	strace $0x90000046  }
0xb2: {  	s29 =	simm.s32 $0x9;
	_ =	strace $0x80000048  }
0xb3: {  	_ =	swait.ge [sflag:s29], $0x1  }
0xb4: {  	[sflag:s29] =	ssyncadd.s32 $0xFFFFFFFF  }
0xb5: {  	_ =	strace $0x90000048  }
0xb6: {  	_ =	sfence  }
0xb7: {  	s30 =	sld [smem:$0x0];
	_ =	sdelay $0x2  }
0xb8: {  	s31 =	sshll.u32 s1, $0xD;
	s1 =	sshrl.u32 s1, $0x2  }
0xb9: {  	s3 =	sand.u32 $0x4000, s31;
	s1 =	sadd.s32 s1, s30  }
0xba: {  	s0 =	sor.u32 s3, s0;
	s1 =	sshll.u32 s1, $0x11  }
0xbb: {  	s0 =	sor.u32 s1, s0  }
0xbc: {  	s0 =	sadd.s32 $0x8F2B, s0  }
0xbd: {  	[sflag:s0] =	ssyncadd.remote.s32 $0x1  }
0xbe: {  	_ =	sfence.sel $0xFFFF  }
0xbf: {  	[dreg:$0x0] =	wrdreg $0xFFFFFFFF;
	(pc) =	sbr.abs _section_cstart, $3  }
0xc0: {  	[dreg:$0x1] =	wrdreg $0xFFFFFFFF  }
0xc1: {  	_ =	task.clear_ibuf [dreg:s6], $0x2FFFF;
	_ =	strace $0x9FFFFFFF  }
0xc2: {  	(tm) =	ssettm $0x7FFFFFFF  }
0xc3: {  	_ =	shalt  }
tec
execute0_lowered:
.L_overlay_start_1:
0x0: {  	(tag) =	ssettag $0x1  }
0x1: {  	s0 =	rddreg [dreg:$0x0]  }
0x2: {  	s2 =	rddreg [dreg:$0x1]  }
0x3: {  	s3 =	simm.s32 $0x0;
	s1 =	srdreg.scid;
	s10 =	stileid.u32  }
0x4: {  	s14 =	simm.s32 $0x80;
	s15 =	simm.s32 $0x10800;
	s23 =	simm.s32 $0x2  }
0x5: {  	s31 =	simm.s32 $0x1;
	[smem:$0x7FF] =	sst s3;
	s1 =	sand.u32 $0x1, s1  }
0x6: {  	s4 =	sshll.u32 s10, $0x1;
	s6 =	sadd.s32 $0x187A00, s0;
	s26 =	smul.u32 $0x6200, s10  }
0x7: {  	s10 =	sshll.u32 s10, $0x7;
	_ =	strace $0x80000047;
	s4 =	sor.u32 s1, s4  }
0x8: {  	s25 =	ssub.s32 $0x2, s1;
	s1 =	sshll.u32 s1, $0x6;
	s29 =	sadd.s32 s6, s10  }
0x9: {  	s5 =	sshll.u32 s4, $0xD;
	s7 =	sshll.u32 s4, $0x6;
	s4 =	sadd.s32 $0x1000, s0  }
0xa: {  	s9 =	sshrl.u32 s25, $0x1;
	s1 =	sadd.s32 s6, s1;
	s28 =	sshrl.u32 s26, $0x2  }
0xb: {  	[dreg:$0x4] =	wrdreg s29;
	s8 =	sadd.s32 s5, s0;
	s1 =	sadd.s32 s10, s1  }
0xc: {  	s0 =	sadd.s32 s7, s0;
	[dreg:$0x3] =	wrdreg s1;
	s1 =	sadd.s32 s28, s2  }
0xd: {  	s11 =	ssub.s32 s25, s9;
	s30 =	sadd.s32 $0x188200, s8;
	[dreg:$0x5] =	wrdreg s1  }
0xe: {  	s0 =	sadd.s32 $0x1C8200, s0;
	s10 =	smax.u32 s11, $0x1;
	[dreg:$0x6] =	wrdreg s30  }
0xf: {  	v0 =	vimm.f32 $1.000000000e+00;
	v1 =	vimm.f32 $0.0e+00;
	s11 =	simm.s32 $0x3;
	[dreg:$0x7] =	wrdreg s0;
	s1 =	simm.s32 $0x0  }
.LBB2_1:
0x10: {  	s0 =	rddreg [dreg:$0x3]  }
0x11: {  	[tilespmem:s3], [sflag:$0x3] =	stream.linear.gather [hbm4b:s0+s3], $0x200, $0x38;
	[tilespmem:$0x13980] =	vst v63  }
0x12: {  	_ =	swait.ge [sflag:s11], $0x200  }
0x13: {  	[sflag:s11] =	ssyncset.done $0x0  }
0x14: {  	[sflag:s11] =	ssyncadd.s32 $0xFFFFFE00  }
0x15: {  	v2 =	vld [tilespmem:s3+$0x0];
	_ =	sdelay $0x4  }
0x16: {  	v2 =	vshll.u32 v2, $0x4  }
0x17: {  	(v2sf) =	vpush v2, $0x0  }
0x18: {  	(v2sf) =	vpush v2, $0x1  }
0x19: {  	(v2sf) =	vpush v2, $0x2;
	_ =	sdelay $0x1  }
0x1a: {  	(v2sf) =	vpush v2, $0x4;
	_ =	sdelay $0x1  }
0x1b: {  	(v2sf) =	vpush v2, $0x3  }
0x1c: {  	(v2sf) =	vpush v2, $0x5  }
0x1d: {  	s17 =	simm.s32 $0x2000;
	s16 =	simm.s32 $0x0;
	s18 =	simm.s32 $0x0;
	(v2sf) =	vpush v2, $0x6  }
.LBB2_2:
0x1e: {  	p0 =	sne.s32 s17, $0xE000  }
0x1f: {  	s0 =	sadd.s32 $0x680, s16;
	s22 =	sadd.s32 $0xB80, s16;
	s19 =	smov.u32 s17  }
0x20: {  	s17 =	sadd.s32 $0x2000, s17;
	s28 =	sadd.s32 $0x980, s16;
	s20 =	sadd.s32 $0xC00, s16;
	(v2sf) =	vpush v2, $0x7  }
0x21: {  	s30 =	sadd.s32 $0x880, s16;
	s25 =	sadd.s32 $0xA00, s16;
	s21 =	sadd.s32 $0xC80, s16  }
0x22: {  	s12 =	sadd.s32 $0x600, s16;
	s5 =	sadd.s32 $0x800, s16;
	(v2sf) =	vpush v2, $0x8  }
0x23: {  	s13 =	simm.s32 $0x0;
	s24 =	sadd.s32 $0x900, s16;
	s18 =	sadd.s32 $0x10, s18  }
0x24: {  	s6 =	sadd.s32 $0x700, s16;
	s26 =	sadd.s32 $0xB00, s16;
	s29 =	spop (v2sf);
	(v2sf) =	vpush v2, $0x9  }
0x25: {  	s7 =	sand.u32 $0x1FFFFFF0, s29;
	s29 =	sadd.s32 $0xA80, s16;
	s8 =	spop (v2sf)  }
0x26: {  	s7 =	sadd.s32 s4, s7;
	s8 =	sand.u32 $0x1FFFFFF0, s8;
	s9 =	spop (v2sf);
	(v2sf) =	vpush v2, $0xA  }
0x27: {  	[tilespmem:s12], [sflag:$0x1] =	stream.linear.gather [hbm4b:s7+s13], $0x80, $0x38;
	[tilespmem:$0x13980] =	vst v63  }
0x28: {  	s7 =	sadd.s32 s4, s8;
	s8 =	sadd.s32 $0x780, s16;
	s12 =	spop (v2sf);
	(v2sf) =	vpush v2, $0xB  }
0x29: {  	[tilespmem:s0], [sflag:$0x1] =	stream.linear.gather [hbm4b:s7+s13], $0x80, $0x38;
	[tilespmem:$0x13980] =	vst v63  }
0x2a: {  	s0 =	sand.u32 $0x1FFFFFF0, s9;
	s7 =	sand.u32 $0x1FFFFFF0, s12;
	s9 =	spop (v2sf);
	(v2sf) =	vpush v2, $0xC  }
0x2b: {  	s0 =	sadd.s32 s4, s0;
	s9 =	sand.u32 $0x1FFFFFF0, s9;
	s12 =	spop (v2sf)  }
0x2c: {  	[tilespmem:s6], [sflag:$0x1] =	stream.linear.gather [hbm4b:s0+s13], $0x80, $0x38;
	(v2sf) =	vpush v2, $0xD;
	[tilespmem:$0x13980] =	vst v63  }
0x2d: {  	s0 =	sadd.s32 s4, s9;
	s6 =	sand.u32 $0x1FFFFFF0, s12;
	s9 =	spop (v2sf)  }
0x2e: {  	[tilespmem:s8], [sflag:$0x1] =	stream.linear.gather [hbm4b:s0+s13], $0x80, $0x38;
	(v2sf) =	vpush v2, $0xE;
	[tilespmem:$0x13980] =	vst v63  }
0x2f: {  	s0 =	sadd.s32 s4, s7;
	s7 =	sand.u32 $0x1FFFFFF0, s9;
	s8 =	spop (v2sf)  }
0x30: {  	[tilespmem:s5], [sflag:$0x1] =	stream.linear.gather [hbm4b:s0+s13], $0x80, $0x38;
	(v2sf) =	vpush v2, $0xF;
	[tilespmem:$0x13980] =	vst v63  }
0x31: {  	s0 =	sadd.s32 s4, s6;
	s5 =	sand.u32 $0x1FFFFFF0, s8;
	s6 =	spop (v2sf)  }
0x32: {  	[tilespmem:s30], [sflag:$0x1] =	stream.linear.gather [hbm4b:s0+s13], $0x80, $0x38;
	[tilespmem:$0x13980] =	vst v63  }
0x33: {  	s0 =	sadd.s32 s4, s7;
	s6 =	sand.u32 $0x1FFFFFF0, s6;
	s7 =	spop (v2sf)  }
0x34: {  	[tilespmem:s24], [sflag:$0x1] =	stream.linear.gather [hbm4b:s0+s13], $0x80, $0x38;
	[tilespmem:$0x13980] =	vst v63  }
0x35: {  	s0 =	sadd.s32 s4, s5;
	s5 =	sand.u32 $0x1FFFFFF0, s7;
	s7 =	spop (v2sf)  }
0x36: {  	[tilespmem:s28], [sflag:$0x1] =	stream.linear.gather [hbm4b:s0+s13], $0x80, $0x38;
	[tilespmem:$0x13980] =	vst v63  }
0x37: {  	s0 =	sadd.s32 s4, s6;
	s6 =	sand.u32 $0x1FFFFFF0, s7;
	s7 =	spop (v2sf)  }
0x38: {  	[tilespmem:s25], [sflag:$0x1] =	stream.linear.gather [hbm4b:s0+s13], $0x80, $0x38;
	[tilespmem:$0x13980] =	vst v63  }
0x39: {  	s0 =	sadd.s32 s4, s5;
	s5 =	sand.u32 $0x1FFFFFF0, s7;
	s7 =	spop (v2sf)  }
0x3a: {  	[tilespmem:s29], [sflag:$0x1] =	stream.linear.gather [hbm4b:s0+s13], $0x80, $0x38;
	[tilespmem:$0x13980] =	vst v63  }
0x3b: {  	s0 =	sadd.s32 s4, s6;
	s6 =	sand.u32 $0x1FFFFFF0, s7;
	s7 =	spop (v2sf)  }
0x3c: {  	[tilespmem:s26], [sflag:$0x1] =	stream.linear.gather [hbm4b:s0+s13], $0x80, $0x38;
	[tilespmem:$0x13980] =	vst v63  }
0x3d: {  	s0 =	sadd.s32 s4, s5;
	s5 =	sand.u32 $0x1FFFFFF0, s7;
	s7 =	spop (v2sf)  }
0x3e: {  	[tilespmem:s22], [sflag:$0x1] =	stream.linear.gather [hbm4b:s0+s13], $0x80, $0x38;
	[tilespmem:$0x13980] =	vst v63  }
0x3f: {  	s0 =	sadd.s32 s4, s6;
	s6 =	sand.u32 $0x1FFFFFF0, s7;
	s7 =	spop (v2sf)  }
0x40: {  	[tilespmem:s20], [sflag:$0x1] =	stream.linear.gather [hbm4b:s0+s13], $0x80, $0x38;
	[tilespmem:$0x13980] =	vst v63  }
0x41: {  	s0 =	sadd.s32 s4, s5;
	s5 =	sand.u32 $0x1FFFFFF0, s7  }
0x42: {  	[tilespmem:s21], [sflag:$0x1] =	stream.linear.gather [hbm4b:s0+s13], $0x80, $0x38;
	[tilespmem:$0x13980] =	vst v63  }
0x43: {  	s6 =	sadd.s32 s4, s6;
	s0 =	sadd.s32 $0xD00, s16  }
0x44: {  	[tilespmem:s0], [sflag:$0x1] =	stream.linear.gather [hbm4b:s6+s13], $0x80, $0x38;
	[tilespmem:$0x13980] =	vst v63  }
0x45: {  	s5 =	sadd.s32 s4, s5;
	s0 =	sadd.s32 $0xD80, s16  }
0x46: {  	[tilespmem:s0], [sflag:$0x1] =	stream.linear.gather [hbm4b:s5+s13], $0x80, $0x38;
	[tilespmem:$0x13980] =	vst v63  }
0x47: {  	v2 =	vld [tilespmem:s18+$0x0];
	_ =	sdelay $0x4  }
0x48: {  	v2 =	vshll.u32 v2, $0x4  }
0x49: {  	(v2sf) =	vpush v2, $0x0  }
0x4a: {  	(v2sf) =	vpush v2, $0x1  }
0x4b: {  	(v2sf) =	vpush v2, $0x2;
	_ =	sdelay $0x1  }
0x4c: {  	(v2sf) =	vpush v2, $0x4  }
.Ltmp0:
0x4d: {  	(pc) =	sbr.rel @p0 .LBB2_2-.Ltmp0, $3  }
0x4e: {  	(v2sf) =	vpush v2, $0x3  }
0x4f: {  	(v2sf) =	vpush v2, $0x5;
	_ =	sdelay $0x1  }
0x50: {  	s16 =	sshra.s32 s19, $0x2;
	(v2sf) =	vpush v2, $0x6  }
0x51: {  	_ =	sdelay $0x1  }
0x52: {  	s0 =	sadd.s32 $0x680, s16;
	s19 =	sadd.s32 $0xB80, s16  }
0x53: {  	s5 =	sadd.s32 $0x980, s16;
	s17 =	sadd.s32 $0xC00, s16;
	(v2sf) =	vpush v2, $0x7;
	s6 =	sadd.s32 $0x880, s16  }
0x54: {  	s7 =	sadd.s32 $0xA00, s16;
	s18 =	sadd.s32 $0xC80, s16;
	s8 =	sadd.s32 $0x600, s16  }
0x55: {  	s9 =	sadd.s32 $0x800, s16;
	s12 =	sadd.s32 $0x900, s16;
	(v2sf) =	vpush v2, $0x8;
	s20 =	spop (v2sf)  }
0x56: {  	s21 =	sadd.s32 $0x700, s16;
	s20 =	sand.u32 $0x1FFFFFF0, s20;
	s22 =	spop (v2sf)  }
0x57: {  	(v2sf) =	vpush v2, $0x9;
	s20 =	sadd.s32 s4, s20;
	s22 =	sand.u32 $0x1FFFFFF0, s22;
	s24 =	spop (v2sf)  }
0x58: {  	[tilespmem:s8], [sflag:$0x1] =	stream.linear.gather [hbm4b:s20+s13], $0x80, $0x38;
	[tilespmem:$0x13980] =	vst v63  }
0x59: {  	(v2sf) =	vpush v2, $0xA;
	s25 =	sadd.s32 s4, s22;
	s28 =	sand.u32 $0x1FFFFFF0, s24;
	s26 =	spop (v2sf)  }
0x5a: {  	[tilespmem:s0], [sflag:$0x1] =	stream.linear.gather [hbm4b:s25+s13], $0x80, $0x38;
	[tilespmem:$0x13980] =	vst v63  }
0x5b: {  	s8 =	sadd.s32 $0xB00, s16;
	(v2sf) =	vpush v2, $0xB;
	s20 =	sadd.s32 s4, s28;
	s29 =	spop (v2sf)  }
0x5c: {  	s0 =	sadd.s32 $0xA80, s16;
	s25 =	sadd.s32 $0x780, s16;
	s24 =	sand.u32 $0x1FFFFFF0, s29  }
0x5d: {  	(v2sf) =	vpush v2, $0xC;
	[tilespmem:s21], [sflag:$0x1] =	stream.linear.gather [hbm4b:s20+s13], $0x80, $0x38;
	[tilespmem:$0x13980] =	vst v63  }
0x5e: {  	s30 =	sand.u32 $0x1FFFFFF0, s26;
	s26 =	spop (v2sf);
	s28 =	sadd.s32 s4, s24  }
0x5f: {  	(v2sf) =	vpush v2, $0xD;
	[tilespmem:s25], [sflag:$0x1] =	stream.linear.gather [hbm4b:s28+s13], $0x80, $0x38;
	[tilespmem:$0x13980] =	vst v63  }
0x60: {  	s20 =	sadd.s32 s4, s30;
	s21 =	sand.u32 $0x1FFFFFF0, s26;
	s29 =	spop (v2sf)  }
0x61: {  	(v2sf) =	vpush v2, $0xE;
	[tilespmem:s9], [sflag:$0x1] =	stream.linear.gather [hbm4b:s20+s13], $0x80, $0x38;
	[tilespmem:$0x13980] =	vst v63  }
0x62: {  	s21 =	sadd.s32 s4, s21;
	s30 =	sand.u32 $0x1FFFFFF0, s29;
	s22 =	spop (v2sf)  }
0x63: {  	(v2sf) =	vpush v2, $0xF;
	[tilespmem:s6], [sflag:$0x1] =	stream.linear.gather [hbm4b:s21+s13], $0x80, $0x38;
	[tilespmem:$0x13980] =	vst v63  }
0x64: {  	s24 =	sand.u32 $0x1FFFFFF0, s22;
	s25 =	spop (v2sf);
	s9 =	sadd.s32 s4, s30  }
0x65: {  	[tilespmem:s12], [sflag:$0x1] =	stream.linear.gather [hbm4b:s9+s13], $0x80, $0x38;
	[tilespmem:$0x13980] =	vst v63  }
0x66: {  	s26 =	sand.u32 $0x1FFFFFF0, s25;
	s6 =	sadd.s32 s4, s24;
	s28 =	spop (v2sf)  }
0x67: {  	[tilespmem:s5], [sflag:$0x1] =	stream.linear.gather [hbm4b:s6+s13], $0x80, $0x38;
	[tilespmem:$0x13980] =	vst v63  }
0x68: {  	s9 =	sadd.s32 s4, s26;
	s29 =	sand.u32 $0x1FFFFFF0, s28;
	s30 =	spop (v2sf)  }
0x69: {  	[tilespmem:s7], [sflag:$0x1] =	stream.linear.gather [hbm4b:s9+s13], $0x80, $0x38;
	[tilespmem:$0x13980] =	vst v63  }
0x6a: {  	s6 =	sand.u32 $0x1FFFFFF0, s30;
	s5 =	sadd.s32 s4, s29;
	s9 =	spop (v2sf)  }
0x6b: {  	[tilespmem:s0], [sflag:$0x1] =	stream.linear.gather [hbm4b:s5+s13], $0x80, $0x38;
	[tilespmem:$0x13980] =	vst v63  }
0x6c: {  	s6 =	sadd.s32 s4, s6;
	s12 =	sand.u32 $0x1FFFFFF0, s9;
	s20 =	spop (v2sf)  }
0x6d: {  	[tilespmem:s8], [sflag:$0x1] =	stream.linear.gather [hbm4b:s6+s13], $0x80, $0x38;
	[tilespmem:$0x13980] =	vst v63  }
0x6e: {  	s0 =	sadd.s32 s4, s12;
	s5 =	sand.u32 $0x1FFFFFF0, s20;
	s21 =	spop (v2sf)  }
0x6f: {  	[tilespmem:s19], [sflag:$0x1] =	stream.linear.gather [hbm4b:s0+s13], $0x80, $0x38;
	[tilespmem:$0x13980] =	vst v63  }
0x70: {  	s22 =	sand.u32 $0x1FFFFFF0, s21;
	s5 =	sadd.s32 s4, s5;
	s24 =	spop (v2sf)  }
0x71: {  	[tilespmem:s17], [sflag:$0x1] =	stream.linear.gather [hbm4b:s5+s13], $0x80, $0x38;
	[tilespmem:$0x13980] =	vst v63  }
0x72: {  	s25 =	sand.u32 $0x1FFFFFF0, s24;
	s26 =	spop (v2sf);
	s0 =	sadd.s32 s4, s22  }
0x73: {  	[tilespmem:s18], [sflag:$0x1] =	stream.linear.gather [hbm4b:s0+s13], $0x80, $0x38;
	[tilespmem:$0x13980] =	vst v63  }
0x74: {  	s29 =	sadd.s32 $0xD00, s16;
	s28 =	sand.u32 $0x1FFFFFF0, s26;
	s5 =	sadd.s32 s4, s25  }
0x75: {  	[tilespmem:s29], [sflag:$0x1] =	stream.linear.gather [hbm4b:s5+s13], $0x80, $0x38;
	[tilespmem:$0x13980] =	vst v63  }
0x76: {  	s30 =	sadd.s32 $0xD80, s16;
	s17 =	simm.s32 $0x80;
	s0 =	sadd.s32 s4, s28  }
0x77: {  	[tilespmem:s30], [sflag:$0x1] =	stream.linear.gather [hbm4b:s0+s13], $0x80, $0x38;
	[tilespmem:$0x13980] =	vst v63  }
0x78: {  	v2 =	vld [tilespmem:s17+$0x0];
	_ =	sdelay $0x4  }
0x79: {  	v2 =	vshll.u32 v2, $0x4  }
0x7a: {  	(v2sf) =	vpush v2, $0x0  }
0x7b: {  	(v2sf) =	vpush v2, $0x1  }
0x7c: {  	(v2sf) =	vpush v2, $0x2;
	_ =	sdelay $0x1  }
0x7d: {  	(v2sf) =	vpush v2, $0x4;
	_ =	sdelay $0x1  }
0x7e: {  	(v2sf) =	vpush v2, $0x3  }
0x7f: {  	(v2sf) =	vpush v2, $0x5  }
0x80: {  	s16 =	simm.s32 $0x0;
	s18 =	simm.s32 $0x2000;
	(v2sf) =	vpush v2, $0x6  }
.LBB2_4:
0x81: {  	p0 =	sne.s32 s18, $0xE000  }
0x82: {  	s0 =	sadd.s32 $0x4680, s16;
	s22 =	sadd.s32 $0x4B80, s16;
	s19 =	smov.u32 s18  }
0x83: {  	s18 =	sadd.s32 $0x2000, s18;
	s28 =	sadd.s32 $0x4980, s16;
	s20 =	sadd.s32 $0x4C00, s16;
	(v2sf) =	vpush v2, $0x7  }
0x84: {  	s30 =	sadd.s32 $0x4880, s16;
	s26 =	sadd.s32 $0x4A00, s16;
	s21 =	sadd.s32 $0x4C80, s16  }
0x85: {  	s5 =	sadd.s32 $0x4600, s16;
	s6 =	sadd.s32 $0x4800, s16;
	(v2sf) =	vpush v2, $0x8  }
0x86: {  	s7 =	sadd.s32 $0x4900, s16;
	s17 =	sadd.s32 $0x10, s17  }
0x87: {  	s8 =	sadd.s32 $0x4700, s16;
	s25 =	sadd.s32 $0x4B00, s16;
	s9 =	spop (v2sf);
	(v2sf) =	vpush v2, $0x9  }
0x88: {  	s29 =	sadd.s32 $0x4A80, s16;
	s9 =	sand.u32 $0x1FFFFFF0, s9;
	s12 =	spop (v2sf)  }
0x89: {  	s9 =	sadd.s32 s4, s9;
	s12 =	sand.u32 $0x1FFFFFF0, s12;
	s24 =	spop (v2sf);
	(v2sf) =	vpush v2, $0xA  }
0x8a: {  	[tilespmem:s5], [sflag:$0x1] =	stream.linear.gather [hbm4b:s9+s13], $0x80, $0x38;
	[tilespmem:$0x13980] =	vst v63  }
0x8b: {  	s5 =	sadd.s32 s4, s12;
	s9 =	sadd.s32 $0x4780, s16;
	s12 =	spop (v2sf);
	(v2sf) =	vpush v2, $0xB  }
0x8c: {  	[tilespmem:s0], [sflag:$0x1] =	stream.linear.gather [hbm4b:s5+s13], $0x80, $0x38;
	[tilespmem:$0x13980] =	vst v63  }
0x8d: {  	s0 =	sand.u32 $0x1FFFFFF0, s24;
	s5 =	sand.u32 $0x1FFFFFF0, s12;
	s12 =	spop (v2sf);
	(v2sf) =	vpush v2, $0xC  }
0x8e: {  	s0 =	sadd.s32 s4, s0;
	s12 =	sand.u32 $0x1FFFFFF0, s12;
	s24 =	spop (v2sf)  }
0x8f: {  	[tilespmem:s8], [sflag:$0x1] =	stream.linear.gather [hbm4b:s0+s13], $0x80, $0x38;
	(v2sf) =	vpush v2, $0xD;
	[tilespmem:$0x13980] =	vst v63  }
0x90: {  	s0 =	sadd.s32 s4, s12;
	s8 =	sand.u32 $0x1FFFFFF0, s24;
	s12 =	spop (v2sf)  }
0x91: {  	[tilespmem:s9], [sflag:$0x1] =	stream.linear.gather [hbm4b:s0+s13], $0x80, $0x38;
	(v2sf) =	vpush v2, $0xE;
	[tilespmem:$0x13980] =	vst v63  }
0x92: {  	s0 =	sadd.s32 s4, s5;
	s5 =	sand.u32 $0x1FFFFFF0, s12;
	s9 =	spop (v2sf)  }
0x93: {  	[tilespmem:s6], [sflag:$0x1] =	stream.linear.gather [hbm4b:s0+s13], $0x80, $0x38;
	(v2sf) =	vpush v2, $0xF;
	[tilespmem:$0x13980] =	vst v63  }
0x94: {  	s0 =	sadd.s32 s4, s8;
	s6 =	sand.u32 $0x1FFFFFF0, s9;
	s8 =	spop (v2sf)  }
0x95: {  	[tilespmem:s30], [sflag:$0x1] =	stream.linear.gather [hbm4b:s0+s13], $0x80, $0x38;
	[tilespmem:$0x13980] =	vst v63  }
0x96: {  	s0 =	sadd.s32 s4, s5;
	s5 =	sand.u32 $0x1FFFFFF0, s8;
	s8 =	spop (v2sf)  }
0x97: {  	[tilespmem:s7], [sflag:$0x1] =	stream.linear.gather [hbm4b:s0+s13], $0x80, $0x38;
	[tilespmem:$0x13980] =	vst v63  }
0x98: {  	s0 =	sadd.s32 s4, s6;
	s6 =	sand.u32 $0x1FFFFFF0, s8;
	s7 =	spop (v2sf)  }
0x99: {  	[tilespmem:s28], [sflag:$0x1] =	stream.linear.gather [hbm4b:s0+s13], $0x80, $0x38;
	[tilespmem:$0x13980] =	vst v63  }
0x9a: {  	s0 =	sadd.s32 s4, s5;
	s5 =	sand.u32 $0x1FFFFFF0, s7;
	s7 =	spop (v2sf)  }
0x9b: {  	[tilespmem:s26], [sflag:$0x1] =	stream.linear.gather [hbm4b:s0+s13], $0x80, $0x38;
	[tilespmem:$0x13980] =	vst v63  }
0x9c: {  	s0 =	sadd.s32 s4, s6;
	s6 =	sand.u32 $0x1FFFFFF0, s7;
	s7 =	spop (v2sf)  }
0x9d: {  	[tilespmem:s29], [sflag:$0x1] =	stream.linear.gather [hbm4b:s0+s13], $0x80, $0x38;
	[tilespmem:$0x13980] =	vst v63  }
0x9e: {  	s0 =	sadd.s32 s4, s5;
	s5 =	sand.u32 $0x1FFFFFF0, s7;
	s7 =	spop (v2sf)  }
0x9f: {  	[tilespmem:s25], [sflag:$0x1] =	stream.linear.gather [hbm4b:s0+s13], $0x80, $0x38;
	[tilespmem:$0x13980] =	vst v63  }
0xa0: {  	s0 =	sadd.s32 s4, s6;
	s6 =	sand.u32 $0x1FFFFFF0, s7;
	s7 =	spop (v2sf)  }
0xa1: {  	[tilespmem:s22], [sflag:$0x1] =	stream.linear.gather [hbm4b:s0+s13], $0x80, $0x38;
	[tilespmem:$0x13980] =	vst v63  }
0xa2: {  	s0 =	sadd.s32 s4, s5;
	s5 =	sand.u32 $0x1FFFFFF0, s7;
	s7 =	spop (v2sf)  }
0xa3: {  	[tilespmem:s20], [sflag:$0x1] =	stream.linear.gather [hbm4b:s0+s13], $0x80, $0x38;
	[tilespmem:$0x13980] =	vst v63  }
0xa4: {  	s0 =	sadd.s32 s4, s6;
	s6 =	sand.u32 $0x1FFFFFF0, s7  }
0xa5: {  	[tilespmem:s21], [sflag:$0x1] =	stream.linear.gather [hbm4b:s0+s13], $0x80, $0x38;
	[tilespmem:$0x13980] =	vst v63  }
0xa6: {  	s5 =	sadd.s32 s4, s5;
	s0 =	sadd.s32 $0x4D00, s16  }
0xa7: {  	[tilespmem:s0], [sflag:$0x1] =	stream.linear.gather [hbm4b:s5+s13], $0x80, $0x38;
	[tilespmem:$0x13980] =	vst v63  }
0xa8: {  	s0 =	sadd.s32 $0x4D80, s16;
	s5 =	sadd.s32 s4, s6  }
0xa9: {  	[tilespmem:s0], [sflag:$0x1] =	stream.linear.gather [hbm4b:s5+s13], $0x80, $0x38;
	[tilespmem:$0x13980] =	vst v63  }
0xaa: {  	v2 =	vld [tilespmem:s17+$0x0];
	_ =	sdelay $0x4  }
0xab: {  	v2 =	vshll.u32 v2, $0x4  }
0xac: {  	(v2sf) =	vpush v2, $0x0  }
0xad: {  	(v2sf) =	vpush v2, $0x1  }
0xae: {  	(v2sf) =	vpush v2, $0x2;
	_ =	sdelay $0x1  }
0xaf: {  	(v2sf) =	vpush v2, $0x4  }
.Ltmp1:
0xb0: {  	(pc) =	sbr.rel @p0 .LBB2_4-.Ltmp1, $3  }
0xb1: {  	(v2sf) =	vpush v2, $0x3  }
0xb2: {  	(v2sf) =	vpush v2, $0x5;
	_ =	sdelay $0x1  }
0xb3: {  	s16 =	sshra.s32 s19, $0x2;
	(v2sf) =	vpush v2, $0x6  }
0xb4: {  	_ =	sdelay $0x1  }
0xb5: {  	s0 =	sadd.s32 $0x4680, s16;
	s19 =	sadd.s32 $0x4B80, s16  }
0xb6: {  	s5 =	sadd.s32 $0x4980, s16;
	s17 =	sadd.s32 $0x4C00, s16;
	(v2sf) =	vpush v2, $0x7;
	s6 =	sadd.s32 $0x4880, s16  }
0xb7: {  	s7 =	sadd.s32 $0x4A00, s16;
	s18 =	sadd.s32 $0x4C80, s16;
	s8 =	sadd.s32 $0x4600, s16  }
0xb8: {  	s9 =	sadd.s32 $0x4800, s16;
	s12 =	sadd.s32 $0x4900, s16;
	(v2sf) =	vpush v2, $0x8;
	s20 =	spop (v2sf)  }
0xb9: {  	s21 =	sadd.s32 $0x4700, s16;
	s20 =	sand.u32 $0x1FFFFFF0, s20;
	s22 =	spop (v2sf)  }
0xba: {  	(v2sf) =	vpush v2, $0x9;
	s20 =	sadd.s32 s4, s20;
	s22 =	sand.u32 $0x1FFFFFF0, s22;
	s24 =	spop (v2sf)  }
0xbb: {  	[tilespmem:s8], [sflag:$0x1] =	stream.linear.gather [hbm4b:s20+s13], $0x80, $0x38;
	[tilespmem:$0x13980] =	vst v63  }
0xbc: {  	(v2sf) =	vpush v2, $0xA;
	s25 =	sadd.s32 s4, s22;
	s28 =	sand.u32 $0x1FFFFFF0, s24;
	s26 =	spop (v2sf)  }
0xbd: {  	[tilespmem:s0], [sflag:$0x1] =	stream.linear.gather [hbm4b:s25+s13], $0x80, $0x38;
	[tilespmem:$0x13980] =	vst v63  }
0xbe: {  	s8 =	sadd.s32 $0x4B00, s16;
	(v2sf) =	vpush v2, $0xB;
	s20 =	sadd.s32 s4, s28;
	s29 =	spop (v2sf)  }
0xbf: {  	s0 =	sadd.s32 $0x4A80, s16;
	s25 =	sadd.s32 $0x4780, s16;
	s24 =	sand.u32 $0x1FFFFFF0, s29  }
0xc0: {  	(v2sf) =	vpush v2, $0xC;
	[tilespmem:s21], [sflag:$0x1] =	stream.linear.gather [hbm4b:s20+s13], $0x80, $0x38;
	[tilespmem:$0x13980] =	vst v63  }
0xc1: {  	s30 =	sand.u32 $0x1FFFFFF0, s26;
	s26 =	spop (v2sf);
	s28 =	sadd.s32 s4, s24  }
0xc2: {  	(v2sf) =	vpush v2, $0xD;
	[tilespmem:s25], [sflag:$0x1] =	stream.linear.gather [hbm4b:s28+s13], $0x80, $0x38;
	[tilespmem:$0x13980] =	vst v63  }
0xc3: {  	s20 =	sadd.s32 s4, s30;
	s21 =	sand.u32 $0x1FFFFFF0, s26;
	s29 =	spop (v2sf)  }
0xc4: {  	(v2sf) =	vpush v2, $0xE;
	[tilespmem:s9], [sflag:$0x1] =	stream.linear.gather [hbm4b:s20+s13], $0x80, $0x38;
	[tilespmem:$0x13980] =	vst v63  }
0xc5: {  	s21 =	sadd.s32 s4, s21;
	s30 =	sand.u32 $0x1FFFFFF0, s29;
	s22 =	spop (v2sf)  }
0xc6: {  	(v2sf) =	vpush v2, $0xF;
	[tilespmem:s6], [sflag:$0x1] =	stream.linear.gather [hbm4b:s21+s13], $0x80, $0x38;
	[tilespmem:$0x13980] =	vst v63  }
0xc7: {  	s24 =	sand.u32 $0x1FFFFFF0, s22;
	s25 =	spop (v2sf);
	s9 =	sadd.s32 s4, s30  }
0xc8: {  	[tilespmem:s12], [sflag:$0x1] =	stream.linear.gather [hbm4b:s9+s13], $0x80, $0x38;
	[tilespmem:$0x13980] =	vst v63  }
0xc9: {  	s26 =	sand.u32 $0x1FFFFFF0, s25;
	s6 =	sadd.s32 s4, s24;
	s28 =	spop (v2sf)  }
0xca: {  	[tilespmem:s5], [sflag:$0x1] =	stream.linear.gather [hbm4b:s6+s13], $0x80, $0x38;
	[tilespmem:$0x13980] =	vst v63  }
0xcb: {  	s9 =	sadd.s32 s4, s26;
	s29 =	sand.u32 $0x1FFFFFF0, s28;
	s30 =	spop (v2sf)  }
0xcc: {  	[tilespmem:s7], [sflag:$0x1] =	stream.linear.gather [hbm4b:s9+s13], $0x80, $0x38;
	[tilespmem:$0x13980] =	vst v63  }
0xcd: {  	s6 =	sand.u32 $0x1FFFFFF0, s30;
	s5 =	sadd.s32 s4, s29;
	s9 =	spop (v2sf)  }
0xce: {  	[tilespmem:s0], [sflag:$0x1] =	stream.linear.gather [hbm4b:s5+s13], $0x80, $0x38;
	[tilespmem:$0x13980] =	vst v63  }
0xcf: {  	s6 =	sadd.s32 s4, s6;
	s12 =	sand.u32 $0x1FFFFFF0, s9;
	s20 =	spop (v2sf)  }
0xd0: {  	[tilespmem:s8], [sflag:$0x1] =	stream.linear.gather [hbm4b:s6+s13], $0x80, $0x38;
	[tilespmem:$0x13980] =	vst v63  }
0xd1: {  	s0 =	sadd.s32 s4, s12;
	s5 =	sand.u32 $0x1FFFFFF0, s20;
	s21 =	spop (v2sf)  }
0xd2: {  	[tilespmem:s19], [sflag:$0x1] =	stream.linear.gather [hbm4b:s0+s13], $0x80, $0x38;
	[tilespmem:$0x13980] =	vst v63  }
0xd3: {  	s22 =	sand.u32 $0x1FFFFFF0, s21;
	s5 =	sadd.s32 s4, s5;
	s24 =	spop (v2sf)  }
0xd4: {  	[tilespmem:s17], [sflag:$0x1] =	stream.linear.gather [hbm4b:s5+s13], $0x80, $0x38;
	[tilespmem:$0x13980] =	vst v63  }
0xd5: {  	s25 =	sand.u32 $0x1FFFFFF0, s24;
	s26 =	spop (v2sf);
	s0 =	sadd.s32 s4, s22  }
0xd6: {  	[tilespmem:s18], [sflag:$0x1] =	stream.linear.gather [hbm4b:s0+s13], $0x80, $0x38;
	[tilespmem:$0x13980] =	vst v63  }
0xd7: {  	s29 =	sadd.s32 $0x4D00, s16;
	s28 =	sand.u32 $0x1FFFFFF0, s26;
	s5 =	sadd.s32 s4, s25  }
0xd8: {  	[tilespmem:s29], [sflag:$0x1] =	stream.linear.gather [hbm4b:s5+s13], $0x80, $0x38;
	[tilespmem:$0x13980] =	vst v63  }
0xd9: {  	s30 =	sadd.s32 $0x4D80, s16;
	s17 =	simm.s32 $0x100;
	s0 =	sadd.s32 s4, s28  }
0xda: {  	[tilespmem:s30], [sflag:$0x1] =	stream.linear.gather [hbm4b:s0+s13], $0x80, $0x38;
	[tilespmem:$0x13980] =	vst v63  }
0xdb: {  	v2 =	vld [tilespmem:s17+$0x0];
	_ =	sdelay $0x4  }
0xdc: {  	v2 =	vshll.u32 v2, $0x4  }
0xdd: {  	(v2sf) =	vpush v2, $0x0  }
0xde: {  	(v2sf) =	vpush v2, $0x1  }
0xdf: {  	(v2sf) =	vpush v2, $0x2;
	_ =	sdelay $0x1  }
0xe0: {  	(v2sf) =	vpush v2, $0x4;
	_ =	sdelay $0x1  }
0xe1: {  	(v2sf) =	vpush v2, $0x3  }
0xe2: {  	(v2sf) =	vpush v2, $0x5  }
0xe3: {  	s16 =	simm.s32 $0x0;
	s18 =	simm.s32 $0x2000;
	(v2sf) =	vpush v2, $0x6  }
.LBB2_6:
0xe4: {  	p0 =	sne.s32 s18, $0xE000  }
0xe5: {  	s0 =	sadd.s32 $0x8680, s16;
	s22 =	sadd.s32 $0x8B80, s16;
	s19 =	smov.u32 s18  }
0xe6: {  	s18 =	sadd.s32 $0x2000, s18;
	s28 =	sadd.s32 $0x8980, s16;
	s20 =	sadd.s32 $0x8C00, s16;
	(v2sf) =	vpush v2, $0x7  }
0xe7: {  	s30 =	sadd.s32 $0x8880, s16;
	s25 =	sadd.s32 $0x8A00, s16;
	s21 =	sadd.s32 $0x8C80, s16  }
0xe8: {  	s5 =	sadd.s32 $0x8600, s16;
	s6 =	sadd.s32 $0x8800, s16;
	(v2sf) =	vpush v2, $0x8  }
0xe9: {  	s13 =	simm.s32 $0x0;
	s7 =	sadd.s32 $0x8900, s16;
	s17 =	sadd.s32 $0x10, s17  }
0xea: {  	s8 =	sadd.s32 $0x8700, s16;
	s26 =	sadd.s32 $0x8B00, s16;
	s9 =	spop (v2sf);
	(v2sf) =	vpush v2, $0x9  }
0xeb: {  	s29 =	sadd.s32 $0x8A80, s16;
	s9 =	sand.u32 $0x1FFFFFF0, s9;
	s12 =	spop (v2sf)  }
0xec: {  	s9 =	sadd.s32 s4, s9;
	s12 =	sand.u32 $0x1FFFFFF0, s12;
	s24 =	spop (v2sf);
	(v2sf) =	vpush v2, $0xA  }
0xed: {  	[tilespmem:s5], [sflag:$0x1] =	stream.linear.gather [hbm4b:s9+s13], $0x80, $0x38;
	[tilespmem:$0x13980] =	vst v63  }
0xee: {  	s5 =	sadd.s32 s4, s12;
	s9 =	sadd.s32 $0x8780, s16;
	s12 =	spop (v2sf);
	(v2sf) =	vpush v2, $0xB  }
0xef: {  	[tilespmem:s0], [sflag:$0x1] =	stream.linear.gather [hbm4b:s5+s13], $0x80, $0x38;
	[tilespmem:$0x13980] =	vst v63  }
0xf0: {  	s0 =	sand.u32 $0x1FFFFFF0, s24;
	s5 =	sand.u32 $0x1FFFFFF0, s12;
	s12 =	spop (v2sf);
	(v2sf) =	vpush v2, $0xC  }
0xf1: {  	s0 =	sadd.s32 s4, s0;
	s12 =	sand.u32 $0x1FFFFFF0, s12;
	s24 =	spop (v2sf)  }
0xf2: {  	[tilespmem:s8], [sflag:$0x1] =	stream.linear.gather [hbm4b:s0+s13], $0x80, $0x38;
	(v2sf) =	vpush v2, $0xD;
	[tilespmem:$0x13980] =	vst v63  }
0xf3: {  	s0 =	sadd.s32 s4, s12;
	s8 =	sand.u32 $0x1FFFFFF0, s24;
	s12 =	spop (v2sf)  }
0xf4: {  	[tilespmem:s9], [sflag:$0x1] =	stream.linear.gather [hbm4b:s0+s13], $0x80, $0x38;
	(v2sf) =	vpush v2, $0xE;
	[tilespmem:$0x13980] =	vst v63  }
0xf5: {  	s0 =	sadd.s32 s4, s5;
	s5 =	sand.u32 $0x1FFFFFF0, s12;
	s9 =	spop (v2sf)  }
0xf6: {  	[tilespmem:s6], [sflag:$0x1] =	stream.linear.gather [hbm4b:s0+s13], $0x80, $0x38;
	(v2sf) =	vpush v2, $0xF;
	[tilespmem:$0x13980] =	vst v63  }
0xf7: {  	s0 =	sadd.s32 s4, s8;
	s6 =	sand.u32 $0x1FFFFFF0, s9;
	s8 =	spop (v2sf)  }
0xf8: {  	[tilespmem:s30], [sflag:$0x1] =	stream.linear.gather [hbm4b:s0+s13], $0x80, $0x38;
	[tilespmem:$0x13980] =	vst v63  }
0xf9: {  	s0 =	sadd.s32 s4, s5;
	s5 =	sand.u32 $0x1FFFFFF0, s8;
	s8 =	spop (v2sf)  }
0xfa: {  	[tilespmem:s7], [sflag:$0x1] =	stream.linear.gather [hbm4b:s0+s13], $0x80, $0x38;
	[tilespmem:$0x13980] =	vst v63  }
0xfb: {  	s0 =	sadd.s32 s4, s6;
	s6 =	sand.u32 $0x1FFFFFF0, s8;
	s7 =	spop (v2sf)  }
0xfc: {  	[tilespmem:s28], [sflag:$0x1] =	stream.linear.gather [hbm4b:s0+s13], $0x80, $0x38;
	[tilespmem:$0x13980] =	vst v63  }
0xfd: {  	s0 =	sadd.s32 s4, s5;
	s5 =	sand.u32 $0x1FFFFFF0, s7;
	s7 =	spop (v2sf)  }
0xfe: {  	[tilespmem:s25], [sflag:$0x1] =	stream.linear.gather [hbm4b:s0+s13], $0x80, $0x38;
	[tilespmem:$0x13980] =	vst v63  }
0xff: {  	s0 =	sadd.s32 s4, s6;
	s6 =	sand.u32 $0x1FFFFFF0, s7;
	s7 =	spop (v2sf)  }
0x100: {  	[tilespmem:s29], [sflag:$0x1] =	stream.linear.gather [hbm4b:s0+s13], $0x80, $0x38;
	[tilespmem:$0x13980] =	vst v63  }
0x101: {  	s0 =	sadd.s32 s4, s5;
	s5 =	sand.u32 $0x1FFFFFF0, s7;
	s7 =	spop (v2sf)  }
0x102: {  	[tilespmem:s26], [sflag:$0x1] =	stream.linear.gather [hbm4b:s0+s13], $0x80, $0x38;
	[tilespmem:$0x13980] =	vst v63  }
0x103: {  	s0 =	sadd.s32 s4, s6;
	s6 =	sand.u32 $0x1FFFFFF0, s7;
	s7 =	spop (v2sf)  }
0x104: {  	[tilespmem:s22], [sflag:$0x1] =	stream.linear.gather [hbm4b:s0+s13], $0x80, $0x38;
	[tilespmem:$0x13980] =	vst v63  }
0x105: {  	s0 =	sadd.s32 s4, s5;
	s5 =	sand.u32 $0x1FFFFFF0, s7;
	s7 =	spop (v2sf)  }
0x106: {  	[tilespmem:s20], [sflag:$0x1] =	stream.linear.gather [hbm4b:s0+s13], $0x80, $0x38;
	[tilespmem:$0x13980] =	vst v63  }
0x107: {  	s0 =	sadd.s32 s4, s6;
	s6 =	sand.u32 $0x1FFFFFF0, s7  }
0x108: {  	[tilespmem:s21], [sflag:$0x1] =	stream.linear.gather [hbm4b:s0+s13], $0x80, $0x38;
	[tilespmem:$0x13980] =	vst v63  }
0x109: {  	s5 =	sadd.s32 s4, s5;
	s0 =	sadd.s32 $0x8D00, s16  }
0x10a: {  	[tilespmem:s0], [sflag:$0x1] =	stream.linear.gather [hbm4b:s5+s13], $0x80, $0x38;
	[tilespmem:$0x13980] =	vst v63  }
0x10b: {  	s0 =	sadd.s32 $0x8D80, s16;
	s5 =	sadd.s32 s4, s6  }
0x10c: {  	[tilespmem:s0], [sflag:$0x1] =	stream.linear.gather [hbm4b:s5+s13], $0x80, $0x38;
	[tilespmem:$0x13980] =	vst v63  }
0x10d: {  	v2 =	vld [tilespmem:s17+$0x0];
	_ =	sdelay $0x4  }
0x10e: {  	v2 =	vshll.u32 v2, $0x4  }
0x10f: {  	(v2sf) =	vpush v2, $0x0  }
0x110: {  	(v2sf) =	vpush v2, $0x1  }
0x111: {  	(v2sf) =	vpush v2, $0x2;
	_ =	sdelay $0x1  }
0x112: {  	(v2sf) =	vpush v2, $0x4  }
.Ltmp2:
0x113: {  	(pc) =	sbr.rel @p0 .LBB2_6-.Ltmp2, $3  }
0x114: {  	(v2sf) =	vpush v2, $0x3  }
0x115: {  	(v2sf) =	vpush v2, $0x5;
	_ =	sdelay $0x1  }
0x116: {  	s16 =	sshra.s32 s19, $0x2;
	(v2sf) =	vpush v2, $0x6  }
0x117: {  	_ =	sdelay $0x1  }
0x118: {  	s0 =	sadd.s32 $0x8680, s16;
	s19 =	sadd.s32 $0x8B80, s16  }
0x119: {  	s5 =	sadd.s32 $0x8980, s16;
	s17 =	sadd.s32 $0x8C00, s16;
	(v2sf) =	vpush v2, $0x7;
	s6 =	sadd.s32 $0x8880, s16  }
0x11a: {  	s7 =	sadd.s32 $0x8A00, s16;
	s18 =	sadd.s32 $0x8C80, s16;
	s8 =	sadd.s32 $0x8600, s16  }
0x11b: {  	s9 =	sadd.s32 $0x8800, s16;
	s12 =	sadd.s32 $0x8900, s16;
	(v2sf) =	vpush v2, $0x8;
	s20 =	spop (v2sf)  }
0x11c: {  	s21 =	sadd.s32 $0x8700, s16;
	s20 =	sand.u32 $0x1FFFFFF0, s20;
	s22 =	spop (v2sf)  }
0x11d: {  	(v2sf) =	vpush v2, $0x9;
	s20 =	sadd.s32 s4, s20;
	s22 =	sand.u32 $0x1FFFFFF0, s22;
	s24 =	spop (v2sf)  }
0x11e: {  	[tilespmem:s8], [sflag:$0x1] =	stream.linear.gather [hbm4b:s20+s13], $0x80, $0x38;
	[tilespmem:$0x13980] =	vst v63  }
0x11f: {  	(v2sf) =	vpush v2, $0xA;
	s25 =	sadd.s32 s4, s22;
	s28 =	sand.u32 $0x1FFFFFF0, s24;
	s26 =	spop (v2sf)  }
0x120: {  	[tilespmem:s0], [sflag:$0x1] =	stream.linear.gather [hbm4b:s25+s13], $0x80, $0x38;
	[tilespmem:$0x13980] =	vst v63  }
0x121: {  	s8 =	sadd.s32 $0x8B00, s16;
	(v2sf) =	vpush v2, $0xB;
	s20 =	sadd.s32 s4, s28;
	s29 =	spop (v2sf)  }
0x122: {  	s0 =	sadd.s32 $0x8A80, s16;
	s25 =	sadd.s32 $0x8780, s16;
	s24 =	sand.u32 $0x1FFFFFF0, s29  }
0x123: {  	(v2sf) =	vpush v2, $0xC;
	[tilespmem:s21], [sflag:$0x1] =	stream.linear.gather [hbm4b:s20+s13], $0x80, $0x38;
	[tilespmem:$0x13980] =	vst v63  }
0x124: {  	s30 =	sand.u32 $0x1FFFFFF0, s26;
	s26 =	spop (v2sf);
	s28 =	sadd.s32 s4, s24  }
0x125: {  	(v2sf) =	vpush v2, $0xD;
	[tilespmem:s25], [sflag:$0x1] =	stream.linear.gather [hbm4b:s28+s13], $0x80, $0x38;
	[tilespmem:$0x13980] =	vst v63  }
0x126: {  	s20 =	sadd.s32 s4, s30;
	s21 =	sand.u32 $0x1FFFFFF0, s26;
	s29 =	spop (v2sf)  }
0x127: {  	(v2sf) =	vpush v2, $0xE;
	[tilespmem:s9], [sflag:$0x1] =	stream.linear.gather [hbm4b:s20+s13], $0x80, $0x38;
	[tilespmem:$0x13980] =	vst v63  }
0x128: {  	s21 =	sadd.s32 s4, s21;
	s30 =	sand.u32 $0x1FFFFFF0, s29;
	s22 =	spop (v2sf)  }
0x129: {  	(v2sf) =	vpush v2, $0xF;
	[tilespmem:s6], [sflag:$0x1] =	stream.linear.gather [hbm4b:s21+s13], $0x80, $0x38;
	[tilespmem:$0x13980] =	vst v63  }
0x12a: {  	s24 =	sand.u32 $0x1FFFFFF0, s22;
	s25 =	spop (v2sf);
	s9 =	sadd.s32 s4, s30  }
0x12b: {  	[tilespmem:s12], [sflag:$0x1] =	stream.linear.gather [hbm4b:s9+s13], $0x80, $0x38;
	[tilespmem:$0x13980] =	vst v63  }
0x12c: {  	s26 =	sand.u32 $0x1FFFFFF0, s25;
	s6 =	sadd.s32 s4, s24;
	s28 =	spop (v2sf)  }
0x12d: {  	[tilespmem:s5], [sflag:$0x1] =	stream.linear.gather [hbm4b:s6+s13], $0x80, $0x38;
	[tilespmem:$0x13980] =	vst v63  }
0x12e: {  	s9 =	sadd.s32 s4, s26;
	s29 =	sand.u32 $0x1FFFFFF0, s28;
	s30 =	spop (v2sf)  }
0x12f: {  	[tilespmem:s7], [sflag:$0x1] =	stream.linear.gather [hbm4b:s9+s13], $0x80, $0x38;
	[tilespmem:$0x13980] =	vst v63  }
0x130: {  	s6 =	sand.u32 $0x1FFFFFF0, s30;
	s5 =	sadd.s32 s4, s29;
	s9 =	spop (v2sf)  }
0x131: {  	[tilespmem:s0], [sflag:$0x1] =	stream.linear.gather [hbm4b:s5+s13], $0x80, $0x38;
	[tilespmem:$0x13980] =	vst v63  }
0x132: {  	s6 =	sadd.s32 s4, s6;
	s12 =	sand.u32 $0x1FFFFFF0, s9;
	s20 =	spop (v2sf)  }
0x133: {  	[tilespmem:s8], [sflag:$0x1] =	stream.linear.gather [hbm4b:s6+s13], $0x80, $0x38;
	[tilespmem:$0x13980] =	vst v63  }
0x134: {  	s0 =	sadd.s32 s4, s12;
	s5 =	sand.u32 $0x1FFFFFF0, s20;
	s21 =	spop (v2sf)  }
0x135: {  	[tilespmem:s19], [sflag:$0x1] =	stream.linear.gather [hbm4b:s0+s13], $0x80, $0x38;
	[tilespmem:$0x13980] =	vst v63  }
0x136: {  	s22 =	sand.u32 $0x1FFFFFF0, s21;
	s5 =	sadd.s32 s4, s5;
	s24 =	spop (v2sf)  }
0x137: {  	[tilespmem:s17], [sflag:$0x1] =	stream.linear.gather [hbm4b:s5+s13], $0x80, $0x38;
	[tilespmem:$0x13980] =	vst v63  }
0x138: {  	s25 =	sand.u32 $0x1FFFFFF0, s24;
	s26 =	spop (v2sf);
	s0 =	sadd.s32 s4, s22  }
0x139: {  	[tilespmem:s18], [sflag:$0x1] =	stream.linear.gather [hbm4b:s0+s13], $0x80, $0x38;
	[tilespmem:$0x13980] =	vst v63  }
0x13a: {  	s29 =	sadd.s32 $0x8D00, s16;
	s28 =	sand.u32 $0x1FFFFFF0, s26;
	s5 =	sadd.s32 s4, s25  }
0x13b: {  	[tilespmem:s29], [sflag:$0x1] =	stream.linear.gather [hbm4b:s5+s13], $0x80, $0x38;
	[tilespmem:$0x13980] =	vst v63  }
0x13c: {  	s30 =	sadd.s32 $0x8D80, s16;
	s16 =	simm.s32 $0x180;
	s0 =	sadd.s32 s4, s28  }
0x13d: {  	[tilespmem:s30], [sflag:$0x1] =	stream.linear.gather [hbm4b:s0+s13], $0x80, $0x38;
	[tilespmem:$0x13980] =	vst v63  }
0x13e: {  	v2 =	vld [tilespmem:s16+$0x0];
	_ =	sdelay $0x4  }
0x13f: {  	v2 =	vshll.u32 v2, $0x4  }
0x140: {  	(v2sf) =	vpush v2, $0x0  }
0x141: {  	(v2sf) =	vpush v2, $0x1  }
0x142: {  	(v2sf) =	vpush v2, $0x2;
	_ =	sdelay $0x1  }
0x143: {  	(v2sf) =	vpush v2, $0x4;
	_ =	sdelay $0x1  }
0x144: {  	(v2sf) =	vpush v2, $0x3  }
0x145: {  	(v2sf) =	vpush v2, $0x5  }
0x146: {  	s17 =	simm.s32 $0x2000;
	s13 =	simm.s32 $0x0;
	(v2sf) =	vpush v2, $0x6  }
.LBB2_8:
0x147: {  	p0 =	sne.s32 s17, $0xE000  }
0x148: {  	s0 =	sadd.s32 $0xC680, s13;
	s21 =	sadd.s32 $0xCB80, s13;
	s18 =	smov.u32 s17  }
0x149: {  	s17 =	sadd.s32 $0x2000, s17;
	s26 =	sadd.s32 $0xC980, s13;
	s19 =	sadd.s32 $0xCC00, s13;
	(v2sf) =	vpush v2, $0x7  }
0x14a: {  	s29 =	sadd.s32 $0xC880, s13;
	s25 =	sadd.s32 $0xCA00, s13;
	s20 =	sadd.s32 $0xCC80, s13  }
0x14b: {  	s5 =	sadd.s32 $0xC600, s13;
	s6 =	sadd.s32 $0xC800, s13;
	(v2sf) =	vpush v2, $0x8  }
0x14c: {  	s7 =	sadd.s32 $0xC900, s13;
	s16 =	sadd.s32 $0x10, s16  }
0x14d: {  	s8 =	sadd.s32 $0xC700, s13;
	s22 =	sadd.s32 $0xCB00, s13;
	s9 =	spop (v2sf);
	(v2sf) =	vpush v2, $0x9  }
0x14e: {  	s28 =	sadd.s32 $0xCA80, s13;
	s9 =	sand.u32 $0x1FFFFFF0, s9;
	s12 =	spop (v2sf)  }
0x14f: {  	s9 =	sadd.s32 s4, s9;
	s12 =	sand.u32 $0x1FFFFFF0, s12;
	s24 =	spop (v2sf);
	(v2sf) =	vpush v2, $0xA  }
0x150: {  	[tilespmem:s5], [sflag:$0x1] =	stream.linear.gather [hbm4b:s9+s3], $0x80, $0x38;
	[tilespmem:$0x13980] =	vst v63  }
0x151: {  	s5 =	sadd.s32 s4, s12;
	s9 =	sadd.s32 $0xC780, s13;
	s12 =	spop (v2sf);
	(v2sf) =	vpush v2, $0xB  }
0x152: {  	[tilespmem:s0], [sflag:$0x1] =	stream.linear.gather [hbm4b:s5+s3], $0x80, $0x38;
	[tilespmem:$0x13980] =	vst v63  }
0x153: {  	s0 =	sand.u32 $0x1FFFFFF0, s24;
	s5 =	sand.u32 $0x1FFFFFF0, s12;
	s12 =	spop (v2sf);
	(v2sf) =	vpush v2, $0xC  }
0x154: {  	s0 =	sadd.s32 s4, s0;
	s12 =	sand.u32 $0x1FFFFFF0, s12;
	s24 =	spop (v2sf)  }
0x155: {  	[tilespmem:s8], [sflag:$0x1] =	stream.linear.gather [hbm4b:s0+s3], $0x80, $0x38;
	(v2sf) =	vpush v2, $0xD;
	[tilespmem:$0x13980] =	vst v63  }
0x156: {  	s0 =	sadd.s32 s4, s12;
	s8 =	sand.u32 $0x1FFFFFF0, s24;
	s12 =	spop (v2sf)  }
0x157: {  	[tilespmem:s9], [sflag:$0x1] =	stream.linear.gather [hbm4b:s0+s3], $0x80, $0x38;
	(v2sf) =	vpush v2, $0xE;
	[tilespmem:$0x13980] =	vst v63  }
0x158: {  	s0 =	sadd.s32 s4, s5;
	s5 =	sand.u32 $0x1FFFFFF0, s12;
	s9 =	spop (v2sf)  }
0x159: {  	[tilespmem:s6], [sflag:$0x1] =	stream.linear.gather [hbm4b:s0+s3], $0x80, $0x38;
	(v2sf) =	vpush v2, $0xF;
	[tilespmem:$0x13980] =	vst v63  }
0x15a: {  	s0 =	sadd.s32 s4, s8;
	s6 =	sand.u32 $0x1FFFFFF0, s9;
	s8 =	spop (v2sf)  }
0x15b: {  	[tilespmem:s29], [sflag:$0x1] =	stream.linear.gather [hbm4b:s0+s3], $0x80, $0x38;
	[tilespmem:$0x13980] =	vst v63  }
0x15c: {  	s0 =	sadd.s32 s4, s5;
	s5 =	sand.u32 $0x1FFFFFF0, s8;
	s8 =	spop (v2sf)  }
0x15d: {  	[tilespmem:s7], [sflag:$0x1] =	stream.linear.gather [hbm4b:s0+s3], $0x80, $0x38;
	[tilespmem:$0x13980] =	vst v63  }
0x15e: {  	s0 =	sadd.s32 s4, s6;
	s6 =	sand.u32 $0x1FFFFFF0, s8;
	s7 =	spop (v2sf)  }
0x15f: {  	[tilespmem:s26], [sflag:$0x1] =	stream.linear.gather [hbm4b:s0+s3], $0x80, $0x38;
	[tilespmem:$0x13980] =	vst v63  }
0x160: {  	s0 =	sadd.s32 s4, s5;
	s5 =	sand.u32 $0x1FFFFFF0, s7;
	s7 =	spop (v2sf)  }
0x161: {  	[tilespmem:s25], [sflag:$0x1] =	stream.linear.gather [hbm4b:s0+s3], $0x80, $0x38;
	[tilespmem:$0x13980] =	vst v63  }
0x162: {  	s0 =	sadd.s32 s4, s6;
	s6 =	sand.u32 $0x1FFFFFF0, s7;
	s7 =	spop (v2sf)  }
0x163: {  	[tilespmem:s28], [sflag:$0x1] =	stream.linear.gather [hbm4b:s0+s3], $0x80, $0x38;
	[tilespmem:$0x13980] =	vst v63  }
0x164: {  	s0 =	sadd.s32 s4, s5;
	s5 =	sand.u32 $0x1FFFFFF0, s7;
	s7 =	spop (v2sf)  }
0x165: {  	[tilespmem:s22], [sflag:$0x1] =	stream.linear.gather [hbm4b:s0+s3], $0x80, $0x38;
	[tilespmem:$0x13980] =	vst v63  }
0x166: {  	s0 =	sadd.s32 s4, s6;
	s6 =	sand.u32 $0x1FFFFFF0, s7;
	s7 =	spop (v2sf)  }
0x167: {  	[tilespmem:s21], [sflag:$0x1] =	stream.linear.gather [hbm4b:s0+s3], $0x80, $0x38;
	[tilespmem:$0x13980] =	vst v63  }
0x168: {  	s0 =	sadd.s32 s4, s5;
	s5 =	sand.u32 $0x1FFFFFF0, s7;
	s7 =	spop (v2sf)  }
0x169: {  	[tilespmem:s19], [sflag:$0x1] =	stream.linear.gather [hbm4b:s0+s3], $0x80, $0x38;
	[tilespmem:$0x13980] =	vst v63  }
0x16a: {  	s0 =	sadd.s32 s4, s6;
	s6 =	sand.u32 $0x1FFFFFF0, s7  }
0x16b: {  	[tilespmem:s20], [sflag:$0x1] =	stream.linear.gather [hbm4b:s0+s3], $0x80, $0x38;
	[tilespmem:$0x13980] =	vst v63  }
0x16c: {  	s5 =	sadd.s32 s4, s5;
	s0 =	sadd.s32 $0xCD00, s13  }
0x16d: {  	[tilespmem:s0], [sflag:$0x1] =	stream.linear.gather [hbm4b:s5+s3], $0x80, $0x38;
	[tilespmem:$0x13980] =	vst v63  }
0x16e: {  	s0 =	sadd.s32 $0xCD80, s13;
	s5 =	sadd.s32 s4, s6  }
0x16f: {  	[tilespmem:s0], [sflag:$0x1] =	stream.linear.gather [hbm4b:s5+s3], $0x80, $0x38;
	[tilespmem:$0x13980] =	vst v63  }
0x170: {  	v2 =	vld [tilespmem:s16+$0x0];
	_ =	sdelay $0x4  }
0x171: {  	v2 =	vshll.u32 v2, $0x4  }
0x172: {  	(v2sf) =	vpush v2, $0x0  }
0x173: {  	(v2sf) =	vpush v2, $0x1  }
0x174: {  	(v2sf) =	vpush v2, $0x2;
	_ =	sdelay $0x1  }
0x175: {  	(v2sf) =	vpush v2, $0x4  }
.Ltmp3:
0x176: {  	(pc) =	sbr.rel @p0 .LBB2_8-.Ltmp3, $3  }
0x177: {  	(v2sf) =	vpush v2, $0x3  }
0x178: {  	(v2sf) =	vpush v2, $0x5;
	_ =	sdelay $0x1  }
0x179: {  	s13 =	sshra.s32 s18, $0x2;
	(v2sf) =	vpush v2, $0x6  }
0x17a: {  	_ =	sdelay $0x1  }
0x17b: {  	s0 =	sadd.s32 $0xC680, s13;
	s18 =	sadd.s32 $0xCB80, s13  }
0x17c: {  	s5 =	sadd.s32 $0xC980, s13;
	s16 =	sadd.s32 $0xCC00, s13;
	(v2sf) =	vpush v2, $0x7;
	s6 =	sadd.s32 $0xC880, s13  }
0x17d: {  	s7 =	sadd.s32 $0xCA00, s13;
	s17 =	sadd.s32 $0xCC80, s13;
	s8 =	sadd.s32 $0xC600, s13  }
0x17e: {  	s9 =	sadd.s32 $0xC800, s13;
	s12 =	sadd.s32 $0xC900, s13;
	(v2sf) =	vpush v2, $0x8;
	s19 =	spop (v2sf)  }
0x17f: {  	s20 =	sadd.s32 $0xC700, s13;
	s19 =	sand.u32 $0x1FFFFFF0, s19;
	s21 =	spop (v2sf)  }
0x180: {  	(v2sf) =	vpush v2, $0x9;
	s19 =	sadd.s32 s4, s19;
	s21 =	sand.u32 $0x1FFFFFF0, s21;
	s22 =	spop (v2sf)  }
0x181: {  	[tilespmem:s8], [sflag:$0x1] =	stream.linear.gather [hbm4b:s19+s3], $0x80, $0x38;
	[tilespmem:$0x13980] =	vst v63  }
0x182: {  	s24 =	sadd.s32 $0xC780, s13;
	(v2sf) =	vpush v2, $0xA;
	s26 =	sadd.s32 s4, s21;
	s28 =	spop (v2sf)  }
0x183: {  	[tilespmem:s0], [sflag:$0x1] =	stream.linear.gather [hbm4b:s26+s3], $0x80, $0x38;
	[tilespmem:$0x13980] =	vst v63  }
0x184: {  	s8 =	sadd.s32 $0xCB00, s13;
	s29 =	sand.u32 $0x1FFFFFF0, s22;
	(v2sf) =	vpush v2, $0xB;
	s30 =	spop (v2sf)  }
0x185: {  	s19 =	sadd.s32 s4, s29;
	s0 =	sadd.s32 $0xCA80, s13;
	s22 =	sand.u32 $0x1FFFFFF0, s30  }
0x186: {  	(v2sf) =	vpush v2, $0xC;
	[tilespmem:s20], [sflag:$0x1] =	stream.linear.gather [hbm4b:s19+s3], $0x80, $0x38;
	[tilespmem:$0x13980] =	vst v63  }
0x187: {  	s25 =	sand.u32 $0x1FFFFFF0, s28;
	s26 =	spop (v2sf);
	s28 =	sadd.s32 s4, s22  }
0x188: {  	(v2sf) =	vpush v2, $0xD;
	[tilespmem:s24], [sflag:$0x1] =	stream.linear.gather [hbm4b:s28+s3], $0x80, $0x38;
	[tilespmem:$0x13980] =	vst v63  }
0x189: {  	s19 =	sadd.s32 s4, s25;
	s20 =	sand.u32 $0x1FFFFFF0, s26;
	s29 =	spop (v2sf)  }
0x18a: {  	(v2sf) =	vpush v2, $0xE;
	[tilespmem:s9], [sflag:$0x1] =	stream.linear.gather [hbm4b:s19+s3], $0x80, $0x38;
	[tilespmem:$0x13980] =	vst v63  }
0x18b: {  	s20 =	sadd.s32 s4, s20;
	s30 =	sand.u32 $0x1FFFFFF0, s29;
	s21 =	spop (v2sf)  }
0x18c: {  	(v2sf) =	vpush v2, $0xF;
	[tilespmem:s6], [sflag:$0x1] =	stream.linear.gather [hbm4b:s20+s3], $0x80, $0x38;
	[tilespmem:$0x13980] =	vst v63  }
0x18d: {  	s22 =	sand.u32 $0x1FFFFFF0, s21;
	s24 =	spop (v2sf);
	s9 =	sadd.s32 s4, s30  }
0x18e: {  	[tilespmem:s12], [sflag:$0x1] =	stream.linear.gather [hbm4b:s9+s3], $0x80, $0x38;
	[tilespmem:$0x13980] =	vst v63  }
0x18f: {  	s25 =	sand.u32 $0x1FFFFFF0, s24;
	s6 =	sadd.s32 s4, s22;
	s26 =	spop (v2sf)  }
0x190: {  	[tilespmem:s5], [sflag:$0x1] =	stream.linear.gather [hbm4b:s6+s3], $0x80, $0x38;
	[tilespmem:$0x13980] =	vst v63  }
0x191: {  	s9 =	sadd.s32 s4, s25;
	s28 =	sand.u32 $0x1FFFFFF0, s26;
	s29 =	spop (v2sf)  }
0x192: {  	[tilespmem:s7], [sflag:$0x1] =	stream.linear.gather [hbm4b:s9+s3], $0x80, $0x38;
	[tilespmem:$0x13980] =	vst v63  }
0x193: {  	s6 =	sand.u32 $0x1FFFFFF0, s29;
	s5 =	sadd.s32 s4, s28;
	s30 =	spop (v2sf)  }
0x194: {  	[tilespmem:s0], [sflag:$0x1] =	stream.linear.gather [hbm4b:s5+s3], $0x80, $0x38;
	[tilespmem:$0x13980] =	vst v63  }
0x195: {  	s6 =	sadd.s32 s4, s6;
	s7 =	sand.u32 $0x1FFFFFF0, s30;
	s9 =	spop (v2sf)  }
0x196: {  	[tilespmem:s8], [sflag:$0x1] =	stream.linear.gather [hbm4b:s6+s3], $0x80, $0x38;
	[tilespmem:$0x13980] =	vst v63  }
0x197: {  	s0 =	sadd.s32 s4, s7;
	s5 =	sand.u32 $0x1FFFFFF0, s9;
	s12 =	spop (v2sf)  }
0x198: {  	[tilespmem:s18], [sflag:$0x1] =	stream.linear.gather [hbm4b:s0+s3], $0x80, $0x38;
	[tilespmem:$0x13980] =	vst v63  }
0x199: {  	s19 =	sand.u32 $0x1FFFFFF0, s12;
	s5 =	sadd.s32 s4, s5;
	s20 =	spop (v2sf)  }
0x19a: {  	[tilespmem:s16], [sflag:$0x1] =	stream.linear.gather [hbm4b:s5+s3], $0x80, $0x38;
	[tilespmem:$0x13980] =	vst v63  }
0x19b: {  	s21 =	sand.u32 $0x1FFFFFF0, s20;
	s22 =	spop (v2sf);
	s0 =	sadd.s32 s4, s19  }
0x19c: {  	[tilespmem:s17], [sflag:$0x1] =	stream.linear.gather [hbm4b:s0+s3], $0x80, $0x38;
	[tilespmem:$0x13980] =	vst v63  }
0x19d: {  	s25 =	sadd.s32 $0xCD00, s13;
	s24 =	sand.u32 $0x1FFFFFF0, s22;
	s5 =	sadd.s32 s4, s21  }
0x19e: {  	[tilespmem:s25], [sflag:$0x1] =	stream.linear.gather [hbm4b:s5+s3], $0x80, $0x38;
	[tilespmem:$0x13980] =	vst v63  }
0x19f: {  	s26 =	sadd.s32 $0xCD80, s13;
	s0 =	sadd.s32 s4, s24  }
0x1a0: {  	[tilespmem:s26], [sflag:$0x1] =	stream.linear.gather [hbm4b:s0+s3], $0x80, $0x38;
	[tilespmem:$0x13980] =	vst v63  }
0x1a1: {  	s28 =	simm.s32 $0x0;
	s29 =	rddreg [dreg:$0x4];
	s30 =	simm.s32 $0x200  }
0x1a2: {  	[tilespmem:s30], [sflag:$0x3] =	stream.linear.gather [hbm4b:s29+s28], $0x400, $0x38;
	[tilespmem:$0x13980] =	vst v63  }
0x1a3: {  	_ =	swait.ge [sflag:s11], $0x400  }
0x1a4: {  	[sflag:s11] =	ssyncset.done $0x0  }
0x1a5: {  	[sflag:s11] =	ssyncadd.s32 $0xFFFFFC00  }
0x1a6: {  	[tilespmem:$0x10800] =	vst v0  }
0x1a7: {  	[tilespmem:$0x10810] =	vst v0  }
0x1a8: {  	[tilespmem:$0x10820] =	vst v0  }
0x1a9: {  	[tilespmem:$0x10830] =	vst v0  }
0x1aa: {  	[tilespmem:$0x10840] =	vst v0  }
0x1ab: {  	[tilespmem:$0x10850] =	vst v0  }
0x1ac: {  	[tilespmem:$0x10860] =	vst v0  }
0x1ad: {  	s13 =	simm.s32 $0x40;
	s16 =	simm.s32 $0x0;
	s5 =	simm.s32 $0x200;
	[tilespmem:$0x10870] =	vst v0  }
.LBB2_10:
0x1ae: {  	p0 =	sne.s32 s13, $0x61C0;
	[tilespmem:s16+$0x10880] =	vst v1;
	s0 =	smov.u32 s13;
	s13 =	sadd.s32 $0x40, s13  }
.Ltmp4:
0x1af: {  	(pc) =	sbr.rel @p0 .LBB2_10-.Ltmp4, $2  }
0x1b0: {  	_ =	sdelay $0x2  }
0x1b1: {  	s16 =	sshra.s32 s0, $0x2  }
0x1b2: {  	[tilespmem:s16+$0x10880] =	vst v1;
	s0 =	rddreg [dreg:$0x5];
	s6 =	simm.s32 $0x10880  }
0x1b3: {  	[spmem:s0] =	stream.linear.scatter [tilespmem:s6], [sflag:$0x3], $0x1880, $0x38;
	[tilespmem:$0x13980] =	vst v63  }
0x1b4: {  	_ =	swait.ge [sflag:s11], $0x1880  }
0x1b5: {  	[sflag:s11] =	ssyncset.done $0x0  }
0x1b6: {  	[sflag:s11] =	ssyncadd.s32 $0xFFFFE780  }
0x1b7: {  	[bflag:$0x0] =	sbarrier.arrive $0xFFFF  }
0x1b8: {  	[spmem:s2] =	stream.indirect.scatter.add.f32 [tilespmem:s15], [sflag:$0x2], $0x1, s5, s14, $0xb8;
	[tilespmem:$0x13980] =	vst v63  }
0x1b9: {  	s9 =	simm.s32 $0x280  }
0x1ba: {  	[spmem:s2] =	stream.indirect.scatter.add.f32 [tilespmem:s15], [sflag:$0x2], $0x1, s9, s14, $0xb8;
	[tilespmem:$0x13980] =	vst v63  }
0x1bb: {  	s12 =	simm.s32 $0x300  }
0x1bc: {  	[spmem:s2] =	stream.indirect.scatter.add.f32 [tilespmem:s15], [sflag:$0x2], $0x1, s12, s14, $0xb8;
	[tilespmem:$0x13980] =	vst v63  }
0x1bd: {  	s13 =	simm.s32 $0x380  }
0x1be: {  	[spmem:s2] =	stream.indirect.scatter.add.f32 [tilespmem:s15], [sflag:$0x2], $0x1, s13, s14, $0xb8;
	[tilespmem:$0x13980] =	vst v63  }
0x1bf: {  	s16 =	simm.s32 $0x400  }
0x1c0: {  	[spmem:s2] =	stream.indirect.scatter.add.f32 [tilespmem:s15], [sflag:$0x2], $0x1, s16, s14, $0xb8;
	[tilespmem:$0x13980] =	vst v63  }
0x1c1: {  	s17 =	simm.s32 $0x480  }
0x1c2: {  	[spmem:s2] =	stream.indirect.scatter.add.f32 [tilespmem:s15], [sflag:$0x2], $0x1, s17, s14, $0xb8;
	[tilespmem:$0x13980] =	vst v63  }
0x1c3: {  	s18 =	simm.s32 $0x500  }
0x1c4: {  	[spmem:s2] =	stream.indirect.scatter.add.f32 [tilespmem:s15], [sflag:$0x2], $0x1, s18, s14, $0xb8;
	[tilespmem:$0x13980] =	vst v63  }
0x1c5: {  	s19 =	simm.s32 $0x580  }
0x1c6: {  	[spmem:s2] =	stream.indirect.scatter.add.f32 [tilespmem:s15], [sflag:$0x2], $0x1, s19, s14, $0xb8;
	[tilespmem:$0x13980] =	vst v63  }
0x1c7: {  	_ =	swait.ge [sflag:s23], $0x80  }
0x1c8: {  	[sflag:s23] =	ssyncset.done $0x0  }
0x1c9: {  	[sflag:s23] =	ssyncadd.s32 $0xFFFFFF80  }
0x1ca: {  	_ =	swait.ge [sflag:s23], $0x80  }
0x1cb: {  	[sflag:s23] =	ssyncset.done $0x0  }
0x1cc: {  	[sflag:s23] =	ssyncadd.s32 $0xFFFFFF80  }
0x1cd: {  	_ =	swait.ge [sflag:s23], $0x80  }
0x1ce: {  	[sflag:s23] =	ssyncset.done $0x0  }
0x1cf: {  	[sflag:s23] =	ssyncadd.s32 $0xFFFFFF80  }
0x1d0: {  	_ =	swait.ge [sflag:s23], $0x80  }
0x1d1: {  	[sflag:s23] =	ssyncset.done $0x0  }
0x1d2: {  	[sflag:s23] =	ssyncadd.s32 $0xFFFFFF80  }
0x1d3: {  	_ =	swait.ge [sflag:s23], $0x80  }
0x1d4: {  	[sflag:s23] =	ssyncset.done $0x0  }
0x1d5: {  	[sflag:s23] =	ssyncadd.s32 $0xFFFFFF80  }
0x1d6: {  	_ =	swait.ge [sflag:s23], $0x80  }
0x1d7: {  	[sflag:s23] =	ssyncset.done $0x0  }
0x1d8: {  	[sflag:s23] =	ssyncadd.s32 $0xFFFFFF80  }
0x1d9: {  	_ =	swait.ge [sflag:s23], $0x80  }
0x1da: {  	[sflag:s23] =	ssyncset.done $0x0  }
0x1db: {  	[sflag:s23] =	ssyncadd.s32 $0xFFFFFF80  }
0x1dc: {  	_ =	swait.ge [sflag:s23], $0x80  }
0x1dd: {  	[sflag:s23] =	ssyncset.done $0x0  }
0x1de: {  	[sflag:s23] =	ssyncadd.s32 $0xFFFFFF80  }
0x1df: {  	s20 =	simm.s32 $0x10600;
	[bflag:$0x0] =	sbarrier.arrive $0xFFFF  }
0x1e0: {  	[tilespmem:s20], [sflag:$0x2] =	stream.indirect.gather [spmem:s2], $0x1, s3, s14, $0xb8;
	[tilespmem:$0x13980] =	vst v63  }
0x1e1: {  	s21 =	simm.s32 $0x10680  }
0x1e2: {  	[tilespmem:s21], [sflag:$0x2] =	stream.indirect.gather [spmem:s2], $0x1, s14, s14, $0xb8;
	[tilespmem:$0x13980] =	vst v63  }
0x1e3: {  	s22 =	simm.s32 $0x100;
	s24 =	simm.s32 $0x10700  }
0x1e4: {  	[tilespmem:s24], [sflag:$0x2] =	stream.indirect.gather [spmem:s2], $0x1, s22, s14, $0xb8;
	[tilespmem:$0x13980] =	vst v63  }
0x1e5: {  	s25 =	simm.s32 $0x180;
	s26 =	simm.s32 $0x10780  }
0x1e6: {  	[tilespmem:s26], [sflag:$0x2] =	stream.indirect.gather [spmem:s2], $0x1, s25, s14, $0xb8;
	[tilespmem:$0x13980] =	vst v63  }
0x1e7: {  	_ =	swait.ge [sflag:s23], $0x80  }
0x1e8: {  	[sflag:s23] =	ssyncset.done $0x0  }
0x1e9: {  	[sflag:s23] =	ssyncadd.s32 $0xFFFFFF80  }
0x1ea: {  	_ =	swait.ge [sflag:s23], $0x80  }
0x1eb: {  	[sflag:s23] =	ssyncset.done $0x0  }
0x1ec: {  	[sflag:s23] =	ssyncadd.s32 $0xFFFFFF80  }
0x1ed: {  	_ =	swait.ge [sflag:s23], $0x80  }
0x1ee: {  	[sflag:s23] =	ssyncset.done $0x0  }
0x1ef: {  	[sflag:s23] =	ssyncadd.s32 $0xFFFFFF80  }
0x1f0: {  	_ =	swait.ge [sflag:s23], $0x80  }
0x1f1: {  	[sflag:s23] =	ssyncset.done $0x0  }
0x1f2: {  	[sflag:s23] =	ssyncadd.s32 $0xFFFFFF80  }
0x1f3: {  	_ =	swait.ge [sflag:s31], $0x10000  }
0x1f4: {  	[sflag:s31] =	ssyncset.done $0x0  }
0x1f5: {  	s29 =	simm.s32 $0x600;
	s28 =	rddreg [dreg:$0x6];
	[sflag:s31] =	ssyncadd.s32 $0xFFFF0000  }
0x1f6: {  	[hbm4b:s28+s3] =	stream.linear.scatter [tilespmem:s29], [sflag:$0x3], $0x10000, $0x38;
	[tilespmem:$0x13980] =	vst v63  }
0x1f7: {  	s1 =	sadd.s32 $0x1, s1;
	_ =	swait.ge [sflag:s11], $0x10000  }
0x1f8: {  	p0 =	sne.s32 s1, s10;
	[sflag:s11] =	ssyncset.done $0x0  }
.Ltmp5:
0x1f9: {  	s30 =	rddreg [dreg:$0x7];
	[sflag:s11] =	ssyncadd.s32 $0xFFFF0000;
	(pc) =	sbr.rel @p0 .LBB2_1-.Ltmp5, $4  }
0x1fa: {  	[hbm4b:s30+s3] =	stream.linear.scatter [tilespmem:s20], [sflag:$0x3], $0x200, $0x38;
	[tilespmem:$0x13980] =	vst v63  }
0x1fb: {  	_ =	swait.ge [sflag:s11], $0x200  }
0x1fc: {  	[sflag:s11] =	ssyncset.done $0x0  }
0x1fd: {  	[sflag:s11] =	ssyncadd.s32 $0xFFFFFE00  }
0x1fe: {  	_ =	sfence.sel $0x180000  }
0x1ff: {  	[bflag:$0x0] =	sbarrier.arrive $0xFFFF  }
0x200: {  	_ =	strace $0x90000047  }
0x201: {  	s0 =	stileid.u32;
	[bflag:$0x2] =	sbarrier.arrive $0xFFFF  }
0x202: {  	p0 =	sne.s32 s0, $0x0;
	s0 =	rddreg [dreg:$0x2]  }
0x203: {  	s0 =	sadd.s32 @!p0 $0x100000, s0  }
0x204: {  	[sflag:s0] =	ssyncadd.tile.s32 @!p0 $0x1;
	_ =	shalt  }
.Lfunc_end2:
_tile_overlayer_lowered:
.L_overlay_start_2:
0x205: {  	(tag) =	ssettag $0x2  }
0x206: {  	s0 =	rddreg [dreg:$0x0];
	s2 =	stileid.u32  }
0x207: {  	s1 =	rddreg [dreg:$0x1];
	p0 =	sne.s32 s2, $0x0  }
0x208: {  	s3 =	rddreg [dreg:$0x2];
	[bflag:$0x3] =	sbarrier.arrive $0xFFFF;
	s2 =	simm.s32 @!p0 $0x1C03  }
0x209: {  	[timem:s3], [sflag:s2] =	dma.local @!p0 [hbm:s0], s1  }
0x20a: {  	s0 =	simm.s32 @!p0 $0x3  }
0x20b: {  	_ =	swait.ge @!p0 [sflag:s0], s1  }
0x20c: {  	s1 =	ssub.s32 @!p0 $0x0, s1;
	[sflag:s0] =	ssyncset.done @!p0 $0x0  }
0x20d: {  	[sflag:s0] =	ssyncadd.s32 @!p0 s1  }
0x20e: {  	[bflag:$0x3] =	sbarrier.arrive $0xFFFF  }
0x20f: {  	_ =	shalt  }

</sc_bundles>
